<compile_context>
chip_gen: v7x
topology: tpu7x:2x2x1
jax: 0.10.2.dev20260603
libtpu: 0.0.44.dev20260713+nightly
codegen_flags: <defaults>
</compile_context>

<pallas_src>
import functools

import jax
import jax.numpy as jnp
from jax import lax
from jax.experimental import pallas as pl
from jax.experimental.pallas import tpu as pltpu
from jax.experimental.pallas import tpu_sc as plsc

N = 10000
E = 320000
D = 128
DH = D // 2

NC = 2
NS = 16
NW = NC * NS

CH = 128
KD = 80
KS = 160
E_PAD = NW * KD * CH
NP = 10240
RPT = NP // NS
DEGW = 16
NBUF = 4
LOOKAHEAD = 2
KH = KS // 4
NPA = 10112
RPA = NPA // NS

_mesh = lambda: plsc.VectorSubcoreMesh(core_axis_name="c", subcore_axis_name="s")


@functools.partial(
    pl.kernel,
    out_type=jax.ShapeDtypeStruct((NC, NP, DEGW), jnp.float32),
    mesh=_mesh(),
    scratch_types=[
        pltpu.VMEM((KD, CH), jnp.int32),
        pltpu.VMEM((CH, DEGW), jnp.float32),
        pltpu.VMEM((CH, DEGW), jnp.float32),
        pltpu.VMEM_SHARED((NP, DEGW), jnp.float32),
        pltpu.SemaphoreType.DMA,
    ],
    compiler_params=pltpu.CompilerParams(use_tc_tiling_on_sc=False),
)
def _deg_kernel(dst_hbm, out_hbm, idx_v, ones_v, zero_v, deg_sh, sem):
    cid = lax.axis_index("c")
    sid = lax.axis_index("s")
    wid = cid * NS + sid
    one = jnp.full((16,), 1.0, jnp.float32)
    zero = jnp.zeros((16,), jnp.float32)

    def fill(i, _):
        ones_v[i, :] = one
        zero_v[i, :] = zero
        return _

    lax.fori_loop(0, CH, fill, None)

    def zrow(b, _):
        pltpu.sync_copy(zero_v, deg_sh.at[pl.ds(sid * RPT + b * CH, CH)])
        return _

    lax.fori_loop(0, RPT // CH, zrow, None)
    pltpu.sync_copy(dst_hbm.at[pl.ds(wid * KD, KD)], idx_v)
    plsc.subcore_barrier()

    def body(j, _):
        pltpu.async_copy(ones_v, deg_sh.at[idx_v.at[j]], sem, add=True)
        return _

    lax.fori_loop(0, KD, body, None)

    def drain(j, _):
        pltpu.make_async_copy(ones_v, deg_sh.at[idx_v.at[j]], sem).wait()
        return _

    lax.fori_loop(0, KD, drain, None)
    plsc.subcore_barrier()
    pltpu.sync_copy(deg_sh.at[pl.ds(sid * RPT, RPT)],
                    out_hbm.at[cid, pl.ds(sid * RPT, RPT)])


@functools.partial(
    pl.kernel,
    out_type=jax.ShapeDtypeStruct((NC, NPA, DH), jnp.float32),
    mesh=_mesh(),
    scratch_types=[
        pltpu.VMEM((KH, CH), jnp.int32),
        pltpu.VMEM((KH, CH), jnp.int32),
        pltpu.VMEM((NBUF, CH, DH), jnp.float32),
        pltpu.VMEM_SHARED((NPA, DH), jnp.float32),
        pltpu.VMEM_SHARED((NPA, DH), jnp.float32),
        [pltpu.SemaphoreType.DMA] * NBUF,
        [pltpu.SemaphoreType.DMA] * NBUF,
    ],
    compiler_params=pltpu.CompilerParams(use_tc_tiling_on_sc=False),
)
def _scatter_kernel(y2_hbm, src_hbm, dst_hbm, out_hbm,
                    sidx, didx, rows_v, y_sh, acc_sh, gsems, ssems):
    cid = lax.axis_index("c")
    sid = lax.axis_index("s")
    zero = jnp.zeros((16,), jnp.float32)

    pltpu.sync_copy(y2_hbm.at[cid, pl.ds(sid * RPA, RPA)],
                    y_sh.at[pl.ds(sid * RPA, RPA)])

    def fill(i, _):
        for jj in range(DH // 16):
            rows_v[0, i, pl.ds(jj * 16, 16)] = zero
        return _

    lax.fori_loop(0, CH, fill, None)
    for off in (0, 128, 256, 384, RPA - CH):
        pltpu.sync_copy(rows_v.at[0], acc_sh.at[pl.ds(sid * RPA + off, CH)])
    plsc.subcore_barrier()

    def gather(j, b):
        pltpu.async_copy(y_sh.at[sidx.at[j]], rows_v.at[b], gsems[b])

    def gwait(j, b):
        pltpu.make_async_copy(y_sh.at[sidx.at[j]],
                              rows_v.at[b], gsems[b]).wait()

    def scatter(j, b):
        pltpu.async_copy(rows_v.at[b], acc_sh.at[didx.at[j]], ssems[b],
                         add=True)

    def swait(j, b):
        pltpu.make_async_copy(rows_v.at[b], acc_sh.at[didx.at[j]],
                              ssems[b]).wait()

    for p in range(KS // KH):
        pltpu.sync_copy(src_hbm.at[pl.ds(sid * KS + p * KH, KH)], sidx)
        pltpu.sync_copy(dst_hbm.at[pl.ds(sid * KS + p * KH, KH)], didx)

        for b in range(LOOKAHEAD):
            gather(b, b)

        def body(g, _):
            for u in range(NBUF):
                j = g * NBUF + u
                bi = (u + LOOKAHEAD) % NBUF

                @pl.when(j + LOOKAHEAD < KH)
                def _():
                    @pl.when(j + LOOKAHEAD >= NBUF)
                    def _():
                        swait(j + LOOKAHEAD - NBUF, bi)

                    gather(j + LOOKAHEAD, bi)

                gwait(j, u)
                scatter(j, u)
            return _

        lax.fori_loop(0, KH // NBUF, body, None)
        for u in range(NBUF):
            swait(KH - NBUF + u, u)
    plsc.subcore_barrier()
    pltpu.sync_copy(acc_sh.at[pl.ds(sid * RPA, RPA)],
                    out_hbm.at[cid, pl.ds(sid * RPA, RPA)])


def _mm_body(x_ref, ws_ref, wc_ref, b2_ref, xs_ref, xl_ref):
    xb = x_ref[...]
    dnums = (((1,), (1,)), ((), ()))
    xs = lax.dot_general(xb, ws_ref[...], dnums,
                         precision=lax.Precision.HIGHEST,
                         preferred_element_type=jnp.float32)
    xs_ref[...] = xs + b2_ref[...]
    xl_ref[...] = lax.dot_general(xb, wc_ref[...], dnums,
                                  precision=lax.Precision.HIGHEST,
                                  preferred_element_type=jnp.float32)


def _scale_body(xl_ref, degp_ref, y2_ref):
    deg = degp_ref[0, :, 0:1] + degp_ref[1, :, 0:1] + 1.0
    y = xl_ref[...] * lax.rsqrt(deg)
    y2_ref[0] = y[:, :DH]
    y2_ref[1] = y[:, DH:]


def _comb_body(xs_ref, y2_ref, accp_ref, degp_ref, o_ref):
    deg = degp_ref[0, :, 0:1] + degp_ref[1, :, 0:1] + 1.0
    dinv = lax.rsqrt(deg)
    s = accp_ref[...] + y2_ref[...]
    full = jnp.concatenate([s[0], s[1]], axis=1)
    o_ref[...] = xs_ref[...] + dinv * full


def kernel(x, edge_index, n1, n2, W_self, b_self, W_conv, b_conv):
    del n1, n2
    src = edge_index[0]
    dst = edge_index[1]
    pad = E_PAD - E
    src_p = jnp.concatenate(
        [src, jnp.full((pad,), N, jnp.int32)]).reshape(E_PAD // CH, CH)
    dst_p = jnp.concatenate(
        [dst, jnp.full((pad,), N, jnp.int32)]).reshape(E_PAD // CH, CH)
    b2 = (b_self + b_conv).reshape(1, D)

    blk = 2000
    xs, xl = pl.pallas_call(
        _mm_body,
        grid=(N // blk,),
        in_specs=[
            pl.BlockSpec((blk, D), lambda i: (i, 0)),
            pl.BlockSpec((D, D), lambda i: (0, 0)),
            pl.BlockSpec((D, D), lambda i: (0, 0)),
            pl.BlockSpec((1, D), lambda i: (0, 0)),
        ],
        out_specs=[
            pl.BlockSpec((blk, D), lambda i: (i, 0)),
            pl.BlockSpec((blk, D), lambda i: (i, 0)),
        ],
        out_shape=[
            jax.ShapeDtypeStruct((N, D), jnp.float32),
            jax.ShapeDtypeStruct((N, D), jnp.float32),
        ],
    )(x, W_self, W_conv, b2)

    degp = _deg_kernel(dst_p)

    y2 = pl.pallas_call(
        _scale_body,
        grid=(N // blk,),
        in_specs=[
            pl.BlockSpec((blk, D), lambda i: (i, 0)),
            pl.BlockSpec((NC, blk, DEGW), lambda i: (0, i, 0)),
        ],
        out_specs=pl.BlockSpec((NC, blk, DH), lambda i: (0, i, 0)),
        out_shape=jax.ShapeDtypeStruct((NC, NPA, DH), jnp.float32),
    )(xl, degp)

    accp = _scatter_kernel(y2, src_p, dst_p)

    blk2 = 2000
    out = pl.pallas_call(
        _comb_body,
        grid=(N // blk2,),
        in_specs=[
            pl.BlockSpec((blk2, D), lambda i: (i, 0)),
            pl.BlockSpec((NC, blk2, DH), lambda i: (0, i, 0)),
            pl.BlockSpec((NC, blk2, DH), lambda i: (0, i, 0)),
            pl.BlockSpec((NC, blk2, DEGW), lambda i: (0, i, 0)),
        ],
        out_specs=pl.BlockSpec((blk2, D), lambda i: (i, 0)),
        out_shape=jax.ShapeDtypeStruct((N, D), jnp.float32),
    )(xs, y2, accp, degp)
    return out

# --- scband reference (transcript-rebuilt; emitter-appended) ---
"""Pipeline reference for scband-ngmconv-layer-76819785056583 (READ-ONLY COPY).

The authoritative reference and input builder live on the scoring server;
editing this copy changes nothing except your own understanding.
"""

import jax, jax.numpy as jnp
import numpy as np

N_NODES = 10000
N_EDGES = 320000
D_IN = 128
D_OUT = 128


def setup_inputs(seed: int = 0) -> dict:
    key = jax.random.key(seed)
    ks = jax.random.split(key, 8)
    x = jax.random.normal(ks[0], (N_NODES, D_IN), dtype=jnp.float32)
    edge_index = jax.random.randint(ks[1], (2, N_EDGES), 0, N_NODES, dtype=jnp.int32)
    # Learned params: self_loop Linear(in,out) and GCNConv (lin weight, bias)
    s_in = 1.0 / np.sqrt(D_IN)
    W_self = jax.random.uniform(ks[2], (D_OUT, D_IN), dtype=jnp.float32, minval=-s_in, maxval=s_in)
    b_self = jax.random.uniform(ks[3], (D_OUT,), dtype=jnp.float32, minval=-s_in, maxval=s_in)
    W_conv = jax.random.uniform(ks[4], (D_OUT, D_IN), dtype=jnp.float32, minval=-s_in, maxval=s_in)
    b_conv = jnp.zeros((D_OUT,), dtype=jnp.float32)
    return {
        "x": x,
        "edge_index": edge_index,
        "n1": 100,
        "n2": 100,
        "W_self": W_self,
        "b_self": b_self,
        "W_conv": W_conv,
        "b_conv": b_conv,
    }


def reference(x, edge_index, n1, n2, W_self, b_self, W_conv, b_conv):
    # sk_channel == 0 -> classifier/sk path disabled; n1, n2 unused.
    N = x.shape[0]
    # self loop linear
    x_self = x @ W_self.T + b_self
    # GCNConv (PyG semantics: normalize=True, add_self_loops=True)
    x_lin = x @ W_conv.T
    loop = jnp.arange(N, dtype=edge_index.dtype)
    row = jnp.concatenate([edge_index[0], loop])  # src
    col = jnp.concatenate([edge_index[1], loop])  # dst
    deg = jnp.zeros((N,), dtype=x.dtype).at[col].add(jnp.ones_like(col, dtype=x.dtype))
    deg_inv_sqrt = jnp.where(deg > 0, jax.lax.rsqrt(jnp.maximum(deg, 1e-12)), 0.0)
    norm = deg_inv_sqrt[row] * deg_inv_sqrt[col]
    msg = x_lin[row] * norm[:, None]
    x_neigh = jnp.zeros((N, x_lin.shape[1]), dtype=x.dtype).at[col].add(msg)
    x_neigh = x_neigh + b_conv
    return x_self + x_neigh

if __name__ == "__main__":
    import jax
    _d = setup_inputs()
    print(jax.jit(kernel)(*tuple(_d.values())))

</pallas_src>

<mosaic_0001>
#map = affine_map<(d0, d1) -> (0, 0, 0)>
#map1 = affine_map<(d0, d1) -> (0, 0)>
module attributes {stable_mosaic.version = 14 : i64} {
  func.func @_scatter_kernel(%arg0: i32, %arg1: i32, %arg2: memref<2x10112x64xf32, #tpu.memory_space<hbm>>, %arg3: memref<2560x128xi32, #tpu.memory_space<hbm>>, %arg4: memref<2560x128xi32, #tpu.memory_space<hbm>>, %arg5: memref<2x10112x64xf32, #tpu.memory_space<hbm>>, %arg6: memref<40x128xi32, #tpu.memory_space<vmem>>, %arg7: memref<40x128xi32, #tpu.memory_space<vmem>>, %arg8: memref<4x128x64xf32, #tpu.memory_space<vmem>>, %arg9: memref<10112x64xf32, #tpu.memory_space<vmem_shared>>, %arg10: memref<10112x64xf32, #tpu.memory_space<vmem_shared>>, %arg11: memref<!tpu.dma_semaphore, #tpu.memory_space<semaphore_mem>>, %arg12: memref<!tpu.dma_semaphore, #tpu.memory_space<semaphore_mem>>, %arg13: memref<!tpu.dma_semaphore, #tpu.memory_space<semaphore_mem>>, %arg14: memref<!tpu.dma_semaphore, #tpu.memory_space<semaphore_mem>>, %arg15: memref<!tpu.dma_semaphore, #tpu.memory_space<semaphore_mem>>, %arg16: memref<!tpu.dma_semaphore, #tpu.memory_space<semaphore_mem>>, %arg17: memref<!tpu.dma_semaphore, #tpu.memory_space<semaphore_mem>>, %arg18: memref<!tpu.dma_semaphore, #tpu.memory_space<semaphore_mem>>) attributes {dimension_semantics = [#tpu.dimension_semantics<core_parallel>, #tpu.dimension_semantics<subcore_parallel>], iteration_bounds = array<i64: 2, 16>, scalar_prefetch = 0 : i64, scratch_operands = 13 : i64, tpu.core_type = #tpu.core_type<sc_vector_subcore>, window_params = [{transform_indices = #map}, {transform_indices = #map1}, {transform_indices = #map1}, {transform_indices = #map}]} {
    %broadcast_in_dim3A = arith.constant 0.000000e+00 : f32
    %broadcast_in_dim3A_0 = vector.broadcast %broadcast_in_dim3A : f32 to vector<16xf32>
    %mul3A = arith.constant 632 : i32
    %mul3A_1 = arith.muli %arg1, %mul3A : i32
    %mul3A_2 = arith.constant 632 : i32
    %mul3A_3 = arith.muli %arg1, %mul3A_2 : i32
    "tpu.region"() ({
      %run_scoped3A_374 = tpu.sem_alloc : memref<!tpu.dma_semaphore, #tpu.memory_space<semaphore_mem>>
      %dma_start3A_375 = arith.constant 0 : i32
      %dma_start3A_376 = tpu.memref_slice %arg9[%mul3A_3, %dma_start3A_375] : memref<10112x64xf32, #tpu.memory_space<vmem_shared>> -> memref<632x64xf32, #tpu.memory_space<vmem_shared>>
      %dma_start3A_377 = arith.constant 0 : i32
      %dma_start3A_378 = tpu.memref_slice %arg2[%arg0, %mul3A_1, %dma_start3A_377] : memref<2x10112x64xf32, #tpu.memory_space<hbm>> -> memref<1x632x64xf32, #tpu.memory_space<hbm>>
      %dma_start3A_379 = tpu.memref_squeeze %dma_start3A_378 : memref<1x632x64xf32, #tpu.memory_space<hbm>> -> memref<632x64xf32, #tpu.memory_space<hbm>>
      tpu.enqueue_dma source(%dma_start3A_379 : memref<632x64xf32, #tpu.memory_space<hbm>>) target(%dma_start3A_376 : memref<632x64xf32, #tpu.memory_space<vmem_shared>>) target_semaphore(%run_scoped3A_374 : memref<!tpu.dma_semaphore, #tpu.memory_space<semaphore_mem>>)
      %dma_wait3A_380 = arith.constant 0 : i32
      %dma_wait3A_381 = tpu.memref_slice %arg9[%mul3A_3, %dma_wait3A_380] : memref<10112x64xf32, #tpu.memory_space<vmem_shared>> -> memref<632x64xf32, #tpu.memory_space<vmem_shared>>
      %dma_wait3A_382 = arith.constant 0 : i32
      %dma_wait3A_383 = tpu.memref_slice %arg2[%arg0, %mul3A_1, %dma_wait3A_382] : memref<2x10112x64xf32, #tpu.memory_space<hbm>> -> memref<1x632x64xf32, #tpu.memory_space<hbm>>
      %dma_wait3A_384 = tpu.memref_squeeze %dma_wait3A_383 : memref<1x632x64xf32, #tpu.memory_space<hbm>> -> memref<632x64xf32, #tpu.memory_space<hbm>>
      tpu.wait_dma2 semaphore(%run_scoped3A_374 : memref<!tpu.dma_semaphore, #tpu.memory_space<semaphore_mem>>) src(%dma_wait3A_384 : memref<632x64xf32, #tpu.memory_space<hbm>>) dst(%dma_wait3A_381 : memref<632x64xf32, #tpu.memory_space<vmem_shared>>)
      tpu.yield
    }) : () -> ()
    %scan3A = arith.constant 0 : i32
    %scan3A_4 = arith.constant 128 : i32
    %scan3A_5 = arith.addi %scan3A, %scan3A_4 : i32
    %scan3A_6 = arith.constant 1 : i32
    scf.for %scan3A_374 = %scan3A to %scan3A_5 step %scan3A_6  : i32 {
      %swap3A = arith.constant 0 : i32
      %swap3A_375 = arith.index_cast %swap3A : i32 to index
      %swap3A_376 = arith.index_cast %scan3A_374 : i32 to index
      %swap3A_377 = arith.constant 0 : index
      %swap3A_378 = tpu.vector_load %arg8[%swap3A_375, %swap3A_376, %swap3A_377] {strides = array<i32>} : memref<4x128x64xf32, #tpu.memory_space<vmem>>, vector<1x1x16xf32>,
      %swap3A_379 = vector.shape_cast %swap3A_378 : vector<1x1x16xf32> to vector<16xf32>
      %swap3A_380 = vector.shape_cast %broadcast_in_dim3A_0 : vector<16xf32> to vector<1x1x16xf32>
      tpu.vector_store %arg8[%swap3A_375, %swap3A_376, %swap3A_377], %swap3A_380 {strides = array<i32>} : memref<4x128x64xf32, #tpu.memory_space<vmem>>, vector<1x1x16xf32>,
      %swap3A_381 = arith.constant 0 : i32
      %swap3A_382 = arith.index_cast %swap3A_381 : i32 to index
      %swap3A_383 = arith.index_cast %scan3A_374 : i32 to index
      %swap3A_384 = arith.constant 16 : index
      %swap3A_385 = tpu.vector_load %arg8[%swap3A_382, %swap3A_383, %swap3A_384] {strides = array<i32>} : memref<4x128x64xf32, #tpu.memory_space<vmem>>, vector<1x1x16xf32>,
      %swap3A_386 = vector.shape_cast %swap3A_385 : vector<1x1x16xf32> to vector<16xf32>
      %swap3A_387 = vector.shape_cast %broadcast_in_dim3A_0 : vector<16xf32> to vector<1x1x16xf32>
      tpu.vector_store %arg8[%swap3A_382, %swap3A_383, %swap3A_384], %swap3A_387 {strides = array<i32>} : memref<4x128x64xf32, #tpu.memory_space<vmem>>, vector<1x1x16xf32>,
      %swap3A_388 = arith.constant 0 : i32
      %swap3A_389 = arith.index_cast %swap3A_388 : i32 to index
      %swap3A_390 = arith.index_cast %scan3A_374 : i32 to index
      %swap3A_391 = arith.constant 32 : index
      %swap3A_392 = tpu.vector_load %arg8[%swap3A_389, %swap3A_390, %swap3A_391] {strides = array<i32>} : memref<4x128x64xf32, #tpu.memory_space<vmem>>, vector<1x1x16xf32>,
      %swap3A_393 = vector.shape_cast %swap3A_392 : vector<1x1x16xf32> to vector<16xf32>
      %swap3A_394 = vector.shape_cast %broadcast_in_dim3A_0 : vector<16xf32> to vector<1x1x16xf32>
      tpu.vector_store %arg8[%swap3A_389, %swap3A_390, %swap3A_391], %swap3A_394 {strides = array<i32>} : memref<4x128x64xf32, #tpu.memory_space<vmem>>, vector<1x1x16xf32>,
      %swap3A_395 = arith.constant 0 : i32
      %swap3A_396 = arith.index_cast %swap3A_395 : i32 to index
      %swap3A_397 = arith.index_cast %scan3A_374 : i32 to index
      %swap3A_398 = arith.constant 48 : index
      %swap3A_399 = tpu.vector_load %arg8[%swap3A_396, %swap3A_397, %swap3A_398] {strides = array<i32>} : memref<4x128x64xf32, #tpu.memory_space<vmem>>, vector<1x1x16xf32>,
      %swap3A_400 = vector.shape_cast %swap3A_399 : vector<1x1x16xf32> to vector<16xf32>
      %swap3A_401 = vector.shape_cast %broadcast_in_dim3A_0 : vector<16xf32> to vector<1x1x16xf32>
      tpu.vector_store %arg8[%swap3A_396, %swap3A_397, %swap3A_398], %swap3A_401 {strides = array<i32>} : memref<4x128x64xf32, #tpu.memory_space<vmem>>, vector<1x1x16xf32>,
    }
    %scan3A_7 = arith.constant 128 : i32
    %mul3A_8 = arith.constant 632 : i32
    %mul3A_9 = arith.muli %arg1, %mul3A_8 : i32
    %add3A = arith.constant 0 : i32
    %add3A_10 = arith.addi %mul3A_9, %add3A : i32
    %run_scoped3A = arith.constant 0 : i32
    "tpu.region"() ({
      %run_scoped3A_374 = tpu.sem_alloc : memref<!tpu.dma_semaphore, #tpu.memory_space<semaphore_mem>>
      %dma_start3A_375 = arith.constant 0 : i32
      %dma_start3A_376 = arith.constant 0 : i32
      %dma_start3A_377 = tpu.memref_slice %arg8[%run_scoped3A, %dma_start3A_375, %dma_start3A_376] : memref<4x128x64xf32, #tpu.memory_space<vmem>> -> memref<1x128x64xf32, #tpu.memory_space<vmem>>
      %dma_start3A_378 = tpu.memref_squeeze %dma_start3A_377 : memref<1x128x64xf32, #tpu.memory_space<vmem>> -> memref<128x64xf32, #tpu.memory_space<vmem>>
      %dma_start3A_379 = arith.constant 0 : i32
      %dma_start3A_380 = tpu.memref_slice %arg10[%add3A_10, %dma_start3A_379] : memref<10112x64xf32, #tpu.memory_space<vmem_shared>> -> memref<128x64xf32, #tpu.memory_space<vmem_shared>>
      %dma_start3A_381 = arith.constant 0 : i32
      %dma_start3A_382 = tpu.memref_slice %arg10[%add3A_10, %dma_start3A_381] : memref<10112x64xf32, #tpu.memory_space<vmem_shared>> -> memref<128x64xf32, #tpu.memory_space<vmem_shared>>
      %dma_start3A_383 = arith.constant 0 : i32
      %dma_start3A_384 = arith.constant 0 : i32
      %dma_start3A_385 = tpu.memref_slice %arg8[%run_scoped3A, %dma_start3A_383, %dma_start3A_384] : memref<4x128x64xf32, #tpu.memory_space<vmem>> -> memref<1x128x64xf32, #tpu.memory_space<vmem>>
      %dma_start3A_386 = tpu.memref_squeeze %dma_start3A_385 : memref<1x128x64xf32, #tpu.memory_space<vmem>> -> memref<128x64xf32, #tpu.memory_space<vmem>>
      tpu.enqueue_dma source(%dma_start3A_386 : memref<128x64xf32, #tpu.memory_space<vmem>>) target(%dma_start3A_382 : memref<128x64xf32, #tpu.memory_space<vmem_shared>>) target_semaphore(%run_scoped3A_374 : memref<!tpu.dma_semaphore, #tpu.memory_space<semaphore_mem>>)
      %dma_wait3A_387 = arith.constant 0 : i32
      %dma_wait3A_388 = arith.constant 0 : i32
      %dma_wait3A_389 = tpu.memref_slice %arg8[%run_scoped3A, %dma_wait3A_387, %dma_wait3A_388] : memref<4x128x64xf32, #tpu.memory_space<vmem>> -> memref<1x128x64xf32, #tpu.memory_space<vmem>>
      %dma_wait3A_390 = tpu.memref_squeeze %dma_wait3A_389 : memref<1x128x64xf32, #tpu.memory_space<vmem>> -> memref<128x64xf32, #tpu.memory_space<vmem>>
      %dma_wait3A_391 = arith.constant 0 : i32
      %dma_wait3A_392 = tpu.memref_slice %arg10[%add3A_10, %dma_wait3A_391] : memref<10112x64xf32, #tpu.memory_space<vmem_shared>> -> memref<128x64xf32, #tpu.memory_space<vmem_shared>>
      %dma_wait3A_393 = arith.constant 0 : i32
      %dma_wait3A_394 = tpu.memref_slice %arg10[%add3A_10, %dma_wait3A_393] : memref<10112x64xf32, #tpu.memory_space<vmem_shared>> -> memref<128x64xf32, #tpu.memory_space<vmem_shared>>
      %dma_wait3A_395 = arith.constant 0 : i32
      %dma_wait3A_396 = arith.constant 0 : i32
      %dma_wait3A_397 = tpu.memref_slice %arg8[%run_scoped3A, %dma_wait3A_395, %dma_wait3A_396] : memref<4x128x64xf32, #tpu.memory_space<vmem>> -> memref<1x128x64xf32, #tpu.memory_space<vmem>>
      %dma_wait3A_398 = tpu.memref_squeeze %dma_wait3A_397 : memref<1x128x64xf32, #tpu.memory_space<vmem>> -> memref<128x64xf32, #tpu.memory_space<vmem>>
      tpu.wait_dma2 semaphore(%run_scoped3A_374 : memref<!tpu.dma_semaphore, #tpu.memory_space<semaphore_mem>>) src(%dma_wait3A_398 : memref<128x64xf32, #tpu.memory_space<vmem>>) dst(%dma_wait3A_394 : memref<128x64xf32, #tpu.memory_space<vmem_shared>>)
      tpu.yield
    }) : () -> ()
    %mul3A_11 = arith.constant 632 : i32
    %mul3A_12 = arith.muli %arg1, %mul3A_11 : i32
    %add3A_13 = arith.constant 128 : i32
    %add3A_14 = arith.addi %mul3A_12, %add3A_13 : i32
    %run_scoped3A_15 = arith.constant 0 : i32
    "tpu.region"() ({
      %run_scoped3A_374 = tpu.sem_alloc : memref<!tpu.dma_semaphore, #tpu.memory_space<semaphore_mem>>
      %dma_start3A_375 = arith.constant 0 : i32
      %dma_start3A_376 = arith.constant 0 : i32
      %dma_start3A_377 = tpu.memref_slice %arg8[%run_scoped3A_15, %dma_start3A_375, %dma_start3A_376] : memref<4x128x64xf32, #tpu.memory_space<vmem>> -> memref<1x128x64xf32, #tpu.memory_space<vmem>>
      %dma_start3A_378 = tpu.memref_squeeze %dma_start3A_377 : memref<1x128x64xf32, #tpu.memory_space<vmem>> -> memref<128x64xf32, #tpu.memory_space<vmem>>
      %dma_start3A_379 = arith.constant 0 : i32
      %dma_start3A_380 = tpu.memref_slice %arg10[%add3A_14, %dma_start3A_379] : memref<10112x64xf32, #tpu.memory_space<vmem_shared>> -> memref<128x64xf32, #tpu.memory_space<vmem_shared>>
      %dma_start3A_381 = arith.constant 0 : i32
      %dma_start3A_382 = tpu.memref_slice %arg10[%add3A_14, %dma_start3A_381] : memref<10112x64xf32, #tpu.memory_space<vmem_shared>> -> memref<128x64xf32, #tpu.memory_space<vmem_shared>>
      %dma_start3A_383 = arith.constant 0 : i32
      %dma_start3A_384 = arith.constant 0 : i32
      %dma_start3A_385 = tpu.memref_slice %arg8[%run_scoped3A_15, %dma_start3A_383, %dma_start3A_384] : memref<4x128x64xf32, #tpu.memory_space<vmem>> -> memref<1x128x64xf32, #tpu.memory_space<vmem>>
      %dma_start3A_386 = tpu.memref_squeeze %dma_start3A_385 : memref<1x128x64xf32, #tpu.memory_space<vmem>> -> memref<128x64xf32, #tpu.memory_space<vmem>>
      tpu.enqueue_dma source(%dma_start3A_386 : memref<128x64xf32, #tpu.memory_space<vmem>>) target(%dma_start3A_382 : memref<128x64xf32, #tpu.memory_space<vmem_shared>>) target_semaphore(%run_scoped3A_374 : memref<!tpu.dma_semaphore, #tpu.memory_space<semaphore_mem>>)
      %dma_wait3A_387 = arith.constant 0 : i32
      %dma_wait3A_388 = arith.constant 0 : i32
      %dma_wait3A_389 = tpu.memref_slice %arg8[%run_scoped3A_15, %dma_wait3A_387, %dma_wait3A_388] : memref<4x128x64xf32, #tpu.memory_space<vmem>> -> memref<1x128x64xf32, #tpu.memory_space<vmem>>
      %dma_wait3A_390 = tpu.memref_squeeze %dma_wait3A_389 : memref<1x128x64xf32, #tpu.memory_space<vmem>> -> memref<128x64xf32, #tpu.memory_space<vmem>>
      %dma_wait3A_391 = arith.constant 0 : i32
      %dma_wait3A_392 = tpu.memref_slice %arg10[%add3A_14, %dma_wait3A_391] : memref<10112x64xf32, #tpu.memory_space<vmem_shared>> -> memref<128x64xf32, #tpu.memory_space<vmem_shared>>
      %dma_wait3A_393 = arith.constant 0 : i32
      %dma_wait3A_394 = tpu.memref_slice %arg10[%add3A_14, %dma_wait3A_393] : memref<10112x64xf32, #tpu.memory_space<vmem_shared>> -> memref<128x64xf32, #tpu.memory_space<vmem_shared>>
      %dma_wait3A_395 = arith.constant 0 : i32
      %dma_wait3A_396 = arith.constant 0 : i32
      %dma_wait3A_397 = tpu.memref_slice %arg8[%run_scoped3A_15, %dma_wait3A_395, %dma_wait3A_396] : memref<4x128x64xf32, #tpu.memory_space<vmem>> -> memref<1x128x64xf32, #tpu.memory_space<vmem>>
      %dma_wait3A_398 = tpu.memref_squeeze %dma_wait3A_397 : memref<1x128x64xf32, #tpu.memory_space<vmem>> -> memref<128x64xf32, #tpu.memory_space<vmem>>
      tpu.wait_dma2 semaphore(%run_scoped3A_374 : memref<!tpu.dma_semaphore, #tpu.memory_space<semaphore_mem>>) src(%dma_wait3A_398 : memref<128x64xf32, #tpu.memory_space<vmem>>) dst(%dma_wait3A_394 : memref<128x64xf32, #tpu.memory_space<vmem_shared>>)
      tpu.yield
    }) : () -> ()
    %mul3A_16 = arith.constant 632 : i32
    %mul3A_17 = arith.muli %arg1, %mul3A_16 : i32
    %add3A_18 = arith.constant 256 : i32
    %add3A_19 = arith.addi %mul3A_17, %add3A_18 : i32
    %run_scoped3A_20 = arith.constant 0 : i32
    "tpu.region"() ({
      %run_scoped3A_374 = tpu.sem_alloc : memref<!tpu.dma_semaphore, #tpu.memory_space<semaphore_mem>>
      %dma_start3A_375 = arith.constant 0 : i32
      %dma_start3A_376 = arith.constant 0 : i32
      %dma_start3A_377 = tpu.memref_slice %arg8[%run_scoped3A_20, %dma_start3A_375, %dma_start3A_376] : memref<4x128x64xf32, #tpu.memory_space<vmem>> -> memref<1x128x64xf32, #tpu.memory_space<vmem>>
      %dma_start3A_378 = tpu.memref_squeeze %dma_start3A_377 : memref<1x128x64xf32, #tpu.memory_space<vmem>> -> memref<128x64xf32, #tpu.memory_space<vmem>>
      %dma_start3A_379 = arith.constant 0 : i32
      %dma_start3A_380 = tpu.memref_slice %arg10[%add3A_19, %dma_start3A_379] : memref<10112x64xf32, #tpu.memory_space<vmem_shared>> -> memref<128x64xf32, #tpu.memory_space<vmem_shared>>
      %dma_start3A_381 = arith.constant 0 : i32
      %dma_start3A_382 = tpu.memref_slice %arg10[%add3A_19, %dma_start3A_381] : memref<10112x64xf32, #tpu.memory_space<vmem_shared>> -> memref<128x64xf32, #tpu.memory_space<vmem_shared>>
      %dma_start3A_383 = arith.constant 0 : i32
      %dma_start3A_384 = arith.constant 0 : i32
      %dma_start3A_385 = tpu.memref_slice %arg8[%run_scoped3A_20, %dma_start3A_383, %dma_start3A_384] : memref<4x128x64xf32, #tpu.memory_space<vmem>> -> memref<1x128x64xf32, #tpu.memory_space<vmem>>
      %dma_start3A_386 = tpu.memref_squeeze %dma_start3A_385 : memref<1x128x64xf32, #tpu.memory_space<vmem>> -> memref<128x64xf32, #tpu.memory_space<vmem>>
      tpu.enqueue_dma source(%dma_start3A_386 : memref<128x64xf32, #tpu.memory_space<vmem>>) target(%dma_start3A_382 : memref<128x64xf32, #tpu.memory_space<vmem_shared>>) target_semaphore(%run_scoped3A_374 : memref<!tpu.dma_semaphore, #tpu.memory_space<semaphore_mem>>)
      %dma_wait3A_387 = arith.constant 0 : i32
      %dma_wait3A_388 = arith.constant 0 : i32
      %dma_wait3A_389 = tpu.memref_slice %arg8[%run_scoped3A_20, %dma_wait3A_387, %dma_wait3A_388] : memref<4x128x64xf32, #tpu.memory_space<vmem>> -> memref<1x128x64xf32, #tpu.memory_space<vmem>>
      %dma_wait3A_390 = tpu.memref_squeeze %dma_wait3A_389 : memref<1x128x64xf32, #tpu.memory_space<vmem>> -> memref<128x64xf32, #tpu.memory_space<vmem>>
      %dma_wait3A_391 = arith.constant 0 : i32
      %dma_wait3A_392 = tpu.memref_slice %arg10[%add3A_19, %dma_wait3A_391] : memref<10112x64xf32, #tpu.memory_space<vmem_shared>> -> memref<128x64xf32, #tpu.memory_space<vmem_shared>>
      %dma_wait3A_393 = arith.constant 0 : i32
      %dma_wait3A_394 = tpu.memref_slice %arg10[%add3A_19, %dma_wait3A_393] : memref<10112x64xf32, #tpu.memory_space<vmem_shared>> -> memref<128x64xf32, #tpu.memory_space<vmem_shared>>
      %dma_wait3A_395 = arith.constant 0 : i32
      %dma_wait3A_396 = arith.constant 0 : i32
      %dma_wait3A_397 = tpu.memref_slice %arg8[%run_scoped3A_20, %dma_wait3A_395, %dma_wait3A_396] : memref<4x128x64xf32, #tpu.memory_space<vmem>> -> memref<1x128x64xf32, #tpu.memory_space<vmem>>
      %dma_wait3A_398 = tpu.memref_squeeze %dma_wait3A_397 : memref<1x128x64xf32, #tpu.memory_space<vmem>> -> memref<128x64xf32, #tpu.memory_space<vmem>>
      tpu.wait_dma2 semaphore(%run_scoped3A_374 : memref<!tpu.dma_semaphore, #tpu.memory_space<semaphore_mem>>) src(%dma_wait3A_398 : memref<128x64xf32, #tpu.memory_space<vmem>>) dst(%dma_wait3A_394 : memref<128x64xf32, #tpu.memory_space<vmem_shared>>)
      tpu.yield
    }) : () -> ()
    %mul3A_21 = arith.constant 632 : i32
    %mul3A_22 = arith.muli %arg1, %mul3A_21 : i32
    %add3A_23 = arith.constant 384 : i32
    %add3A_24 = arith.addi %mul3A_22, %add3A_23 : i32
    %run_scoped3A_25 = arith.constant 0 : i32
    "tpu.region"() ({
      %run_scoped3A_374 = tpu.sem_alloc : memref<!tpu.dma_semaphore, #tpu.memory_space<semaphore_mem>>
      %dma_start3A_375 = arith.constant 0 : i32
      %dma_start3A_376 = arith.constant 0 : i32
      %dma_start3A_377 = tpu.memref_slice %arg8[%run_scoped3A_25, %dma_start3A_375, %dma_start3A_376] : memref<4x128x64xf32, #tpu.memory_space<vmem>> -> memref<1x128x64xf32, #tpu.memory_space<vmem>>
      %dma_start3A_378 = tpu.memref_squeeze %dma_start3A_377 : memref<1x128x64xf32, #tpu.memory_space<vmem>> -> memref<128x64xf32, #tpu.memory_space<vmem>>
      %dma_start3A_379 = arith.constant 0 : i32
      %dma_start3A_380 = tpu.memref_slice %arg10[%add3A_24, %dma_start3A_379] : memref<10112x64xf32, #tpu.memory_space<vmem_shared>> -> memref<128x64xf32, #tpu.memory_space<vmem_shared>>
      %dma_start3A_381 = arith.constant 0 : i32
      %dma_start3A_382 = tpu.memref_slice %arg10[%add3A_24, %dma_start3A_381] : memref<10112x64xf32, #tpu.memory_space<vmem_shared>> -> memref<128x64xf32, #tpu.memory_space<vmem_shared>>
      %dma_start3A_383 = arith.constant 0 : i32
      %dma_start3A_384 = arith.constant 0 : i32
      %dma_start3A_385 = tpu.memref_slice %arg8[%run_scoped3A_25, %dma_start3A_383, %dma_start3A_384] : memref<4x128x64xf32, #tpu.memory_space<vmem>> -> memref<1x128x64xf32, #tpu.memory_space<vmem>>
      %dma_start3A_386 = tpu.memref_squeeze %dma_start3A_385 : memref<1x128x64xf32, #tpu.memory_space<vmem>> -> memref<128x64xf32, #tpu.memory_space<vmem>>
      tpu.enqueue_dma source(%dma_start3A_386 : memref<128x64xf32, #tpu.memory_space<vmem>>) target(%dma_start3A_382 : memref<128x64xf32, #tpu.memory_space<vmem_shared>>) target_semaphore(%run_scoped3A_374 : memref<!tpu.dma_semaphore, #tpu.memory_space<semaphore_mem>>)
      %dma_wait3A_387 = arith.constant 0 : i32
      %dma_wait3A_388 = arith.constant 0 : i32
      %dma_wait3A_389 = tpu.memref_slice %arg8[%run_scoped3A_25, %dma_wait3A_387, %dma_wait3A_388] : memref<4x128x64xf32, #tpu.memory_space<vmem>> -> memref<1x128x64xf32, #tpu.memory_space<vmem>>
      %dma_wait3A_390 = tpu.memref_squeeze %dma_wait3A_389 : memref<1x128x64xf32, #tpu.memory_space<vmem>> -> memref<128x64xf32, #tpu.memory_space<vmem>>
      %dma_wait3A_391 = arith.constant 0 : i32
      %dma_wait3A_392 = tpu.memref_slice %arg10[%add3A_24, %dma_wait3A_391] : memref<10112x64xf32, #tpu.memory_space<vmem_shared>> -> memref<128x64xf32, #tpu.memory_space<vmem_shared>>
      %dma_wait3A_393 = arith.constant 0 : i32
      %dma_wait3A_394 = tpu.memref_slice %arg10[%add3A_24, %dma_wait3A_393] : memref<10112x64xf32, #tpu.memory_space<vmem_shared>> -> memref<128x64xf32, #tpu.memory_space<vmem_shared>>
      %dma_wait3A_395 = arith.constant 0 : i32
      %dma_wait3A_396 = arith.constant 0 : i32
      %dma_wait3A_397 = tpu.memref_slice %arg8[%run_scoped3A_25, %dma_wait3A_395, %dma_wait3A_396] : memref<4x128x64xf32, #tpu.memory_space<vmem>> -> memref<1x128x64xf32, #tpu.memory_space<vmem>>
      %dma_wait3A_398 = tpu.memref_squeeze %dma_wait3A_397 : memref<1x128x64xf32, #tpu.memory_space<vmem>> -> memref<128x64xf32, #tpu.memory_space<vmem>>
      tpu.wait_dma2 semaphore(%run_scoped3A_374 : memref<!tpu.dma_semaphore, #tpu.memory_space<semaphore_mem>>) src(%dma_wait3A_398 : memref<128x64xf32, #tpu.memory_space<vmem>>) dst(%dma_wait3A_394 : memref<128x64xf32, #tpu.memory_space<vmem_shared>>)
      tpu.yield
    }) : () -> ()
    %mul3A_26 = arith.constant 632 : i32
    %mul3A_27 = arith.muli %arg1, %mul3A_26 : i32
    %add3A_28 = arith.constant 504 : i32
    %add3A_29 = arith.addi %mul3A_27, %add3A_28 : i32
    %run_scoped3A_30 = arith.constant 0 : i32
    "tpu.region"() ({
      %run_scoped3A_374 = tpu.sem_alloc : memref<!tpu.dma_semaphore, #tpu.memory_space<semaphore_mem>>
      %dma_start3A_375 = arith.constant 0 : i32
      %dma_start3A_376 = arith.constant 0 : i32
      %dma_start3A_377 = tpu.memref_slice %arg8[%run_scoped3A_30, %dma_start3A_375, %dma_start3A_376] : memref<4x128x64xf32, #tpu.memory_space<vmem>> -> memref<1x128x64xf32, #tpu.memory_space<vmem>>
      %dma_start3A_378 = tpu.memref_squeeze %dma_start3A_377 : memref<1x128x64xf32, #tpu.memory_space<vmem>> -> memref<128x64xf32, #tpu.memory_space<vmem>>
      %dma_start3A_379 = arith.constant 0 : i32
      %dma_start3A_380 = tpu.memref_slice %arg10[%add3A_29, %dma_start3A_379] : memref<10112x64xf32, #tpu.memory_space<vmem_shared>> -> memref<128x64xf32, #tpu.memory_space<vmem_shared>>
      %dma_start3A_381 = arith.constant 0 : i32
      %dma_start3A_382 = tpu.memref_slice %arg10[%add3A_29, %dma_start3A_381] : memref<10112x64xf32, #tpu.memory_space<vmem_shared>> -> memref<128x64xf32, #tpu.memory_space<vmem_shared>>
      %dma_start3A_383 = arith.constant 0 : i32
      %dma_start3A_384 = arith.constant 0 : i32
      %dma_start3A_385 = tpu.memref_slice %arg8[%run_scoped3A_30, %dma_start3A_383, %dma_start3A_384] : memref<4x128x64xf32, #tpu.memory_space<vmem>> -> memref<1x128x64xf32, #tpu.memory_space<vmem>>
      %dma_start3A_386 = tpu.memref_squeeze %dma_start3A_385 : memref<1x128x64xf32, #tpu.memory_space<vmem>> -> memref<128x64xf32, #tpu.memory_space<vmem>>
      tpu.enqueue_dma source(%dma_start3A_386 : memref<128x64xf32, #tpu.memory_space<vmem>>) target(%dma_start3A_382 : memref<128x64xf32, #tpu.memory_space<vmem_shared>>) target_semaphore(%run_scoped3A_374 : memref<!tpu.dma_semaphore, #tpu.memory_space<semaphore_mem>>)
      %dma_wait3A_387 = arith.constant 0 : i32
      %dma_wait3A_388 = arith.constant 0 : i32
      %dma_wait3A_389 = tpu.memref_slice %arg8[%run_scoped3A_30, %dma_wait3A_387, %dma_wait3A_388] : memref<4x128x64xf32, #tpu.memory_space<vmem>> -> memref<1x128x64xf32, #tpu.memory_space<vmem>>
      %dma_wait3A_390 = tpu.memref_squeeze %dma_wait3A_389 : memref<1x128x64xf32, #tpu.memory_space<vmem>> -> memref<128x64xf32, #tpu.memory_space<vmem>>
      %dma_wait3A_391 = arith.constant 0 : i32
      %dma_wait3A_392 = tpu.memref_slice %arg10[%add3A_29, %dma_wait3A_391] : memref<10112x64xf32, #tpu.memory_space<vmem_shared>> -> memref<128x64xf32, #tpu.memory_space<vmem_shared>>
      %dma_wait3A_393 = arith.constant 0 : i32
      %dma_wait3A_394 = tpu.memref_slice %arg10[%add3A_29, %dma_wait3A_393] : memref<10112x64xf32, #tpu.memory_space<vmem_shared>> -> memref<128x64xf32, #tpu.memory_space<vmem_shared>>
      %dma_wait3A_395 = arith.constant 0 : i32
      %dma_wait3A_396 = arith.constant 0 : i32
      %dma_wait3A_397 = tpu.memref_slice %arg8[%run_scoped3A_30, %dma_wait3A_395, %dma_wait3A_396] : memref<4x128x64xf32, #tpu.memory_space<vmem>> -> memref<1x128x64xf32, #tpu.memory_space<vmem>>
      %dma_wait3A_398 = tpu.memref_squeeze %dma_wait3A_397 : memref<1x128x64xf32, #tpu.memory_space<vmem>> -> memref<128x64xf32, #tpu.memory_space<vmem>>
      tpu.wait_dma2 semaphore(%run_scoped3A_374 : memref<!tpu.dma_semaphore, #tpu.memory_space<semaphore_mem>>) src(%dma_wait3A_398 : memref<128x64xf32, #tpu.memory_space<vmem>>) dst(%dma_wait3A_394 : memref<128x64xf32, #tpu.memory_space<vmem_shared>>)
      tpu.yield
    }) : () -> ()
    %barrier3A = arith.constant 0 : index
    tpu.barrier barrier_id(%barrier3A)
    %mul3A_31 = arith.constant 160 : i32
    %mul3A_32 = arith.muli %arg1, %mul3A_31 : i32
    %add3A_33 = arith.constant 0 : i32
    %add3A_34 = arith.addi %mul3A_32, %add3A_33 : i32
    "tpu.region"() ({
      %run_scoped3A_374 = tpu.sem_alloc : memref<!tpu.dma_semaphore, #tpu.memory_space<semaphore_mem>>
      %dma_start3A_375 = arith.constant 0 : i32
      %dma_start3A_376 = tpu.memref_slice %arg3[%add3A_34, %dma_start3A_375] : memref<2560x128xi32, #tpu.memory_space<hbm>> -> memref<40x128xi32, #tpu.memory_space<hbm>>
      %dma_start3A_377 = arith.constant 0 : i32
      %dma_start3A_378 = tpu.memref_slice %arg3[%add3A_34, %dma_start3A_377] : memref<2560x128xi32, #tpu.memory_space<hbm>> -> memref<40x128xi32, #tpu.memory_space<hbm>>
      tpu.enqueue_dma source(%dma_start3A_378 : memref<40x128xi32, #tpu.memory_space<hbm>>) target(%arg6 : memref<40x128xi32, #tpu.memory_space<vmem>>) target_semaphore(%run_scoped3A_374 : memref<!tpu.dma_semaphore, #tpu.memory_space<semaphore_mem>>)
      %dma_wait3A_379 = arith.constant 0 : i32
      %dma_wait3A_380 = tpu.memref_slice %arg3[%add3A_34, %dma_wait3A_379] : memref<2560x128xi32, #tpu.memory_space<hbm>> -> memref<40x128xi32, #tpu.memory_space<hbm>>
      %dma_wait3A_381 = arith.constant 0 : i32
      %dma_wait3A_382 = tpu.memref_slice %arg3[%add3A_34, %dma_wait3A_381] : memref<2560x128xi32, #tpu.memory_space<hbm>> -> memref<40x128xi32, #tpu.memory_space<hbm>>
      tpu.wait_dma2 semaphore(%run_scoped3A_374 : memref<!tpu.dma_semaphore, #tpu.memory_space<semaphore_mem>>) src(%dma_wait3A_382 : memref<40x128xi32, #tpu.memory_space<hbm>>) dst(%arg6 : memref<40x128xi32, #tpu.memory_space<vmem>>)
      tpu.yield
    }) : () -> ()
    %mul3A_35 = arith.constant 160 : i32
    %mul3A_36 = arith.muli %arg1, %mul3A_35 : i32
    %add3A_37 = arith.constant 0 : i32
    %add3A_38 = arith.addi %mul3A_36, %add3A_37 : i32
    "tpu.region"() ({
      %run_scoped3A_374 = tpu.sem_alloc : memref<!tpu.dma_semaphore, #tpu.memory_space<semaphore_mem>>
      %dma_start3A_375 = arith.constant 0 : i32
      %dma_start3A_376 = tpu.memref_slice %arg4[%add3A_38, %dma_start3A_375] : memref<2560x128xi32, #tpu.memory_space<hbm>> -> memref<40x128xi32, #tpu.memory_space<hbm>>
      %dma_start3A_377 = arith.constant 0 : i32
      %dma_start3A_378 = tpu.memref_slice %arg4[%add3A_38, %dma_start3A_377] : memref<2560x128xi32, #tpu.memory_space<hbm>> -> memref<40x128xi32, #tpu.memory_space<hbm>>
      tpu.enqueue_dma source(%dma_start3A_378 : memref<40x128xi32, #tpu.memory_space<hbm>>) target(%arg7 : memref<40x128xi32, #tpu.memory_space<vmem>>) target_semaphore(%run_scoped3A_374 : memref<!tpu.dma_semaphore, #tpu.memory_space<semaphore_mem>>)
      %dma_wait3A_379 = arith.constant 0 : i32
      %dma_wait3A_380 = tpu.memref_slice %arg4[%add3A_38, %dma_wait3A_379] : memref<2560x128xi32, #tpu.memory_space<hbm>> -> memref<40x128xi32, #tpu.memory_space<hbm>>
      %dma_wait3A_381 = arith.constant 0 : i32
      %dma_wait3A_382 = tpu.memref_slice %arg4[%add3A_38, %dma_wait3A_381] : memref<2560x128xi32, #tpu.memory_space<hbm>> -> memref<40x128xi32, #tpu.memory_space<hbm>>
      tpu.wait_dma2 semaphore(%run_scoped3A_374 : memref<!tpu.dma_semaphore, #tpu.memory_space<semaphore_mem>>) src(%dma_wait3A_382 : memref<40x128xi32, #tpu.memory_space<hbm>>) dst(%arg7 : memref<40x128xi32, #tpu.memory_space<vmem>>)
      tpu.yield
    }) : () -> ()
    %dma_start3A = arith.constant 0 : i32
    %dma_start3A_39 = arith.constant 0 : i32
    %dma_start3A_40 = arith.constant 0 : i32
    %dma_start3A_41 = arith.constant 0 : i32
    %dma_start3A_42 = tpu.memref_slice %arg8[%dma_start3A_39, %dma_start3A_40, %dma_start3A_41] : memref<4x128x64xf32, #tpu.memory_space<vmem>> -> memref<1x128x64xf32, #tpu.memory_space<vmem>>
    %dma_start3A_43 = tpu.memref_squeeze %dma_start3A_42 : memref<1x128x64xf32, #tpu.memory_space<vmem>> -> memref<128x64xf32, #tpu.memory_space<vmem>>
    %dma_start3A_44 = arith.constant 0 : i32
    %dma_start3A_45 = tpu.memref_slice %arg6[%dma_start3A, %dma_start3A_44] : memref<40x128xi32, #tpu.memory_space<vmem>> -> memref<1x128xi32, #tpu.memory_space<vmem>>
    %dma_start3A_46 = tpu.memref_squeeze %dma_start3A_45 : memref<1x128xi32, #tpu.memory_space<vmem>> -> memref<128xi32, #tpu.memory_space<vmem>>
    %dma_start3A_47 = arith.constant 0 : i32
    %dma_start3A_48 = arith.constant 0 : i32
    %dma_start3A_49 = tpu.memref_slice %arg9[%dma_start3A_47, %dma_start3A_48] : memref<10112x64xf32, #tpu.memory_space<vmem_shared>> -> memref<10112x64xf32, #tpu.memory_space<vmem_shared>>
    tpu.enqueue_indirect_dma source(%dma_start3A_49 : memref<10112x64xf32, #tpu.memory_space<vmem_shared>>) target(%dma_start3A_43 : memref<128x64xf32, #tpu.memory_space<vmem>>) offsets(%dma_start3A_46 : memref<128xi32, #tpu.memory_space<vmem>>) semaphore(%arg11 : memref<!tpu.dma_semaphore, #tpu.memory_space<semaphore_mem>>)
    %dma_start3A_50 = arith.constant 1 : i32
    %dma_start3A_51 = arith.constant 1 : i32
    %dma_start3A_52 = arith.constant 0 : i32
    %dma_start3A_53 = arith.constant 0 : i32
    %dma_start3A_54 = tpu.memref_slice %arg8[%dma_start3A_51, %dma_start3A_52, %dma_start3A_53] : memref<4x128x64xf32, #tpu.memory_space<vmem>> -> memref<1x128x64xf32, #tpu.memory_space<vmem>>
    %dma_start3A_55 = tpu.memref_squeeze %dma_start3A_54 : memref<1x128x64xf32, #tpu.memory_space<vmem>> -> memref<128x64xf32, #tpu.memory_space<vmem>>
    %dma_start3A_56 = arith.constant 0 : i32
    %dma_start3A_57 = tpu.memref_slice %arg6[%dma_start3A_50, %dma_start3A_56] : memref<40x128xi32, #tpu.memory_space<vmem>> -> memref<1x128xi32, #tpu.memory_space<vmem>>
    %dma_start3A_58 = tpu.memref_squeeze %dma_start3A_57 : memref<1x128xi32, #tpu.memory_space<vmem>> -> memref<128xi32, #tpu.memory_space<vmem>>
    %dma_start3A_59 = arith.constant 0 : i32
    %dma_start3A_60 = arith.constant 0 : i32
    %dma_start3A_61 = tpu.memref_slice %arg9[%dma_start3A_59, %dma_start3A_60] : memref<10112x64xf32, #tpu.memory_space<vmem_shared>> -> memref<10112x64xf32, #tpu.memory_space<vmem_shared>>
    tpu.enqueue_indirect_dma source(%dma_start3A_61 : memref<10112x64xf32, #tpu.memory_space<vmem_shared>>) target(%dma_start3A_55 : memref<128x64xf32, #tpu.memory_space<vmem>>) offsets(%dma_start3A_58 : memref<128xi32, #tpu.memory_space<vmem>>) semaphore(%arg12 : memref<!tpu.dma_semaphore, #tpu.memory_space<semaphore_mem>>)
    %scan3A_62 = arith.constant 0 : i32
    %scan3A_63 = arith.constant 10 : i32
    %scan3A_64 = arith.addi %scan3A_62, %scan3A_63 : i32
    %scan3A_65 = arith.constant 1 : i32
    scf.for %scan3A_374 = %scan3A_62 to %scan3A_64 step %scan3A_65  : i32 {
      %mul3A_375 = arith.constant 4 : i32
      %mul3A_376 = arith.muli %scan3A_374, %mul3A_375 : i32
      %add3A_377 = arith.constant 0 : i32
      %add3A_378 = arith.addi %mul3A_376, %add3A_377 : i32
      %add3A_379 = arith.constant 2 : i32
      %add3A_380 = arith.addi %add3A_378, %add3A_379 : i32
      %lt3A = arith.constant 40 : i32
      %lt3A_381 = arith.cmpi slt, %add3A_380, %lt3A : i32
      %convert_element_type3A = arith.extui %lt3A_381 : i1 to i32
      %cond3A = arith.constant 0 : i32
      %cond3A_382 = arith.cmpi ne, %convert_element_type3A, %cond3A : i32
      scf.if %cond3A_382 {
        %add3A_504 = arith.constant 2 : i32
        %add3A_505 = arith.addi %add3A_378, %add3A_504 : i32
        %ge3A = arith.constant 4 : i32
        %ge3A_506 = arith.cmpi sge, %add3A_505, %ge3A : i32
        %convert_element_type3A_507 = arith.extui %ge3A_506 : i1 to i32
        %cond3A_508 = arith.constant 0 : i32
        %cond3A_509 = arith.cmpi ne, %convert_element_type3A_507, %cond3A_508 : i32
        scf.if %cond3A_509 {
          %add3A_523 = arith.constant 2 : i32
          %add3A_524 = arith.addi %add3A_378, %add3A_523 : i32
          %sub3A = arith.constant 4 : i32
          %sub3A_525 = arith.subi %add3A_524, %sub3A : i32
          %dma_wait3A_526 = arith.constant 2 : i32
          %dma_wait3A_527 = arith.constant 0 : i32
          %dma_wait3A_528 = arith.constant 0 : i32
          %dma_wait3A_529 = tpu.memref_slice %arg8[%dma_wait3A_526, %dma_wait3A_527, %dma_wait3A_528] : memref<4x128x64xf32, #tpu.memory_space<vmem>> -> memref<1x128x64xf32, #tpu.memory_space<vmem>>
          %dma_wait3A_530 = tpu.memref_squeeze %dma_wait3A_529 : memref<1x128x64xf32, #tpu.memory_space<vmem>> -> memref<128x64xf32, #tpu.memory_space<vmem>>
          %dma_wait3A_531 = arith.constant 0 : i32
          %dma_wait3A_532 = tpu.memref_slice %arg7[%sub3A_525, %dma_wait3A_531] : memref<40x128xi32, #tpu.memory_space<vmem>> -> memref<1x128xi32, #tpu.memory_space<vmem>>
          %dma_wait3A_533 = tpu.memref_squeeze %dma_wait3A_532 : memref<1x128xi32, #tpu.memory_space<vmem>> -> memref<128xi32, #tpu.memory_space<vmem>>
          %dma_wait3A_534 = arith.constant 0 : i32
          %dma_wait3A_535 = arith.constant 0 : i32
          %dma_wait3A_536 = tpu.memref_slice %arg10[%dma_wait3A_534, %dma_wait3A_535] : memref<10112x64xf32, #tpu.memory_space<vmem_shared>> -> memref<10112x64xf32, #tpu.memory_space<vmem_shared>>
          tpu.wait_indirect_dma semaphore(%arg17 : memref<!tpu.dma_semaphore, #tpu.memory_space<semaphore_mem>>) src(%dma_wait3A_530 : memref<128x64xf32, #tpu.memory_space<vmem>>) dst(%dma_wait3A_536 : memref<10112x64xf32, #tpu.memory_space<vmem_shared>>)
        } else {
        }
        %add3A_510 = arith.constant 2 : i32
        %add3A_511 = arith.addi %add3A_378, %add3A_510 : i32
        %dma_start3A_512 = arith.constant 2 : i32
        %dma_start3A_513 = arith.constant 0 : i32
        %dma_start3A_514 = arith.constant 0 : i32
        %dma_start3A_515 = tpu.memref_slice %arg8[%dma_start3A_512, %dma_start3A_513, %dma_start3A_514] : memref<4x128x64xf32, #tpu.memory_space<vmem>> -> memref<1x128x64xf32, #tpu.memory_space<vmem>>
        %dma_start3A_516 = tpu.memref_squeeze %dma_start3A_515 : memref<1x128x64xf32, #tpu.memory_space<vmem>> -> memref<128x64xf32, #tpu.memory_space<vmem>>
        %dma_start3A_517 = arith.constant 0 : i32
        %dma_start3A_518 = tpu.memref_slice %arg6[%add3A_511, %dma_start3A_517] : memref<40x128xi32, #tpu.memory_space<vmem>> -> memref<1x128xi32, #tpu.memory_space<vmem>>
        %dma_start3A_519 = tpu.memref_squeeze %dma_start3A_518 : memref<1x128xi32, #tpu.memory_space<vmem>> -> memref<128xi32, #tpu.memory_space<vmem>>
        %dma_start3A_520 = arith.constant 0 : i32
        %dma_start3A_521 = arith.constant 0 : i32
        %dma_start3A_522 = tpu.memref_slice %arg9[%dma_start3A_520, %dma_start3A_521] : memref<10112x64xf32, #tpu.memory_space<vmem_shared>> -> memref<10112x64xf32, #tpu.memory_space<vmem_shared>>
        tpu.enqueue_indirect_dma source(%dma_start3A_522 : memref<10112x64xf32, #tpu.memory_space<vmem_shared>>) target(%dma_start3A_516 : memref<128x64xf32, #tpu.memory_space<vmem>>) offsets(%dma_start3A_519 : memref<128xi32, #tpu.memory_space<vmem>>) semaphore(%arg13 : memref<!tpu.dma_semaphore, #tpu.memory_space<semaphore_mem>>)
      } else {
      }
      %dma_wait3A_383 = arith.constant 0 : i32
      %dma_wait3A_384 = arith.constant 0 : i32
      %dma_wait3A_385 = arith.constant 0 : i32
      %dma_wait3A_386 = tpu.memref_slice %arg8[%dma_wait3A_383, %dma_wait3A_384, %dma_wait3A_385] : memref<4x128x64xf32, #tpu.memory_space<vmem>> -> memref<1x128x64xf32, #tpu.memory_space<vmem>>
      %dma_wait3A_387 = tpu.memref_squeeze %dma_wait3A_386 : memref<1x128x64xf32, #tpu.memory_space<vmem>> -> memref<128x64xf32, #tpu.memory_space<vmem>>
      %dma_wait3A_388 = arith.constant 0 : i32
      %dma_wait3A_389 = tpu.memref_slice %arg6[%add3A_378, %dma_wait3A_388] : memref<40x128xi32, #tpu.memory_space<vmem>> -> memref<1x128xi32, #tpu.memory_space<vmem>>
      %dma_wait3A_390 = tpu.memref_squeeze %dma_wait3A_389 : memref<1x128xi32, #tpu.memory_space<vmem>> -> memref<128xi32, #tpu.memory_space<vmem>>
      %dma_wait3A_391 = arith.constant 0 : i32
      %dma_wait3A_392 = arith.constant 0 : i32
      %dma_wait3A_393 = tpu.memref_slice %arg9[%dma_wait3A_391, %dma_wait3A_392] : memref<10112x64xf32, #tpu.memory_space<vmem_shared>> -> memref<10112x64xf32, #tpu.memory_space<vmem_shared>>
      tpu.wait_indirect_dma semaphore(%arg11 : memref<!tpu.dma_semaphore, #tpu.memory_space<semaphore_mem>>) src(%dma_wait3A_393 : memref<10112x64xf32, #tpu.memory_space<vmem_shared>>) dst(%dma_wait3A_387 : memref<128x64xf32, #tpu.memory_space<vmem>>)
      %dma_start3A_394 = arith.constant 0 : i32
      %dma_start3A_395 = arith.constant 0 : i32
      %dma_start3A_396 = arith.constant 0 : i32
      %dma_start3A_397 = tpu.memref_slice %arg8[%dma_start3A_394, %dma_start3A_395, %dma_start3A_396] : memref<4x128x64xf32, #tpu.memory_space<vmem>> -> memref<1x128x64xf32, #tpu.memory_space<vmem>>
      %dma_start3A_398 = tpu.memref_squeeze %dma_start3A_397 : memref<1x128x64xf32, #tpu.memory_space<vmem>> -> memref<128x64xf32, #tpu.memory_space<vmem>>
      %dma_start3A_399 = arith.constant 0 : i32
      %dma_start3A_400 = tpu.memref_slice %arg7[%add3A_378, %dma_start3A_399] : memref<40x128xi32, #tpu.memory_space<vmem>> -> memref<1x128xi32, #tpu.memory_space<vmem>>
      %dma_start3A_401 = tpu.memref_squeeze %dma_start3A_400 : memref<1x128xi32, #tpu.memory_space<vmem>> -> memref<128xi32, #tpu.memory_space<vmem>>
      %dma_start3A_402 = arith.constant 0 : i32
      %dma_start3A_403 = arith.constant 0 : i32
      %dma_start3A_404 = tpu.memref_slice %arg10[%dma_start3A_402, %dma_start3A_403] : memref<10112x64xf32, #tpu.memory_space<vmem_shared>> -> memref<10112x64xf32, #tpu.memory_space<vmem_shared>>
      tpu.enqueue_indirect_dma source(%dma_start3A_398 : memref<128x64xf32, #tpu.memory_space<vmem>>) target(%dma_start3A_404 : memref<10112x64xf32, #tpu.memory_space<vmem_shared>>) offsets(%dma_start3A_401 : memref<128xi32, #tpu.memory_space<vmem>>) semaphore(%arg15 : memref<!tpu.dma_semaphore, #tpu.memory_space<semaphore_mem>>) {add = true}
      %mul3A_405 = arith.constant 4 : i32
      %mul3A_406 = arith.muli %scan3A_374, %mul3A_405 : i32
      %add3A_407 = arith.constant 1 : i32
      %add3A_408 = arith.addi %mul3A_406, %add3A_407 : i32
      %add3A_409 = arith.constant 2 : i32
      %add3A_410 = arith.addi %add3A_408, %add3A_409 : i32
      %lt3A_411 = arith.constant 40 : i32
      %lt3A_412 = arith.cmpi slt, %add3A_410, %lt3A_411 : i32
      %convert_element_type3A_413 = arith.extui %lt3A_412 : i1 to i32
      %cond3A_414 = arith.constant 0 : i32
      %cond3A_415 = arith.cmpi ne, %convert_element_type3A_413, %cond3A_414 : i32
      scf.if %cond3A_415 {
        %add3A_504 = arith.constant 2 : i32
        %add3A_505 = arith.addi %add3A_408, %add3A_504 : i32
        %ge3A = arith.constant 4 : i32
        %ge3A_506 = arith.cmpi sge, %add3A_505, %ge3A : i32
        %convert_element_type3A_507 = arith.extui %ge3A_506 : i1 to i32
        %cond3A_508 = arith.constant 0 : i32
        %cond3A_509 = arith.cmpi ne, %convert_element_type3A_507, %cond3A_508 : i32
        scf.if %cond3A_509 {
          %add3A_523 = arith.constant 2 : i32
          %add3A_524 = arith.addi %add3A_408, %add3A_523 : i32
          %sub3A = arith.constant 4 : i32
          %sub3A_525 = arith.subi %add3A_524, %sub3A : i32
          %dma_wait3A_526 = arith.constant 3 : i32
          %dma_wait3A_527 = arith.constant 0 : i32
          %dma_wait3A_528 = arith.constant 0 : i32
          %dma_wait3A_529 = tpu.memref_slice %arg8[%dma_wait3A_526, %dma_wait3A_527, %dma_wait3A_528] : memref<4x128x64xf32, #tpu.memory_space<vmem>> -> memref<1x128x64xf32, #tpu.memory_space<vmem>>
          %dma_wait3A_530 = tpu.memref_squeeze %dma_wait3A_529 : memref<1x128x64xf32, #tpu.memory_space<vmem>> -> memref<128x64xf32, #tpu.memory_space<vmem>>
          %dma_wait3A_531 = arith.constant 0 : i32
          %dma_wait3A_532 = tpu.memref_slice %arg7[%sub3A_525, %dma_wait3A_531] : memref<40x128xi32, #tpu.memory_space<vmem>> -> memref<1x128xi32, #tpu.memory_space<vmem>>
          %dma_wait3A_533 = tpu.memref_squeeze %dma_wait3A_532 : memref<1x128xi32, #tpu.memory_space<vmem>> -> memref<128xi32, #tpu.memory_space<vmem>>
          %dma_wait3A_534 = arith.constant 0 : i32
          %dma_wait3A_535 = arith.constant 0 : i32
          %dma_wait3A_536 = tpu.memref_slice %arg10[%dma_wait3A_534, %dma_wait3A_535] : memref<10112x64xf32, #tpu.memory_space<vmem_shared>> -> memref<10112x64xf32, #tpu.memory_space<vmem_shared>>
          tpu.wait_indirect_dma semaphore(%arg18 : memref<!tpu.dma_semaphore, #tpu.memory_space<semaphore_mem>>) src(%dma_wait3A_530 : memref<128x64xf32, #tpu.memory_space<vmem>>) dst(%dma_wait3A_536 : memref<10112x64xf32, #tpu.memory_space<vmem_shared>>)
        } else {
        }
        %add3A_510 = arith.constant 2 : i32
        %add3A_511 = arith.addi %add3A_408, %add3A_510 : i32
        %dma_start3A_512 = arith.constant 3 : i32
        %dma_start3A_513 = arith.constant 0 : i32
        %dma_start3A_514 = arith.constant 0 : i32
        %dma_start3A_515 = tpu.memref_slice %arg8[%dma_start3A_512, %dma_start3A_513, %dma_start3A_514] : memref<4x128x64xf32, #tpu.memory_space<vmem>> -> memref<1x128x64xf32, #tpu.memory_space<vmem>>
        %dma_start3A_516 = tpu.memref_squeeze %dma_start3A_515 : memref<1x128x64xf32, #tpu.memory_space<vmem>> -> memref<128x64xf32, #tpu.memory_space<vmem>>
        %dma_start3A_517 = arith.constant 0 : i32
        %dma_start3A_518 = tpu.memref_slice %arg6[%add3A_511, %dma_start3A_517] : memref<40x128xi32, #tpu.memory_space<vmem>> -> memref<1x128xi32, #tpu.memory_space<vmem>>
        %dma_start3A_519 = tpu.memref_squeeze %dma_start3A_518 : memref<1x128xi32, #tpu.memory_space<vmem>> -> memref<128xi32, #tpu.memory_space<vmem>>
        %dma_start3A_520 = arith.constant 0 : i32
        %dma_start3A_521 = arith.constant 0 : i32
        %dma_start3A_522 = tpu.memref_slice %arg9[%dma_start3A_520, %dma_start3A_521] : memref<10112x64xf32, #tpu.memory_space<vmem_shared>> -> memref<10112x64xf32, #tpu.memory_space<vmem_shared>>
        tpu.enqueue_indirect_dma source(%dma_start3A_522 : memref<10112x64xf32, #tpu.memory_space<vmem_shared>>) target(%dma_start3A_516 : memref<128x64xf32, #tpu.memory_space<vmem>>) offsets(%dma_start3A_519 : memref<128xi32, #tpu.memory_space<vmem>>) semaphore(%arg14 : memref<!tpu.dma_semaphore, #tpu.memory_space<semaphore_mem>>)
      } else {
      }
      %dma_wait3A_416 = arith.constant 1 : i32
      %dma_wait3A_417 = arith.constant 0 : i32
      %dma_wait3A_418 = arith.constant 0 : i32
      %dma_wait3A_419 = tpu.memref_slice %arg8[%dma_wait3A_416, %dma_wait3A_417, %dma_wait3A_418] : memref<4x128x64xf32, #tpu.memory_space<vmem>> -> memref<1x128x64xf32, #tpu.memory_space<vmem>>
      %dma_wait3A_420 = tpu.memref_squeeze %dma_wait3A_419 : memref<1x128x64xf32, #tpu.memory_space<vmem>> -> memref<128x64xf32, #tpu.memory_space<vmem>>
      %dma_wait3A_421 = arith.constant 0 : i32
      %dma_wait3A_422 = tpu.memref_slice %arg6[%add3A_408, %dma_wait3A_421] : memref<40x128xi32, #tpu.memory_space<vmem>> -> memref<1x128xi32, #tpu.memory_space<vmem>>
      %dma_wait3A_423 = tpu.memref_squeeze %dma_wait3A_422 : memref<1x128xi32, #tpu.memory_space<vmem>> -> memref<128xi32, #tpu.memory_space<vmem>>
      %dma_wait3A_424 = arith.constant 0 : i32
      %dma_wait3A_425 = arith.constant 0 : i32
      %dma_wait3A_426 = tpu.memref_slice %arg9[%dma_wait3A_424, %dma_wait3A_425] : memref<10112x64xf32, #tpu.memory_space<vmem_shared>> -> memref<10112x64xf32, #tpu.memory_space<vmem_shared>>
      tpu.wait_indirect_dma semaphore(%arg12 : memref<!tpu.dma_semaphore, #tpu.memory_space<semaphore_mem>>) src(%dma_wait3A_426 : memref<10112x64xf32, #tpu.memory_space<vmem_shared>>) dst(%dma_wait3A_420 : memref<128x64xf32, #tpu.memory_space<vmem>>)
      %dma_start3A_427 = arith.constant 1 : i32
      %dma_start3A_428 = arith.constant 0 : i32
      %dma_start3A_429 = arith.constant 0 : i32
      %dma_start3A_430 = tpu.memref_slice %arg8[%dma_start3A_427, %dma_start3A_428, %dma_start3A_429] : memref<4x128x64xf32, #tpu.memory_space<vmem>> -> memref<1x128x64xf32, #tpu.memory_space<vmem>>
      %dma_start3A_431 = tpu.memref_squeeze %dma_start3A_430 : memref<1x128x64xf32, #tpu.memory_space<vmem>> -> memref<128x64xf32, #tpu.memory_space<vmem>>
      %dma_start3A_432 = arith.constant 0 : i32
      %dma_start3A_433 = tpu.memref_slice %arg7[%add3A_408, %dma_start3A_432] : memref<40x128xi32, #tpu.memory_space<vmem>> -> memref<1x128xi32, #tpu.memory_space<vmem>>
      %dma_start3A_434 = tpu.memref_squeeze %dma_start3A_433 : memref<1x128xi32, #tpu.memory_space<vmem>> -> memref<128xi32, #tpu.memory_space<vmem>>
      %dma_start3A_435 = arith.constant 0 : i32
      %dma_start3A_436 = arith.constant 0 : i32
      %dma_start3A_437 = tpu.memref_slice %arg10[%dma_start3A_435, %dma_start3A_436] : memref<10112x64xf32, #tpu.memory_space<vmem_shared>> -> memref<10112x64xf32, #tpu.memory_space<vmem_shared>>
      tpu.enqueue_indirect_dma source(%dma_start3A_431 : memref<128x64xf32, #tpu.memory_space<vmem>>) target(%dma_start3A_437 : memref<10112x64xf32, #tpu.memory_space<vmem_shared>>) offsets(%dma_start3A_434 : memref<128xi32, #tpu.memory_space<vmem>>) semaphore(%arg16 : memref<!tpu.dma_semaphore, #tpu.memory_space<semaphore_mem>>) {add = true}
      %mul3A_438 = arith.constant 4 : i32
      %mul3A_439 = arith.muli %scan3A_374, %mul3A_438 : i32
      %add3A_440 = arith.constant 2 : i32
      %add3A_441 = arith.addi %mul3A_439, %add3A_440 : i32
      %add3A_442 = arith.constant 2 : i32
      %add3A_443 = arith.addi %add3A_441, %add3A_442 : i32
      %lt3A_444 = arith.constant 40 : i32
      %lt3A_445 = arith.cmpi slt, %add3A_443, %lt3A_444 : i32
      %convert_element_type3A_446 = arith.extui %lt3A_445 : i1 to i32
      %cond3A_447 = arith.constant 0 : i32
      %cond3A_448 = arith.cmpi ne, %convert_element_type3A_446, %cond3A_447 : i32
      scf.if %cond3A_448 {
        %add3A_504 = arith.constant 2 : i32
        %add3A_505 = arith.addi %add3A_441, %add3A_504 : i32
        %ge3A = arith.constant 4 : i32
        %ge3A_506 = arith.cmpi sge, %add3A_505, %ge3A : i32
        %convert_element_type3A_507 = arith.extui %ge3A_506 : i1 to i32
        %cond3A_508 = arith.constant 0 : i32
        %cond3A_509 = arith.cmpi ne, %convert_element_type3A_507, %cond3A_508 : i32
        scf.if %cond3A_509 {
          %add3A_523 = arith.constant 2 : i32
          %add3A_524 = arith.addi %add3A_441, %add3A_523 : i32
          %sub3A = arith.constant 4 : i32
          %sub3A_525 = arith.subi %add3A_524, %sub3A : i32
          %dma_wait3A_526 = arith.constant 0 : i32
          %dma_wait3A_527 = arith.constant 0 : i32
          %dma_wait3A_528 = arith.constant 0 : i32
          %dma_wait3A_529 = tpu.memref_slice %arg8[%dma_wait3A_526, %dma_wait3A_527, %dma_wait3A_528] : memref<4x128x64xf32, #tpu.memory_space<vmem>> -> memref<1x128x64xf32, #tpu.memory_space<vmem>>
          %dma_wait3A_530 = tpu.memref_squeeze %dma_wait3A_529 : memref<1x128x64xf32, #tpu.memory_space<vmem>> -> memref<128x64xf32, #tpu.memory_space<vmem>>
          %dma_wait3A_531 = arith.constant 0 : i32
          %dma_wait3A_532 = tpu.memref_slice %arg7[%sub3A_525, %dma_wait3A_531] : memref<40x128xi32, #tpu.memory_space<vmem>> -> memref<1x128xi32, #tpu.memory_space<vmem>>
          %dma_wait3A_533 = tpu.memref_squeeze %dma_wait3A_532 : memref<1x128xi32, #tpu.memory_space<vmem>> -> memref<128xi32, #tpu.memory_space<vmem>>
          %dma_wait3A_534 = arith.constant 0 : i32
          %dma_wait3A_535 = arith.constant 0 : i32
          %dma_wait3A_536 = tpu.memref_slice %arg10[%dma_wait3A_534, %dma_wait3A_535] : memref<10112x64xf32, #tpu.memory_space<vmem_shared>> -> memref<10112x64xf32, #tpu.memory_space<vmem_shared>>
          tpu.wait_indirect_dma semaphore(%arg15 : memref<!tpu.dma_semaphore, #tpu.memory_space<semaphore_mem>>) src(%dma_wait3A_530 : memref<128x64xf32, #tpu.memory_space<vmem>>) dst(%dma_wait3A_536 : memref<10112x64xf32, #tpu.memory_space<vmem_shared>>)
        } else {
        }
        %add3A_510 = arith.constant 2 : i32
        %add3A_511 = arith.addi %add3A_441, %add3A_510 : i32
        %dma_start3A_512 = arith.constant 0 : i32
        %dma_start3A_513 = arith.constant 0 : i32
        %dma_start3A_514 = arith.constant 0 : i32
        %dma_start3A_515 = tpu.memref_slice %arg8[%dma_start3A_512, %dma_start3A_513, %dma_start3A_514] : memref<4x128x64xf32, #tpu.memory_space<vmem>> -> memref<1x128x64xf32, #tpu.memory_space<vmem>>
        %dma_start3A_516 = tpu.memref_squeeze %dma_start3A_515 : memref<1x128x64xf32, #tpu.memory_space<vmem>> -> memref<128x64xf32, #tpu.memory_space<vmem>>
        %dma_start3A_517 = arith.constant 0 : i32
        %dma_start3A_518 = tpu.memref_slice %arg6[%add3A_511, %dma_start3A_517] : memref<40x128xi32, #tpu.memory_space<vmem>> -> memref<1x128xi32, #tpu.memory_space<vmem>>
        %dma_start3A_519 = tpu.memref_squeeze %dma_start3A_518 : memref<1x128xi32, #tpu.memory_space<vmem>> -> memref<128xi32, #tpu.memory_space<vmem>>
        %dma_start3A_520 = arith.constant 0 : i32
        %dma_start3A_521 = arith.constant 0 : i32
        %dma_start3A_522 = tpu.memref_slice %arg9[%dma_start3A_520, %dma_start3A_521] : memref<10112x64xf32, #tpu.memory_space<vmem_shared>> -> memref<10112x64xf32, #tpu.memory_space<vmem_shared>>
        tpu.enqueue_indirect_dma source(%dma_start3A_522 : memref<10112x64xf32, #tpu.memory_space<vmem_shared>>) target(%dma_start3A_516 : memref<128x64xf32, #tpu.memory_space<vmem>>) offsets(%dma_start3A_519 : memref<128xi32, #tpu.memory_space<vmem>>) semaphore(%arg11 : memref<!tpu.dma_semaphore, #tpu.memory_space<semaphore_mem>>)
      } else {
      }
      %dma_wait3A_449 = arith.constant 2 : i32
      %dma_wait3A_450 = arith.constant 0 : i32
      %dma_wait3A_451 = arith.constant 0 : i32
      %dma_wait3A_452 = tpu.memref_slice %arg8[%dma_wait3A_449, %dma_wait3A_450, %dma_wait3A_451] : memref<4x128x64xf32, #tpu.memory_space<vmem>> -> memref<1x128x64xf32, #tpu.memory_space<vmem>>
      %dma_wait3A_453 = tpu.memref_squeeze %dma_wait3A_452 : memref<1x128x64xf32, #tpu.memory_space<vmem>> -> memref<128x64xf32, #tpu.memory_space<vmem>>
      %dma_wait3A_454 = arith.constant 0 : i32
      %dma_wait3A_455 = tpu.memref_slice %arg6[%add3A_441, %dma_wait3A_454] : memref<40x128xi32, #tpu.memory_space<vmem>> -> memref<1x128xi32, #tpu.memory_space<vmem>>
      %dma_wait3A_456 = tpu.memref_squeeze %dma_wait3A_455 : memref<1x128xi32, #tpu.memory_space<vmem>> -> memref<128xi32, #tpu.memory_space<vmem>>
      %dma_wait3A_457 = arith.constant 0 : i32
      %dma_wait3A_458 = arith.constant 0 : i32
      %dma_wait3A_459 = tpu.memref_slice %arg9[%dma_wait3A_457, %dma_wait3A_458] : memref<10112x64xf32, #tpu.memory_space<vmem_shared>> -> memref<10112x64xf32, #tpu.memory_space<vmem_shared>>
      tpu.wait_indirect_dma semaphore(%arg13 : memref<!tpu.dma_semaphore, #tpu.memory_space<semaphore_mem>>) src(%dma_wait3A_459 : memref<10112x64xf32, #tpu.memory_space<vmem_shared>>) dst(%dma_wait3A_453 : memref<128x64xf32, #tpu.memory_space<vmem>>)
      %dma_start3A_460 = arith.constant 2 : i32
      %dma_start3A_461 = arith.constant 0 : i32
      %dma_start3A_462 = arith.constant 0 : i32
      %dma_start3A_463 = tpu.memref_slice %arg8[%dma_start3A_460, %dma_start3A_461, %dma_start3A_462] : memref<4x128x64xf32, #tpu.memory_space<vmem>> -> memref<1x128x64xf32, #tpu.memory_space<vmem>>
      %dma_start3A_464 = tpu.memref_squeeze %dma_start3A_463 : memref<1x128x64xf32, #tpu.memory_space<vmem>> -> memref<128x64xf32, #tpu.memory_space<vmem>>
      %dma_start3A_465 = arith.constant 0 : i32
      %dma_start3A_466 = tpu.memref_slice %arg7[%add3A_441, %dma_start3A_465] : memref<40x128xi32, #tpu.memory_space<vmem>> -> memref<1x128xi32, #tpu.memory_space<vmem>>
      %dma_start3A_467 = tpu.memref_squeeze %dma_start3A_466 : memref<1x128xi32, #tpu.memory_space<vmem>> -> memref<128xi32, #tpu.memory_space<vmem>>
      %dma_start3A_468 = arith.constant 0 : i32
      %dma_start3A_469 = arith.constant 0 : i32
      %dma_start3A_470 = tpu.memref_slice %arg10[%dma_start3A_468, %dma_start3A_469] : memref<10112x64xf32, #tpu.memory_space<vmem_shared>> -> memref<10112x64xf32, #tpu.memory_space<vmem_shared>>
      tpu.enqueue_indirect_dma source(%dma_start3A_464 : memref<128x64xf32, #tpu.memory_space<vmem>>) target(%dma_start3A_470 : memref<10112x64xf32, #tpu.memory_space<vmem_shared>>) offsets(%dma_start3A_467 : memref<128xi32, #tpu.memory_space<vmem>>) semaphore(%arg17 : memref<!tpu.dma_semaphore, #tpu.memory_space<semaphore_mem>>) {add = true}
      %mul3A_471 = arith.constant 4 : i32
      %mul3A_472 = arith.muli %scan3A_374, %mul3A_471 : i32
      %add3A_473 = arith.constant 3 : i32
      %add3A_474 = arith.addi %mul3A_472, %add3A_473 : i32
      %add3A_475 = arith.constant 2 : i32
      %add3A_476 = arith.addi %add3A_474, %add3A_475 : i32
      %lt3A_477 = arith.constant 40 : i32
      %lt3A_478 = arith.cmpi slt, %add3A_476, %lt3A_477 : i32
      %convert_element_type3A_479 = arith.extui %lt3A_478 : i1 to i32
      %cond3A_480 = arith.constant 0 : i32
      %cond3A_481 = arith.cmpi ne, %convert_element_type3A_479, %cond3A_480 : i32
      scf.if %cond3A_481 {
        %add3A_504 = arith.constant 2 : i32
        %add3A_505 = arith.addi %add3A_474, %add3A_504 : i32
        %ge3A = arith.constant 4 : i32
        %ge3A_506 = arith.cmpi sge, %add3A_505, %ge3A : i32
        %convert_element_type3A_507 = arith.extui %ge3A_506 : i1 to i32
        %cond3A_508 = arith.constant 0 : i32
        %cond3A_509 = arith.cmpi ne, %convert_element_type3A_507, %cond3A_508 : i32
        scf.if %cond3A_509 {
          %add3A_523 = arith.constant 2 : i32
          %add3A_524 = arith.addi %add3A_474, %add3A_523 : i32
          %sub3A = arith.constant 4 : i32
          %sub3A_525 = arith.subi %add3A_524, %sub3A : i32
          %dma_wait3A_526 = arith.constant 1 : i32
          %dma_wait3A_527 = arith.constant 0 : i32
          %dma_wait3A_528 = arith.constant 0 : i32
          %dma_wait3A_529 = tpu.memref_slice %arg8[%dma_wait3A_526, %dma_wait3A_527, %dma_wait3A_528] : memref<4x128x64xf32, #tpu.memory_space<vmem>> -> memref<1x128x64xf32, #tpu.memory_space<vmem>>
          %dma_wait3A_530 = tpu.memref_squeeze %dma_wait3A_529 : memref<1x128x64xf32, #tpu.memory_space<vmem>> -> memref<128x64xf32, #tpu.memory_space<vmem>>
          %dma_wait3A_531 = arith.constant 0 : i32
          %dma_wait3A_532 = tpu.memref_slice %arg7[%sub3A_525, %dma_wait3A_531] : memref<40x128xi32, #tpu.memory_space<vmem>> -> memref<1x128xi32, #tpu.memory_space<vmem>>
          %dma_wait3A_533 = tpu.memref_squeeze %dma_wait3A_532 : memref<1x128xi32, #tpu.memory_space<vmem>> -> memref<128xi32, #tpu.memory_space<vmem>>
          %dma_wait3A_534 = arith.constant 0 : i32
          %dma_wait3A_535 = arith.constant 0 : i32
          %dma_wait3A_536 = tpu.memref_slice %arg10[%dma_wait3A_534, %dma_wait3A_535] : memref<10112x64xf32, #tpu.memory_space<vmem_shared>> -> memref<10112x64xf32, #tpu.memory_space<vmem_shared>>
          tpu.wait_indirect_dma semaphore(%arg16 : memref<!tpu.dma_semaphore, #tpu.memory_space<semaphore_mem>>) src(%dma_wait3A_530 : memref<128x64xf32, #tpu.memory_space<vmem>>) dst(%dma_wait3A_536 : memref<10112x64xf32, #tpu.memory_space<vmem_shared>>)
        } else {
        }
        %add3A_510 = arith.constant 2 : i32
        %add3A_511 = arith.addi %add3A_474, %add3A_510 : i32
        %dma_start3A_512 = arith.constant 1 : i32
        %dma_start3A_513 = arith.constant 0 : i32
        %dma_start3A_514 = arith.constant 0 : i32
        %dma_start3A_515 = tpu.memref_slice %arg8[%dma_start3A_512, %dma_start3A_513, %dma_start3A_514] : memref<4x128x64xf32, #tpu.memory_space<vmem>> -> memref<1x128x64xf32, #tpu.memory_space<vmem>>
        %dma_start3A_516 = tpu.memref_squeeze %dma_start3A_515 : memref<1x128x64xf32, #tpu.memory_space<vmem>> -> memref<128x64xf32, #tpu.memory_space<vmem>>
        %dma_start3A_517 = arith.constant 0 : i32
        %dma_start3A_518 = tpu.memref_slice %arg6[%add3A_511, %dma_start3A_517] : memref<40x128xi32, #tpu.memory_space<vmem>> -> memref<1x128xi32, #tpu.memory_space<vmem>>
        %dma_start3A_519 = tpu.memref_squeeze %dma_start3A_518 : memref<1x128xi32, #tpu.memory_space<vmem>> -> memref<128xi32, #tpu.memory_space<vmem>>
        %dma_start3A_520 = arith.constant 0 : i32
        %dma_start3A_521 = arith.constant 0 : i32
        %dma_start3A_522 = tpu.memref_slice %arg9[%dma_start3A_520, %dma_start3A_521] : memref<10112x64xf32, #tpu.memory_space<vmem_shared>> -> memref<10112x64xf32, #tpu.memory_space<vmem_shared>>
        tpu.enqueue_indirect_dma source(%dma_start3A_522 : memref<10112x64xf32, #tpu.memory_space<vmem_shared>>) target(%dma_start3A_516 : memref<128x64xf32, #tpu.memory_space<vmem>>) offsets(%dma_start3A_519 : memref<128xi32, #tpu.memory_space<vmem>>) semaphore(%arg12 : memref<!tpu.dma_semaphore, #tpu.memory_space<semaphore_mem>>)
      } else {
      }
      %dma_wait3A_482 = arith.constant 3 : i32
      %dma_wait3A_483 = arith.constant 0 : i32
      %dma_wait3A_484 = arith.constant 0 : i32
      %dma_wait3A_485 = tpu.memref_slice %arg8[%dma_wait3A_482, %dma_wait3A_483, %dma_wait3A_484] : memref<4x128x64xf32, #tpu.memory_space<vmem>> -> memref<1x128x64xf32, #tpu.memory_space<vmem>>
      %dma_wait3A_486 = tpu.memref_squeeze %dma_wait3A_485 : memref<1x128x64xf32, #tpu.memory_space<vmem>> -> memref<128x64xf32, #tpu.memory_space<vmem>>
      %dma_wait3A_487 = arith.constant 0 : i32
      %dma_wait3A_488 = tpu.memref_slice %arg6[%add3A_474, %dma_wait3A_487] : memref<40x128xi32, #tpu.memory_space<vmem>> -> memref<1x128xi32, #tpu.memory_space<vmem>>
      %dma_wait3A_489 = tpu.memref_squeeze %dma_wait3A_488 : memref<1x128xi32, #tpu.memory_space<vmem>> -> memref<128xi32, #tpu.memory_space<vmem>>
      %dma_wait3A_490 = arith.constant 0 : i32
      %dma_wait3A_491 = arith.constant 0 : i32
      %dma_wait3A_492 = tpu.memref_slice %arg9[%dma_wait3A_490, %dma_wait3A_491] : memref<10112x64xf32, #tpu.memory_space<vmem_shared>> -> memref<10112x64xf32, #tpu.memory_space<vmem_shared>>
      tpu.wait_indirect_dma semaphore(%arg14 : memref<!tpu.dma_semaphore, #tpu.memory_space<semaphore_mem>>) src(%dma_wait3A_492 : memref<10112x64xf32, #tpu.memory_space<vmem_shared>>) dst(%dma_wait3A_486 : memref<128x64xf32, #tpu.memory_space<vmem>>)
      %dma_start3A_493 = arith.constant 3 : i32
      %dma_start3A_494 = arith.constant 0 : i32
      %dma_start3A_495 = arith.constant 0 : i32
      %dma_start3A_496 = tpu.memref_slice %arg8[%dma_start3A_493, %dma_start3A_494, %dma_start3A_495] : memref<4x128x64xf32, #tpu.memory_space<vmem>> -> memref<1x128x64xf32, #tpu.memory_space<vmem>>
      %dma_start3A_497 = tpu.memref_squeeze %dma_start3A_496 : memref<1x128x64xf32, #tpu.memory_space<vmem>> -> memref<128x64xf32, #tpu.memory_space<vmem>>
      %dma_start3A_498 = arith.constant 0 : i32
      %dma_start3A_499 = tpu.memref_slice %arg7[%add3A_474, %dma_start3A_498] : memref<40x128xi32, #tpu.memory_space<vmem>> -> memref<1x128xi32, #tpu.memory_space<vmem>>
      %dma_start3A_500 = tpu.memref_squeeze %dma_start3A_499 : memref<1x128xi32, #tpu.memory_space<vmem>> -> memref<128xi32, #tpu.memory_space<vmem>>
      %dma_start3A_501 = arith.constant 0 : i32
      %dma_start3A_502 = arith.constant 0 : i32
      %dma_start3A_503 = tpu.memref_slice %arg10[%dma_start3A_501, %dma_start3A_502] : memref<10112x64xf32, #tpu.memory_space<vmem_shared>> -> memref<10112x64xf32, #tpu.memory_space<vmem_shared>>
      tpu.enqueue_indirect_dma source(%dma_start3A_497 : memref<128x64xf32, #tpu.memory_space<vmem>>) target(%dma_start3A_503 : memref<10112x64xf32, #tpu.memory_space<vmem_shared>>) offsets(%dma_start3A_500 : memref<128xi32, #tpu.memory_space<vmem>>) semaphore(%arg18 : memref<!tpu.dma_semaphore, #tpu.memory_space<semaphore_mem>>) {add = true}
    }
    %scan3A_66 = arith.constant 10 : i32
    %dma_wait3A = arith.constant 0 : i32
    %dma_wait3A_67 = arith.constant 36 : i32
    %dma_wait3A_68 = arith.constant 0 : i32
    %dma_wait3A_69 = arith.constant 0 : i32
    %dma_wait3A_70 = tpu.memref_slice %arg8[%dma_wait3A, %dma_wait3A_68, %dma_wait3A_69] : memref<4x128x64xf32, #tpu.memory_space<vmem>> -> memref<1x128x64xf32, #tpu.memory_space<vmem>>
    %dma_wait3A_71 = tpu.memref_squeeze %dma_wait3A_70 : memref<1x128x64xf32, #tpu.memory_space<vmem>> -> memref<128x64xf32, #tpu.memory_space<vmem>>
    %dma_wait3A_72 = arith.constant 0 : i32
    %dma_wait3A_73 = tpu.memref_slice %arg7[%dma_wait3A_67, %dma_wait3A_72] : memref<40x128xi32, #tpu.memory_space<vmem>> -> memref<1x128xi32, #tpu.memory_space<vmem>>
    %dma_wait3A_74 = tpu.memref_squeeze %dma_wait3A_73 : memref<1x128xi32, #tpu.memory_space<vmem>> -> memref<128xi32, #tpu.memory_space<vmem>>
    %dma_wait3A_75 = arith.constant 0 : i32
    %dma_wait3A_76 = arith.constant 0 : i32
    %dma_wait3A_77 = tpu.memref_slice %arg10[%dma_wait3A_75, %dma_wait3A_76] : memref<10112x64xf32, #tpu.memory_space<vmem_shared>> -> memref<10112x64xf32, #tpu.memory_space<vmem_shared>>
    tpu.wait_indirect_dma semaphore(%arg15 : memref<!tpu.dma_semaphore, #tpu.memory_space<semaphore_mem>>) src(%dma_wait3A_71 : memref<128x64xf32, #tpu.memory_space<vmem>>) dst(%dma_wait3A_77 : memref<10112x64xf32, #tpu.memory_space<vmem_shared>>)
    %dma_wait3A_78 = arith.constant 1 : i32
    %dma_wait3A_79 = arith.constant 37 : i32
    %dma_wait3A_80 = arith.constant 0 : i32
    %dma_wait3A_81 = arith.constant 0 : i32
    %dma_wait3A_82 = tpu.memref_slice %arg8[%dma_wait3A_78, %dma_wait3A_80, %dma_wait3A_81] : memref<4x128x64xf32, #tpu.memory_space<vmem>> -> memref<1x128x64xf32, #tpu.memory_space<vmem>>
    %dma_wait3A_83 = tpu.memref_squeeze %dma_wait3A_82 : memref<1x128x64xf32, #tpu.memory_space<vmem>> -> memref<128x64xf32, #tpu.memory_space<vmem>>
    %dma_wait3A_84 = arith.constant 0 : i32
    %dma_wait3A_85 = tpu.memref_slice %arg7[%dma_wait3A_79, %dma_wait3A_84] : memref<40x128xi32, #tpu.memory_space<vmem>> -> memref<1x128xi32, #tpu.memory_space<vmem>>
    %dma_wait3A_86 = tpu.memref_squeeze %dma_wait3A_85 : memref<1x128xi32, #tpu.memory_space<vmem>> -> memref<128xi32, #tpu.memory_space<vmem>>
    %dma_wait3A_87 = arith.constant 0 : i32
    %dma_wait3A_88 = arith.constant 0 : i32
    %dma_wait3A_89 = tpu.memref_slice %arg10[%dma_wait3A_87, %dma_wait3A_88] : memref<10112x64xf32, #tpu.memory_space<vmem_shared>> -> memref<10112x64xf32, #tpu.memory_space<vmem_shared>>
    tpu.wait_indirect_dma semaphore(%arg16 : memref<!tpu.dma_semaphore, #tpu.memory_space<semaphore_mem>>) src(%dma_wait3A_83 : memref<128x64xf32, #tpu.memory_space<vmem>>) dst(%dma_wait3A_89 : memref<10112x64xf32, #tpu.memory_space<vmem_shared>>)
    %dma_wait3A_90 = arith.constant 2 : i32
    %dma_wait3A_91 = arith.constant 38 : i32
    %dma_wait3A_92 = arith.constant 0 : i32
    %dma_wait3A_93 = arith.constant 0 : i32
    %dma_wait3A_94 = tpu.memref_slice %arg8[%dma_wait3A_90, %dma_wait3A_92, %dma_wait3A_93] : memref<4x128x64xf32, #tpu.memory_space<vmem>> -> memref<1x128x64xf32, #tpu.memory_space<vmem>>
    %dma_wait3A_95 = tpu.memref_squeeze %dma_wait3A_94 : memref<1x128x64xf32, #tpu.memory_space<vmem>> -> memref<128x64xf32, #tpu.memory_space<vmem>>
    %dma_wait3A_96 = arith.constant 0 : i32
    %dma_wait3A_97 = tpu.memref_slice %arg7[%dma_wait3A_91, %dma_wait3A_96] : memref<40x128xi32, #tpu.memory_space<vmem>> -> memref<1x128xi32, #tpu.memory_space<vmem>>
    %dma_wait3A_98 = tpu.memref_squeeze %dma_wait3A_97 : memref<1x128xi32, #tpu.memory_space<vmem>> -> memref<128xi32, #tpu.memory_space<vmem>>
    %dma_wait3A_99 = arith.constant 0 : i32
    %dma_wait3A_100 = arith.constant 0 : i32
    %dma_wait3A_101 = tpu.memref_slice %arg10[%dma_wait3A_99, %dma_wait3A_100] : memref<10112x64xf32, #tpu.memory_space<vmem_shared>> -> memref<10112x64xf32, #tpu.memory_space<vmem_shared>>
    tpu.wait_indirect_dma semaphore(%arg17 : memref<!tpu.dma_semaphore, #tpu.memory_space<semaphore_mem>>) src(%dma_wait3A_95 : memref<128x64xf32, #tpu.memory_space<vmem>>) dst(%dma_wait3A_101 : memref<10112x64xf32, #tpu.memory_space<vmem_shared>>)
    %dma_wait3A_102 = arith.constant 3 : i32
    %dma_wait3A_103 = arith.constant 39 : i32
    %dma_wait3A_104 = arith.constant 0 : i32
    %dma_wait3A_105 = arith.constant 0 : i32
    %dma_wait3A_106 = tpu.memref_slice %arg8[%dma_wait3A_102, %dma_wait3A_104, %dma_wait3A_105] : memref<4x128x64xf32, #tpu.memory_space<vmem>> -> memref<1x128x64xf32, #tpu.memory_space<vmem>>
    %dma_wait3A_107 = tpu.memref_squeeze %dma_wait3A_106 : memref<1x128x64xf32, #tpu.memory_space<vmem>> -> memref<128x64xf32, #tpu.memory_space<vmem>>
    %dma_wait3A_108 = arith.constant 0 : i32
    %dma_wait3A_109 = tpu.memref_slice %arg7[%dma_wait3A_103, %dma_wait3A_108] : memref<40x128xi32, #tpu.memory_space<vmem>> -> memref<1x128xi32, #tpu.memory_space<vmem>>
    %dma_wait3A_110 = tpu.memref_squeeze %dma_wait3A_109 : memref<1x128xi32, #tpu.memory_space<vmem>> -> memref<128xi32, #tpu.memory_space<vmem>>
    %dma_wait3A_111 = arith.constant 0 : i32
    %dma_wait3A_112 = arith.constant 0 : i32
    %dma_wait3A_113 = tpu.memref_slice %arg10[%dma_wait3A_111, %dma_wait3A_112] : memref<10112x64xf32, #tpu.memory_space<vmem_shared>> -> memref<10112x64xf32, #tpu.memory_space<vmem_shared>>
    tpu.wait_indirect_dma semaphore(%arg18 : memref<!tpu.dma_semaphore, #tpu.memory_space<semaphore_mem>>) src(%dma_wait3A_107 : memref<128x64xf32, #tpu.memory_space<vmem>>) dst(%dma_wait3A_113 : memref<10112x64xf32, #tpu.memory_space<vmem_shared>>)
    %mul3A_114 = arith.constant 160 : i32
    %mul3A_115 = arith.muli %arg1, %mul3A_114 : i32
    %add3A_116 = arith.constant 40 : i32
    %add3A_117 = arith.addi %mul3A_115, %add3A_116 : i32
    "tpu.region"() ({
      %run_scoped3A_374 = tpu.sem_alloc : memref<!tpu.dma_semaphore, #tpu.memory_space<semaphore_mem>>
      %dma_start3A_375 = arith.constant 0 : i32
      %dma_start3A_376 = tpu.memref_slice %arg3[%add3A_117, %dma_start3A_375] : memref<2560x128xi32, #tpu.memory_space<hbm>> -> memref<40x128xi32, #tpu.memory_space<hbm>>
      %dma_start3A_377 = arith.constant 0 : i32
      %dma_start3A_378 = tpu.memref_slice %arg3[%add3A_117, %dma_start3A_377] : memref<2560x128xi32, #tpu.memory_space<hbm>> -> memref<40x128xi32, #tpu.memory_space<hbm>>
      tpu.enqueue_dma source(%dma_start3A_378 : memref<40x128xi32, #tpu.memory_space<hbm>>) target(%arg6 : memref<40x128xi32, #tpu.memory_space<vmem>>) target_semaphore(%run_scoped3A_374 : memref<!tpu.dma_semaphore, #tpu.memory_space<semaphore_mem>>)
      %dma_wait3A_379 = arith.constant 0 : i32
      %dma_wait3A_380 = tpu.memref_slice %arg3[%add3A_117, %dma_wait3A_379] : memref<2560x128xi32, #tpu.memory_space<hbm>> -> memref<40x128xi32, #tpu.memory_space<hbm>>
      %dma_wait3A_381 = arith.constant 0 : i32
      %dma_wait3A_382 = tpu.memref_slice %arg3[%add3A_117, %dma_wait3A_381] : memref<2560x128xi32, #tpu.memory_space<hbm>> -> memref<40x128xi32, #tpu.memory_space<hbm>>
      tpu.wait_dma2 semaphore(%run_scoped3A_374 : memref<!tpu.dma_semaphore, #tpu.memory_space<semaphore_mem>>) src(%dma_wait3A_382 : memref<40x128xi32, #tpu.memory_space<hbm>>) dst(%arg6 : memref<40x128xi32, #tpu.memory_space<vmem>>)
      tpu.yield
    }) : () -> ()
    %mul3A_118 = arith.constant 160 : i32
    %mul3A_119 = arith.muli %arg1, %mul3A_118 : i32
    %add3A_120 = arith.constant 40 : i32
    %add3A_121 = arith.addi %mul3A_119, %add3A_120 : i32
    "tpu.region"() ({
      %run_scoped3A_374 = tpu.sem_alloc : memref<!tpu.dma_semaphore, #tpu.memory_space<semaphore_mem>>
      %dma_start3A_375 = arith.constant 0 : i32
      %dma_start3A_376 = tpu.memref_slice %arg4[%add3A_121, %dma_start3A_375] : memref<2560x128xi32, #tpu.memory_space<hbm>> -> memref<40x128xi32, #tpu.memory_space<hbm>>
      %dma_start3A_377 = arith.constant 0 : i32
      %dma_start3A_378 = tpu.memref_slice %arg4[%add3A_121, %dma_start3A_377] : memref<2560x128xi32, #tpu.memory_space<hbm>> -> memref<40x128xi32, #tpu.memory_space<hbm>>
      tpu.enqueue_dma source(%dma_start3A_378 : memref<40x128xi32, #tpu.memory_space<hbm>>) target(%arg7 : memref<40x128xi32, #tpu.memory_space<vmem>>) target_semaphore(%run_scoped3A_374 : memref<!tpu.dma_semaphore, #tpu.memory_space<semaphore_mem>>)
      %dma_wait3A_379 = arith.constant 0 : i32
      %dma_wait3A_380 = tpu.memref_slice %arg4[%add3A_121, %dma_wait3A_379] : memref<2560x128xi32, #tpu.memory_space<hbm>> -> memref<40x128xi32, #tpu.memory_space<hbm>>
      %dma_wait3A_381 = arith.constant 0 : i32
      %dma_wait3A_382 = tpu.memref_slice %arg4[%add3A_121, %dma_wait3A_381] : memref<2560x128xi32, #tpu.memory_space<hbm>> -> memref<40x128xi32, #tpu.memory_space<hbm>>
      tpu.wait_dma2 semaphore(%run_scoped3A_374 : memref<!tpu.dma_semaphore, #tpu.memory_space<semaphore_mem>>) src(%dma_wait3A_382 : memref<40x128xi32, #tpu.memory_space<hbm>>) dst(%arg7 : memref<40x128xi32, #tpu.memory_space<vmem>>)
      tpu.yield
    }) : () -> ()
    %dma_start3A_122 = arith.constant 0 : i32
    %dma_start3A_123 = arith.constant 0 : i32
    %dma_start3A_124 = arith.constant 0 : i32
    %dma_start3A_125 = arith.constant 0 : i32
    %dma_start3A_126 = tpu.memref_slice %arg8[%dma_start3A_123, %dma_start3A_124, %dma_start3A_125] : memref<4x128x64xf32, #tpu.memory_space<vmem>> -> memref<1x128x64xf32, #tpu.memory_space<vmem>>
    %dma_start3A_127 = tpu.memref_squeeze %dma_start3A_126 : memref<1x128x64xf32, #tpu.memory_space<vmem>> -> memref<128x64xf32, #tpu.memory_space<vmem>>
    %dma_start3A_128 = arith.constant 0 : i32
    %dma_start3A_129 = tpu.memref_slice %arg6[%dma_start3A_122, %dma_start3A_128] : memref<40x128xi32, #tpu.memory_space<vmem>> -> memref<1x128xi32, #tpu.memory_space<vmem>>
    %dma_start3A_130 = tpu.memref_squeeze %dma_start3A_129 : memref<1x128xi32, #tpu.memory_space<vmem>> -> memref<128xi32, #tpu.memory_space<vmem>>
    %dma_start3A_131 = arith.constant 0 : i32
    %dma_start3A_132 = arith.constant 0 : i32
    %dma_start3A_133 = tpu.memref_slice %arg9[%dma_start3A_131, %dma_start3A_132] : memref<10112x64xf32, #tpu.memory_space<vmem_shared>> -> memref<10112x64xf32, #tpu.memory_space<vmem_shared>>
    tpu.enqueue_indirect_dma source(%dma_start3A_133 : memref<10112x64xf32, #tpu.memory_space<vmem_shared>>) target(%dma_start3A_127 : memref<128x64xf32, #tpu.memory_space<vmem>>) offsets(%dma_start3A_130 : memref<128xi32, #tpu.memory_space<vmem>>) semaphore(%arg11 : memref<!tpu.dma_semaphore, #tpu.memory_space<semaphore_mem>>)
    %dma_start3A_134 = arith.constant 1 : i32
    %dma_start3A_135 = arith.constant 1 : i32
    %dma_start3A_136 = arith.constant 0 : i32
    %dma_start3A_137 = arith.constant 0 : i32
    %dma_start3A_138 = tpu.memref_slice %arg8[%dma_start3A_135, %dma_start3A_136, %dma_start3A_137] : memref<4x128x64xf32, #tpu.memory_space<vmem>> -> memref<1x128x64xf32, #tpu.memory_space<vmem>>
    %dma_start3A_139 = tpu.memref_squeeze %dma_start3A_138 : memref<1x128x64xf32, #tpu.memory_space<vmem>> -> memref<128x64xf32, #tpu.memory_space<vmem>>
    %dma_start3A_140 = arith.constant 0 : i32
    %dma_start3A_141 = tpu.memref_slice %arg6[%dma_start3A_134, %dma_start3A_140] : memref<40x128xi32, #tpu.memory_space<vmem>> -> memref<1x128xi32, #tpu.memory_space<vmem>>
    %dma_start3A_142 = tpu.memref_squeeze %dma_start3A_141 : memref<1x128xi32, #tpu.memory_space<vmem>> -> memref<128xi32, #tpu.memory_space<vmem>>
    %dma_start3A_143 = arith.constant 0 : i32
    %dma_start3A_144 = arith.constant 0 : i32
    %dma_start3A_145 = tpu.memref_slice %arg9[%dma_start3A_143, %dma_start3A_144] : memref<10112x64xf32, #tpu.memory_space<vmem_shared>> -> memref<10112x64xf32, #tpu.memory_space<vmem_shared>>
    tpu.enqueue_indirect_dma source(%dma_start3A_145 : memref<10112x64xf32, #tpu.memory_space<vmem_shared>>) target(%dma_start3A_139 : memref<128x64xf32, #tpu.memory_space<vmem>>) offsets(%dma_start3A_142 : memref<128xi32, #tpu.memory_space<vmem>>) semaphore(%arg12 : memref<!tpu.dma_semaphore, #tpu.memory_space<semaphore_mem>>)
    %scan3A_146 = arith.constant 0 : i32
    %scan3A_147 = arith.constant 10 : i32
    %scan3A_148 = arith.addi %scan3A_146, %scan3A_147 : i32
    %scan3A_149 = arith.constant 1 : i32
    scf.for %scan3A_374 = %scan3A_146 to %scan3A_148 step %scan3A_149  : i32 {
      %mul3A_375 = arith.constant 4 : i32
      %mul3A_376 = arith.muli %scan3A_374, %mul3A_375 : i32
      %add3A_377 = arith.constant 0 : i32
      %add3A_378 = arith.addi %mul3A_376, %add3A_377 : i32
      %add3A_379 = arith.constant 2 : i32
      %add3A_380 = arith.addi %add3A_378, %add3A_379 : i32
      %lt3A = arith.constant 40 : i32
      %lt3A_381 = arith.cmpi slt, %add3A_380, %lt3A : i32
      %convert_element_type3A = arith.extui %lt3A_381 : i1 to i32
      %cond3A = arith.constant 0 : i32
      %cond3A_382 = arith.cmpi ne, %convert_element_type3A, %cond3A : i32
      scf.if %cond3A_382 {
        %add3A_504 = arith.constant 2 : i32
        %add3A_505 = arith.addi %add3A_378, %add3A_504 : i32
        %ge3A = arith.constant 4 : i32
        %ge3A_506 = arith.cmpi sge, %add3A_505, %ge3A : i32
        %convert_element_type3A_507 = arith.extui %ge3A_506 : i1 to i32
        %cond3A_508 = arith.constant 0 : i32
        %cond3A_509 = arith.cmpi ne, %convert_element_type3A_507, %cond3A_508 : i32
        scf.if %cond3A_509 {
          %add3A_523 = arith.constant 2 : i32
          %add3A_524 = arith.addi %add3A_378, %add3A_523 : i32
          %sub3A = arith.constant 4 : i32
          %sub3A_525 = arith.subi %add3A_524, %sub3A : i32
          %dma_wait3A_526 = arith.constant 2 : i32
          %dma_wait3A_527 = arith.constant 0 : i32
          %dma_wait3A_528 = arith.constant 0 : i32
          %dma_wait3A_529 = tpu.memref_slice %arg8[%dma_wait3A_526, %dma_wait3A_527, %dma_wait3A_528] : memref<4x128x64xf32, #tpu.memory_space<vmem>> -> memref<1x128x64xf32, #tpu.memory_space<vmem>>
          %dma_wait3A_530 = tpu.memref_squeeze %dma_wait3A_529 : memref<1x128x64xf32, #tpu.memory_space<vmem>> -> memref<128x64xf32, #tpu.memory_space<vmem>>
          %dma_wait3A_531 = arith.constant 0 : i32
          %dma_wait3A_532 = tpu.memref_slice %arg7[%sub3A_525, %dma_wait3A_531] : memref<40x128xi32, #tpu.memory_space<vmem>> -> memref<1x128xi32, #tpu.memory_space<vmem>>
          %dma_wait3A_533 = tpu.memref_squeeze %dma_wait3A_532 : memref<1x128xi32, #tpu.memory_space<vmem>> -> memref<128xi32, #tpu.memory_space<vmem>>
          %dma_wait3A_534 = arith.constant 0 : i32
          %dma_wait3A_535 = arith.constant 0 : i32
          %dma_wait3A_536 = tpu.memref_slice %arg10[%dma_wait3A_534, %dma_wait3A_535] : memref<10112x64xf32, #tpu.memory_space<vmem_shared>> -> memref<10112x64xf32, #tpu.memory_space<vmem_shared>>
          tpu.wait_indirect_dma semaphore(%arg17 : memref<!tpu.dma_semaphore, #tpu.memory_space<semaphore_mem>>) src(%dma_wait3A_530 : memref<128x64xf32, #tpu.memory_space<vmem>>) dst(%dma_wait3A_536 : memref<10112x64xf32, #tpu.memory_space<vmem_shared>>)
        } else {
        }
        %add3A_510 = arith.constant 2 : i32
        %add3A_511 = arith.addi %add3A_378, %add3A_510 : i32
        %dma_start3A_512 = arith.constant 2 : i32
        %dma_start3A_513 = arith.constant 0 : i32
        %dma_start3A_514 = arith.constant 0 : i32
        %dma_start3A_515 = tpu.memref_slice %arg8[%dma_start3A_512, %dma_start3A_513, %dma_start3A_514] : memref<4x128x64xf32, #tpu.memory_space<vmem>> -> memref<1x128x64xf32, #tpu.memory_space<vmem>>
        %dma_start3A_516 = tpu.memref_squeeze %dma_start3A_515 : memref<1x128x64xf32, #tpu.memory_space<vmem>> -> memref<128x64xf32, #tpu.memory_space<vmem>>
        %dma_start3A_517 = arith.constant 0 : i32
        %dma_start3A_518 = tpu.memref_slice %arg6[%add3A_511, %dma_start3A_517] : memref<40x128xi32, #tpu.memory_space<vmem>> -> memref<1x128xi32, #tpu.memory_space<vmem>>
        %dma_start3A_519 = tpu.memref_squeeze %dma_start3A_518 : memref<1x128xi32, #tpu.memory_space<vmem>> -> memref<128xi32, #tpu.memory_space<vmem>>
        %dma_start3A_520 = arith.constant 0 : i32
        %dma_start3A_521 = arith.constant 0 : i32
        %dma_start3A_522 = tpu.memref_slice %arg9[%dma_start3A_520, %dma_start3A_521] : memref<10112x64xf32, #tpu.memory_space<vmem_shared>> -> memref<10112x64xf32, #tpu.memory_space<vmem_shared>>
        tpu.enqueue_indirect_dma source(%dma_start3A_522 : memref<10112x64xf32, #tpu.memory_space<vmem_shared>>) target(%dma_start3A_516 : memref<128x64xf32, #tpu.memory_space<vmem>>) offsets(%dma_start3A_519 : memref<128xi32, #tpu.memory_space<vmem>>) semaphore(%arg13 : memref<!tpu.dma_semaphore, #tpu.memory_space<semaphore_mem>>)
      } else {
      }
      %dma_wait3A_383 = arith.constant 0 : i32
      %dma_wait3A_384 = arith.constant 0 : i32
      %dma_wait3A_385 = arith.constant 0 : i32
      %dma_wait3A_386 = tpu.memref_slice %arg8[%dma_wait3A_383, %dma_wait3A_384, %dma_wait3A_385] : memref<4x128x64xf32, #tpu.memory_space<vmem>> -> memref<1x128x64xf32, #tpu.memory_space<vmem>>
      %dma_wait3A_387 = tpu.memref_squeeze %dma_wait3A_386 : memref<1x128x64xf32, #tpu.memory_space<vmem>> -> memref<128x64xf32, #tpu.memory_space<vmem>>
      %dma_wait3A_388 = arith.constant 0 : i32
      %dma_wait3A_389 = tpu.memref_slice %arg6[%add3A_378, %dma_wait3A_388] : memref<40x128xi32, #tpu.memory_space<vmem>> -> memref<1x128xi32, #tpu.memory_space<vmem>>
      %dma_wait3A_390 = tpu.memref_squeeze %dma_wait3A_389 : memref<1x128xi32, #tpu.memory_space<vmem>> -> memref<128xi32, #tpu.memory_space<vmem>>
      %dma_wait3A_391 = arith.constant 0 : i32
      %dma_wait3A_392 = arith.constant 0 : i32
      %dma_wait3A_393 = tpu.memref_slice %arg9[%dma_wait3A_391, %dma_wait3A_392] : memref<10112x64xf32, #tpu.memory_space<vmem_shared>> -> memref<10112x64xf32, #tpu.memory_space<vmem_shared>>
      tpu.wait_indirect_dma semaphore(%arg11 : memref<!tpu.dma_semaphore, #tpu.memory_space<semaphore_mem>>) src(%dma_wait3A_393 : memref<10112x64xf32, #tpu.memory_space<vmem_shared>>) dst(%dma_wait3A_387 : memref<128x64xf32, #tpu.memory_space<vmem>>)
      %dma_start3A_394 = arith.constant 0 : i32
      %dma_start3A_395 = arith.constant 0 : i32
      %dma_start3A_396 = arith.constant 0 : i32
      %dma_start3A_397 = tpu.memref_slice %arg8[%dma_start3A_394, %dma_start3A_395, %dma_start3A_396] : memref<4x128x64xf32, #tpu.memory_space<vmem>> -> memref<1x128x64xf32, #tpu.memory_space<vmem>>
      %dma_start3A_398 = tpu.memref_squeeze %dma_start3A_397 : memref<1x128x64xf32, #tpu.memory_space<vmem>> -> memref<128x64xf32, #tpu.memory_space<vmem>>
      %dma_start3A_399 = arith.constant 0 : i32
      %dma_start3A_400 = tpu.memref_slice %arg7[%add3A_378, %dma_start3A_399] : memref<40x128xi32, #tpu.memory_space<vmem>> -> memref<1x128xi32, #tpu.memory_space<vmem>>
      %dma_start3A_401 = tpu.memref_squeeze %dma_start3A_400 : memref<1x128xi32, #tpu.memory_space<vmem>> -> memref<128xi32, #tpu.memory_space<vmem>>
      %dma_start3A_402 = arith.constant 0 : i32
      %dma_start3A_403 = arith.constant 0 : i32
      %dma_start3A_404 = tpu.memref_slice %arg10[%dma_start3A_402, %dma_start3A_403] : memref<10112x64xf32, #tpu.memory_space<vmem_shared>> -> memref<10112x64xf32, #tpu.memory_space<vmem_shared>>
      tpu.enqueue_indirect_dma source(%dma_start3A_398 : memref<128x64xf32, #tpu.memory_space<vmem>>) target(%dma_start3A_404 : memref<10112x64xf32, #tpu.memory_space<vmem_shared>>) offsets(%dma_start3A_401 : memref<128xi32, #tpu.memory_space<vmem>>) semaphore(%arg15 : memref<!tpu.dma_semaphore, #tpu.memory_space<semaphore_mem>>) {add = true}
      %mul3A_405 = arith.constant 4 : i32
      %mul3A_406 = arith.muli %scan3A_374, %mul3A_405 : i32
      %add3A_407 = arith.constant 1 : i32
      %add3A_408 = arith.addi %mul3A_406, %add3A_407 : i32
      %add3A_409 = arith.constant 2 : i32
      %add3A_410 = arith.addi %add3A_408, %add3A_409 : i32
      %lt3A_411 = arith.constant 40 : i32
      %lt3A_412 = arith.cmpi slt, %add3A_410, %lt3A_411 : i32
      %convert_element_type3A_413 = arith.extui %lt3A_412 : i1 to i32
      %cond3A_414 = arith.constant 0 : i32
      %cond3A_415 = arith.cmpi ne, %convert_element_type3A_413, %cond3A_414 : i32
      scf.if %cond3A_415 {
        %add3A_504 = arith.constant 2 : i32
        %add3A_505 = arith.addi %add3A_408, %add3A_504 : i32
        %ge3A = arith.constant 4 : i32
        %ge3A_506 = arith.cmpi sge, %add3A_505, %ge3A : i32
        %convert_element_type3A_507 = arith.extui %ge3A_506 : i1 to i32
        %cond3A_508 = arith.constant 0 : i32
        %cond3A_509 = arith.cmpi ne, %convert_element_type3A_507, %cond3A_508 : i32
        scf.if %cond3A_509 {
          %add3A_523 = arith.constant 2 : i32
          %add3A_524 = arith.addi %add3A_408, %add3A_523 : i32
          %sub3A = arith.constant 4 : i32
          %sub3A_525 = arith.subi %add3A_524, %sub3A : i32
          %dma_wait3A_526 = arith.constant 3 : i32
          %dma_wait3A_527 = arith.constant 0 : i32
          %dma_wait3A_528 = arith.constant 0 : i32
          %dma_wait3A_529 = tpu.memref_slice %arg8[%dma_wait3A_526, %dma_wait3A_527, %dma_wait3A_528] : memref<4x128x64xf32, #tpu.memory_space<vmem>> -> memref<1x128x64xf32, #tpu.memory_space<vmem>>
          %dma_wait3A_530 = tpu.memref_squeeze %dma_wait3A_529 : memref<1x128x64xf32, #tpu.memory_space<vmem>> -> memref<128x64xf32, #tpu.memory_space<vmem>>
          %dma_wait3A_531 = arith.constant 0 : i32
          %dma_wait3A_532 = tpu.memref_slice %arg7[%sub3A_525, %dma_wait3A_531] : memref<40x128xi32, #tpu.memory_space<vmem>> -> memref<1x128xi32, #tpu.memory_space<vmem>>
          %dma_wait3A_533 = tpu.memref_squeeze %dma_wait3A_532 : memref<1x128xi32, #tpu.memory_space<vmem>> -> memref<128xi32, #tpu.memory_space<vmem>>
          %dma_wait3A_534 = arith.constant 0 : i32
          %dma_wait3A_535 = arith.constant 0 : i32
          %dma_wait3A_536 = tpu.memref_slice %arg10[%dma_wait3A_534, %dma_wait3A_535] : memref<10112x64xf32, #tpu.memory_space<vmem_shared>> -> memref<10112x64xf32, #tpu.memory_space<vmem_shared>>
          tpu.wait_indirect_dma semaphore(%arg18 : memref<!tpu.dma_semaphore, #tpu.memory_space<semaphore_mem>>) src(%dma_wait3A_530 : memref<128x64xf32, #tpu.memory_space<vmem>>) dst(%dma_wait3A_536 : memref<10112x64xf32, #tpu.memory_space<vmem_shared>>)
        } else {
        }
        %add3A_510 = arith.constant 2 : i32
        %add3A_511 = arith.addi %add3A_408, %add3A_510 : i32
        %dma_start3A_512 = arith.constant 3 : i32
        %dma_start3A_513 = arith.constant 0 : i32
        %dma_start3A_514 = arith.constant 0 : i32
        %dma_start3A_515 = tpu.memref_slice %arg8[%dma_start3A_512, %dma_start3A_513, %dma_start3A_514] : memref<4x128x64xf32, #tpu.memory_space<vmem>> -> memref<1x128x64xf32, #tpu.memory_space<vmem>>
        %dma_start3A_516 = tpu.memref_squeeze %dma_start3A_515 : memref<1x128x64xf32, #tpu.memory_space<vmem>> -> memref<128x64xf32, #tpu.memory_space<vmem>>
        %dma_start3A_517 = arith.constant 0 : i32
        %dma_start3A_518 = tpu.memref_slice %arg6[%add3A_511, %dma_start3A_517] : memref<40x128xi32, #tpu.memory_space<vmem>> -> memref<1x128xi32, #tpu.memory_space<vmem>>
        %dma_start3A_519 = tpu.memref_squeeze %dma_start3A_518 : memref<1x128xi32, #tpu.memory_space<vmem>> -> memref<128xi32, #tpu.memory_space<vmem>>
        %dma_start3A_520 = arith.constant 0 : i32
        %dma_start3A_521 = arith.constant 0 : i32
        %dma_start3A_522 = tpu.memref_slice %arg9[%dma_start3A_520, %dma_start3A_521] : memref<10112x64xf32, #tpu.memory_space<vmem_shared>> -> memref<10112x64xf32, #tpu.memory_space<vmem_shared>>
        tpu.enqueue_indirect_dma source(%dma_start3A_522 : memref<10112x64xf32, #tpu.memory_space<vmem_shared>>) target(%dma_start3A_516 : memref<128x64xf32, #tpu.memory_space<vmem>>) offsets(%dma_start3A_519 : memref<128xi32, #tpu.memory_space<vmem>>) semaphore(%arg14 : memref<!tpu.dma_semaphore, #tpu.memory_space<semaphore_mem>>)
      } else {
      }
      %dma_wait3A_416 = arith.constant 1 : i32
      %dma_wait3A_417 = arith.constant 0 : i32
      %dma_wait3A_418 = arith.constant 0 : i32
      %dma_wait3A_419 = tpu.memref_slice %arg8[%dma_wait3A_416, %dma_wait3A_417, %dma_wait3A_418] : memref<4x128x64xf32, #tpu.memory_space<vmem>> -> memref<1x128x64xf32, #tpu.memory_space<vmem>>
      %dma_wait3A_420 = tpu.memref_squeeze %dma_wait3A_419 : memref<1x128x64xf32, #tpu.memory_space<vmem>> -> memref<128x64xf32, #tpu.memory_space<vmem>>
      %dma_wait3A_421 = arith.constant 0 : i32
      %dma_wait3A_422 = tpu.memref_slice %arg6[%add3A_408, %dma_wait3A_421] : memref<40x128xi32, #tpu.memory_space<vmem>> -> memref<1x128xi32, #tpu.memory_space<vmem>>
      %dma_wait3A_423 = tpu.memref_squeeze %dma_wait3A_422 : memref<1x128xi32, #tpu.memory_space<vmem>> -> memref<128xi32, #tpu.memory_space<vmem>>
      %dma_wait3A_424 = arith.constant 0 : i32
      %dma_wait3A_425 = arith.constant 0 : i32
      %dma_wait3A_426 = tpu.memref_slice %arg9[%dma_wait3A_424, %dma_wait3A_425] : memref<10112x64xf32, #tpu.memory_space<vmem_shared>> -> memref<10112x64xf32, #tpu.memory_space<vmem_shared>>
      tpu.wait_indirect_dma semaphore(%arg12 : memref<!tpu.dma_semaphore, #tpu.memory_space<semaphore_mem>>) src(%dma_wait3A_426 : memref<10112x64xf32, #tpu.memory_space<vmem_shared>>) dst(%dma_wait3A_420 : memref<128x64xf32, #tpu.memory_space<vmem>>)
      %dma_start3A_427 = arith.constant 1 : i32
      %dma_start3A_428 = arith.constant 0 : i32
      %dma_start3A_429 = arith.constant 0 : i32
      %dma_start3A_430 = tpu.memref_slice %arg8[%dma_start3A_427, %dma_start3A_428, %dma_start3A_429] : memref<4x128x64xf32, #tpu.memory_space<vmem>> -> memref<1x128x64xf32, #tpu.memory_space<vmem>>
      %dma_start3A_431 = tpu.memref_squeeze %dma_start3A_430 : memref<1x128x64xf32, #tpu.memory_space<vmem>> -> memref<128x64xf32, #tpu.memory_space<vmem>>
      %dma_start3A_432 = arith.constant 0 : i32
      %dma_start3A_433 = tpu.memref_slice %arg7[%add3A_408, %dma_start3A_432] : memref<40x128xi32, #tpu.memory_space<vmem>> -> memref<1x128xi32, #tpu.memory_space<vmem>>
      %dma_start3A_434 = tpu.memref_squeeze %dma_start3A_433 : memref<1x128xi32, #tpu.memory_space<vmem>> -> memref<128xi32, #tpu.memory_space<vmem>>
      %dma_start3A_435 = arith.constant 0 : i32
      %dma_start3A_436 = arith.constant 0 : i32
      %dma_start3A_437 = tpu.memref_slice %arg10[%dma_start3A_435, %dma_start3A_436] : memref<10112x64xf32, #tpu.memory_space<vmem_shared>> -> memref<10112x64xf32, #tpu.memory_space<vmem_shared>>
      tpu.enqueue_indirect_dma source(%dma_start3A_431 : memref<128x64xf32, #tpu.memory_space<vmem>>) target(%dma_start3A_437 : memref<10112x64xf32, #tpu.memory_space<vmem_shared>>) offsets(%dma_start3A_434 : memref<128xi32, #tpu.memory_space<vmem>>) semaphore(%arg16 : memref<!tpu.dma_semaphore, #tpu.memory_space<semaphore_mem>>) {add = true}
      %mul3A_438 = arith.constant 4 : i32
      %mul3A_439 = arith.muli %scan3A_374, %mul3A_438 : i32
      %add3A_440 = arith.constant 2 : i32
      %add3A_441 = arith.addi %mul3A_439, %add3A_440 : i32
      %add3A_442 = arith.constant 2 : i32
      %add3A_443 = arith.addi %add3A_441, %add3A_442 : i32
      %lt3A_444 = arith.constant 40 : i32
      %lt3A_445 = arith.cmpi slt, %add3A_443, %lt3A_444 : i32
      %convert_element_type3A_446 = arith.extui %lt3A_445 : i1 to i32
      %cond3A_447 = arith.constant 0 : i32
      %cond3A_448 = arith.cmpi ne, %convert_element_type3A_446, %cond3A_447 : i32
      scf.if %cond3A_448 {
        %add3A_504 = arith.constant 2 : i32
        %add3A_505 = arith.addi %add3A_441, %add3A_504 : i32
        %ge3A = arith.constant 4 : i32
        %ge3A_506 = arith.cmpi sge, %add3A_505, %ge3A : i32
        %convert_element_type3A_507 = arith.extui %ge3A_506 : i1 to i32
        %cond3A_508 = arith.constant 0 : i32
        %cond3A_509 = arith.cmpi ne, %convert_element_type3A_507, %cond3A_508 : i32
        scf.if %cond3A_509 {
          %add3A_523 = arith.constant 2 : i32
          %add3A_524 = arith.addi %add3A_441, %add3A_523 : i32
          %sub3A = arith.constant 4 : i32
          %sub3A_525 = arith.subi %add3A_524, %sub3A : i32
          %dma_wait3A_526 = arith.constant 0 : i32
          %dma_wait3A_527 = arith.constant 0 : i32
          %dma_wait3A_528 = arith.constant 0 : i32
          %dma_wait3A_529 = tpu.memref_slice %arg8[%dma_wait3A_526, %dma_wait3A_527, %dma_wait3A_528] : memref<4x128x64xf32, #tpu.memory_space<vmem>> -> memref<1x128x64xf32, #tpu.memory_space<vmem>>
          %dma_wait3A_530 = tpu.memref_squeeze %dma_wait3A_529 : memref<1x128x64xf32, #tpu.memory_space<vmem>> -> memref<128x64xf32, #tpu.memory_space<vmem>>
          %dma_wait3A_531 = arith.constant 0 : i32
          %dma_wait3A_532 = tpu.memref_slice %arg7[%sub3A_525, %dma_wait3A_531] : memref<40x128xi32, #tpu.memory_space<vmem>> -> memref<1x128xi32, #tpu.memory_space<vmem>>
          %dma_wait3A_533 = tpu.memref_squeeze %dma_wait3A_532 : memref<1x128xi32, #tpu.memory_space<vmem>> -> memref<128xi32, #tpu.memory_space<vmem>>
          %dma_wait3A_534 = arith.constant 0 : i32
          %dma_wait3A_535 = arith.constant 0 : i32
          %dma_wait3A_536 = tpu.memref_slice %arg10[%dma_wait3A_534, %dma_wait3A_535] : memref<10112x64xf32, #tpu.memory_space<vmem_shared>> -> memref<10112x64xf32, #tpu.memory_space<vmem_shared>>
          tpu.wait_indirect_dma semaphore(%arg15 : memref<!tpu.dma_semaphore, #tpu.memory_space<semaphore_mem>>) src(%dma_wait3A_530 : memref<128x64xf32, #tpu.memory_space<vmem>>) dst(%dma_wait3A_536 : memref<10112x64xf32, #tpu.memory_space<vmem_shared>>)
        } else {
        }
        %add3A_510 = arith.constant 2 : i32
        %add3A_511 = arith.addi %add3A_441, %add3A_510 : i32
        %dma_start3A_512 = arith.constant 0 : i32
        %dma_start3A_513 = arith.constant 0 : i32
        %dma_start3A_514 = arith.constant 0 : i32
        %dma_start3A_515 = tpu.memref_slice %arg8[%dma_start3A_512, %dma_start3A_513, %dma_start3A_514] : memref<4x128x64xf32, #tpu.memory_space<vmem>> -> memref<1x128x64xf32, #tpu.memory_space<vmem>>
        %dma_start3A_516 = tpu.memref_squeeze %dma_start3A_515 : memref<1x128x64xf32, #tpu.memory_space<vmem>> -> memref<128x64xf32, #tpu.memory_space<vmem>>
        %dma_start3A_517 = arith.constant 0 : i32
        %dma_start3A_518 = tpu.memref_slice %arg6[%add3A_511, %dma_start3A_517] : memref<40x128xi32, #tpu.memory_space<vmem>> -> memref<1x128xi32, #tpu.memory_space<vmem>>
        %dma_start3A_519 = tpu.memref_squeeze %dma_start3A_518 : memref<1x128xi32, #tpu.memory_space<vmem>> -> memref<128xi32, #tpu.memory_space<vmem>>
        %dma_start3A_520 = arith.constant 0 : i32
        %dma_start3A_521 = arith.constant 0 : i32
        %dma_start3A_522 = tpu.memref_slice %arg9[%dma_start3A_520, %dma_start3A_521] : memref<10112x64xf32, #tpu.memory_space<vmem_shared>> -> memref<10112x64xf32, #tpu.memory_space<vmem_shared>>
        tpu.enqueue_indirect_dma source(%dma_start3A_522 : memref<10112x64xf32, #tpu.memory_space<vmem_shared>>) target(%dma_start3A_516 : memref<128x64xf32, #tpu.memory_space<vmem>>) offsets(%dma_start3A_519 : memref<128xi32, #tpu.memory_space<vmem>>) semaphore(%arg11 : memref<!tpu.dma_semaphore, #tpu.memory_space<semaphore_mem>>)
      } else {
      }
      %dma_wait3A_449 = arith.constant 2 : i32
      %dma_wait3A_450 = arith.constant 0 : i32
      %dma_wait3A_451 = arith.constant 0 : i32
      %dma_wait3A_452 = tpu.memref_slice %arg8[%dma_wait3A_449, %dma_wait3A_450, %dma_wait3A_451] : memref<4x128x64xf32, #tpu.memory_space<vmem>> -> memref<1x128x64xf32, #tpu.memory_space<vmem>>
      %dma_wait3A_453 = tpu.memref_squeeze %dma_wait3A_452 : memref<1x128x64xf32, #tpu.memory_space<vmem>> -> memref<128x64xf32, #tpu.memory_space<vmem>>
      %dma_wait3A_454 = arith.constant 0 : i32
      %dma_wait3A_455 = tpu.memref_slice %arg6[%add3A_441, %dma_wait3A_454] : memref<40x128xi32, #tpu.memory_space<vmem>> -> memref<1x128xi32, #tpu.memory_space<vmem>>
      %dma_wait3A_456 = tpu.memref_squeeze %dma_wait3A_455 : memref<1x128xi32, #tpu.memory_space<vmem>> -> memref<128xi32, #tpu.memory_space<vmem>>
      %dma_wait3A_457 = arith.constant 0 : i32
      %dma_wait3A_458 = arith.constant 0 : i32
      %dma_wait3A_459 = tpu.memref_slice %arg9[%dma_wait3A_457, %dma_wait3A_458] : memref<10112x64xf32, #tpu.memory_space<vmem_shared>> -> memref<10112x64xf32, #tpu.memory_space<vmem_shared>>
      tpu.wait_indirect_dma semaphore(%arg13 : memref<!tpu.dma_semaphore, #tpu.memory_space<semaphore_mem>>) src(%dma_wait3A_459 : memref<10112x64xf32, #tpu.memory_space<vmem_shared>>) dst(%dma_wait3A_453 : memref<128x64xf32, #tpu.memory_space<vmem>>)
      %dma_start3A_460 = arith.constant 2 : i32
      %dma_start3A_461 = arith.constant 0 : i32
      %dma_start3A_462 = arith.constant 0 : i32
      %dma_start3A_463 = tpu.memref_slice %arg8[%dma_start3A_460, %dma_start3A_461, %dma_start3A_462] : memref<4x128x64xf32, #tpu.memory_space<vmem>> -> memref<1x128x64xf32, #tpu.memory_space<vmem>>
      %dma_start3A_464 = tpu.memref_squeeze %dma_start3A_463 : memref<1x128x64xf32, #tpu.memory_space<vmem>> -> memref<128x64xf32, #tpu.memory_space<vmem>>
      %dma_start3A_465 = arith.constant 0 : i32
      %dma_start3A_466 = tpu.memref_slice %arg7[%add3A_441, %dma_start3A_465] : memref<40x128xi32, #tpu.memory_space<vmem>> -> memref<1x128xi32, #tpu.memory_space<vmem>>
      %dma_start3A_467 = tpu.memref_squeeze %dma_start3A_466 : memref<1x128xi32, #tpu.memory_space<vmem>> -> memref<128xi32, #tpu.memory_space<vmem>>
      %dma_start3A_468 = arith.constant 0 : i32
      %dma_start3A_469 = arith.constant 0 : i32
      %dma_start3A_470 = tpu.memref_slice %arg10[%dma_start3A_468, %dma_start3A_469] : memref<10112x64xf32, #tpu.memory_space<vmem_shared>> -> memref<10112x64xf32, #tpu.memory_space<vmem_shared>>
      tpu.enqueue_indirect_dma source(%dma_start3A_464 : memref<128x64xf32, #tpu.memory_space<vmem>>) target(%dma_start3A_470 : memref<10112x64xf32, #tpu.memory_space<vmem_shared>>) offsets(%dma_start3A_467 : memref<128xi32, #tpu.memory_space<vmem>>) semaphore(%arg17 : memref<!tpu.dma_semaphore, #tpu.memory_space<semaphore_mem>>) {add = true}
      %mul3A_471 = arith.constant 4 : i32
      %mul3A_472 = arith.muli %scan3A_374, %mul3A_471 : i32
      %add3A_473 = arith.constant 3 : i32
      %add3A_474 = arith.addi %mul3A_472, %add3A_473 : i32
      %add3A_475 = arith.constant 2 : i32
      %add3A_476 = arith.addi %add3A_474, %add3A_475 : i32
      %lt3A_477 = arith.constant 40 : i32
      %lt3A_478 = arith.cmpi slt, %add3A_476, %lt3A_477 : i32
      %convert_element_type3A_479 = arith.extui %lt3A_478 : i1 to i32
      %cond3A_480 = arith.constant 0 : i32
      %cond3A_481 = arith.cmpi ne, %convert_element_type3A_479, %cond3A_480 : i32
      scf.if %cond3A_481 {
        %add3A_504 = arith.constant 2 : i32
        %add3A_505 = arith.addi %add3A_474, %add3A_504 : i32
        %ge3A = arith.constant 4 : i32
        %ge3A_506 = arith.cmpi sge, %add3A_505, %ge3A : i32
        %convert_element_type3A_507 = arith.extui %ge3A_506 : i1 to i32
        %cond3A_508 = arith.constant 0 : i32
        %cond3A_509 = arith.cmpi ne, %convert_element_type3A_507, %cond3A_508 : i32
        scf.if %cond3A_509 {
          %add3A_523 = arith.constant 2 : i32
          %add3A_524 = arith.addi %add3A_474, %add3A_523 : i32
          %sub3A = arith.constant 4 : i32
          %sub3A_525 = arith.subi %add3A_524, %sub3A : i32
          %dma_wait3A_526 = arith.constant 1 : i32
          %dma_wait3A_527 = arith.constant 0 : i32
          %dma_wait3A_528 = arith.constant 0 : i32
          %dma_wait3A_529 = tpu.memref_slice %arg8[%dma_wait3A_526, %dma_wait3A_527, %dma_wait3A_528] : memref<4x128x64xf32, #tpu.memory_space<vmem>> -> memref<1x128x64xf32, #tpu.memory_space<vmem>>
          %dma_wait3A_530 = tpu.memref_squeeze %dma_wait3A_529 : memref<1x128x64xf32, #tpu.memory_space<vmem>> -> memref<128x64xf32, #tpu.memory_space<vmem>>
          %dma_wait3A_531 = arith.constant 0 : i32
          %dma_wait3A_532 = tpu.memref_slice %arg7[%sub3A_525, %dma_wait3A_531] : memref<40x128xi32, #tpu.memory_space<vmem>> -> memref<1x128xi32, #tpu.memory_space<vmem>>
          %dma_wait3A_533 = tpu.memref_squeeze %dma_wait3A_532 : memref<1x128xi32, #tpu.memory_space<vmem>> -> memref<128xi32, #tpu.memory_space<vmem>>
          %dma_wait3A_534 = arith.constant 0 : i32
          %dma_wait3A_535 = arith.constant 0 : i32
          %dma_wait3A_536 = tpu.memref_slice %arg10[%dma_wait3A_534, %dma_wait3A_535] : memref<10112x64xf32, #tpu.memory_space<vmem_shared>> -> memref<10112x64xf32, #tpu.memory_space<vmem_shared>>
          tpu.wait_indirect_dma semaphore(%arg16 : memref<!tpu.dma_semaphore, #tpu.memory_space<semaphore_mem>>) src(%dma_wait3A_530 : memref<128x64xf32, #tpu.memory_space<vmem>>) dst(%dma_wait3A_536 : memref<10112x64xf32, #tpu.memory_space<vmem_shared>>)
        } else {
        }
        %add3A_510 = arith.constant 2 : i32
        %add3A_511 = arith.addi %add3A_474, %add3A_510 : i32
        %dma_start3A_512 = arith.constant 1 : i32
        %dma_start3A_513 = arith.constant 0 : i32
        %dma_start3A_514 = arith.constant 0 : i32
        %dma_start3A_515 = tpu.memref_slice %arg8[%dma_start3A_512, %dma_start3A_513, %dma_start3A_514] : memref<4x128x64xf32, #tpu.memory_space<vmem>> -> memref<1x128x64xf32, #tpu.memory_space<vmem>>
        %dma_start3A_516 = tpu.memref_squeeze %dma_start3A_515 : memref<1x128x64xf32, #tpu.memory_space<vmem>> -> memref<128x64xf32, #tpu.memory_space<vmem>>
        %dma_start3A_517 = arith.constant 0 : i32
        %dma_start3A_518 = tpu.memref_slice %arg6[%add3A_511, %dma_start3A_517] : memref<40x128xi32, #tpu.memory_space<vmem>> -> memref<1x128xi32, #tpu.memory_space<vmem>>
        %dma_start3A_519 = tpu.memref_squeeze %dma_start3A_518 : memref<1x128xi32, #tpu.memory_space<vmem>> -> memref<128xi32, #tpu.memory_space<vmem>>
        %dma_start3A_520 = arith.constant 0 : i32
        %dma_start3A_521 = arith.constant 0 : i32
        %dma_start3A_522 = tpu.memref_slice %arg9[%dma_start3A_520, %dma_start3A_521] : memref<10112x64xf32, #tpu.memory_space<vmem_shared>> -> memref<10112x64xf32, #tpu.memory_space<vmem_shared>>
        tpu.enqueue_indirect_dma source(%dma_start3A_522 : memref<10112x64xf32, #tpu.memory_space<vmem_shared>>) target(%dma_start3A_516 : memref<128x64xf32, #tpu.memory_space<vmem>>) offsets(%dma_start3A_519 : memref<128xi32, #tpu.memory_space<vmem>>) semaphore(%arg12 : memref<!tpu.dma_semaphore, #tpu.memory_space<semaphore_mem>>)
      } else {
      }
      %dma_wait3A_482 = arith.constant 3 : i32
      %dma_wait3A_483 = arith.constant 0 : i32
      %dma_wait3A_484 = arith.constant 0 : i32
      %dma_wait3A_485 = tpu.memref_slice %arg8[%dma_wait3A_482, %dma_wait3A_483, %dma_wait3A_484] : memref<4x128x64xf32, #tpu.memory_space<vmem>> -> memref<1x128x64xf32, #tpu.memory_space<vmem>>
      %dma_wait3A_486 = tpu.memref_squeeze %dma_wait3A_485 : memref<1x128x64xf32, #tpu.memory_space<vmem>> -> memref<128x64xf32, #tpu.memory_space<vmem>>
      %dma_wait3A_487 = arith.constant 0 : i32
      %dma_wait3A_488 = tpu.memref_slice %arg6[%add3A_474, %dma_wait3A_487] : memref<40x128xi32, #tpu.memory_space<vmem>> -> memref<1x128xi32, #tpu.memory_space<vmem>>
      %dma_wait3A_489 = tpu.memref_squeeze %dma_wait3A_488 : memref<1x128xi32, #tpu.memory_space<vmem>> -> memref<128xi32, #tpu.memory_space<vmem>>
      %dma_wait3A_490 = arith.constant 0 : i32
      %dma_wait3A_491 = arith.constant 0 : i32
      %dma_wait3A_492 = tpu.memref_slice %arg9[%dma_wait3A_490, %dma_wait3A_491] : memref<10112x64xf32, #tpu.memory_space<vmem_shared>> -> memref<10112x64xf32, #tpu.memory_space<vmem_shared>>
      tpu.wait_indirect_dma semaphore(%arg14 : memref<!tpu.dma_semaphore, #tpu.memory_space<semaphore_mem>>) src(%dma_wait3A_492 : memref<10112x64xf32, #tpu.memory_space<vmem_shared>>) dst(%dma_wait3A_486 : memref<128x64xf32, #tpu.memory_space<vmem>>)
      %dma_start3A_493 = arith.constant 3 : i32
      %dma_start3A_494 = arith.constant 0 : i32
      %dma_start3A_495 = arith.constant 0 : i32
      %dma_start3A_496 = tpu.memref_slice %arg8[%dma_start3A_493, %dma_start3A_494, %dma_start3A_495] : memref<4x128x64xf32, #tpu.memory_space<vmem>> -> memref<1x128x64xf32, #tpu.memory_space<vmem>>
      %dma_start3A_497 = tpu.memref_squeeze %dma_start3A_496 : memref<1x128x64xf32, #tpu.memory_space<vmem>> -> memref<128x64xf32, #tpu.memory_space<vmem>>
      %dma_start3A_498 = arith.constant 0 : i32
      %dma_start3A_499 = tpu.memref_slice %arg7[%add3A_474, %dma_start3A_498] : memref<40x128xi32, #tpu.memory_space<vmem>> -> memref<1x128xi32, #tpu.memory_space<vmem>>
      %dma_start3A_500 = tpu.memref_squeeze %dma_start3A_499 : memref<1x128xi32, #tpu.memory_space<vmem>> -> memref<128xi32, #tpu.memory_space<vmem>>
      %dma_start3A_501 = arith.constant 0 : i32
      %dma_start3A_502 = arith.constant 0 : i32
      %dma_start3A_503 = tpu.memref_slice %arg10[%dma_start3A_501, %dma_start3A_502] : memref<10112x64xf32, #tpu.memory_space<vmem_shared>> -> memref<10112x64xf32, #tpu.memory_space<vmem_shared>>
      tpu.enqueue_indirect_dma source(%dma_start3A_497 : memref<128x64xf32, #tpu.memory_space<vmem>>) target(%dma_start3A_503 : memref<10112x64xf32, #tpu.memory_space<vmem_shared>>) offsets(%dma_start3A_500 : memref<128xi32, #tpu.memory_space<vmem>>) semaphore(%arg18 : memref<!tpu.dma_semaphore, #tpu.memory_space<semaphore_mem>>) {add = true}
    }
    %scan3A_150 = arith.constant 10 : i32
    %dma_wait3A_151 = arith.constant 0 : i32
    %dma_wait3A_152 = arith.constant 36 : i32
    %dma_wait3A_153 = arith.constant 0 : i32
    %dma_wait3A_154 = arith.constant 0 : i32
    %dma_wait3A_155 = tpu.memref_slice %arg8[%dma_wait3A_151, %dma_wait3A_153, %dma_wait3A_154] : memref<4x128x64xf32, #tpu.memory_space<vmem>> -> memref<1x128x64xf32, #tpu.memory_space<vmem>>
    %dma_wait3A_156 = tpu.memref_squeeze %dma_wait3A_155 : memref<1x128x64xf32, #tpu.memory_space<vmem>> -> memref<128x64xf32, #tpu.memory_space<vmem>>
    %dma_wait3A_157 = arith.constant 0 : i32
    %dma_wait3A_158 = tpu.memref_slice %arg7[%dma_wait3A_152, %dma_wait3A_157] : memref<40x128xi32, #tpu.memory_space<vmem>> -> memref<1x128xi32, #tpu.memory_space<vmem>>
    %dma_wait3A_159 = tpu.memref_squeeze %dma_wait3A_158 : memref<1x128xi32, #tpu.memory_space<vmem>> -> memref<128xi32, #tpu.memory_space<vmem>>
    %dma_wait3A_160 = arith.constant 0 : i32
    %dma_wait3A_161 = arith.constant 0 : i32
    %dma_wait3A_162 = tpu.memref_slice %arg10[%dma_wait3A_160, %dma_wait3A_161] : memref<10112x64xf32, #tpu.memory_space<vmem_shared>> -> memref<10112x64xf32, #tpu.memory_space<vmem_shared>>
    tpu.wait_indirect_dma semaphore(%arg15 : memref<!tpu.dma_semaphore, #tpu.memory_space<semaphore_mem>>) src(%dma_wait3A_156 : memref<128x64xf32, #tpu.memory_space<vmem>>) dst(%dma_wait3A_162 : memref<10112x64xf32, #tpu.memory_space<vmem_shared>>)
    %dma_wait3A_163 = arith.constant 1 : i32
    %dma_wait3A_164 = arith.constant 37 : i32
    %dma_wait3A_165 = arith.constant 0 : i32
    %dma_wait3A_166 = arith.constant 0 : i32
    %dma_wait3A_167 = tpu.memref_slice %arg8[%dma_wait3A_163, %dma_wait3A_165, %dma_wait3A_166] : memref<4x128x64xf32, #tpu.memory_space<vmem>> -> memref<1x128x64xf32, #tpu.memory_space<vmem>>
    %dma_wait3A_168 = tpu.memref_squeeze %dma_wait3A_167 : memref<1x128x64xf32, #tpu.memory_space<vmem>> -> memref<128x64xf32, #tpu.memory_space<vmem>>
    %dma_wait3A_169 = arith.constant 0 : i32
    %dma_wait3A_170 = tpu.memref_slice %arg7[%dma_wait3A_164, %dma_wait3A_169] : memref<40x128xi32, #tpu.memory_space<vmem>> -> memref<1x128xi32, #tpu.memory_space<vmem>>
    %dma_wait3A_171 = tpu.memref_squeeze %dma_wait3A_170 : memref<1x128xi32, #tpu.memory_space<vmem>> -> memref<128xi32, #tpu.memory_space<vmem>>
    %dma_wait3A_172 = arith.constant 0 : i32
    %dma_wait3A_173 = arith.constant 0 : i32
    %dma_wait3A_174 = tpu.memref_slice %arg10[%dma_wait3A_172, %dma_wait3A_173] : memref<10112x64xf32, #tpu.memory_space<vmem_shared>> -> memref<10112x64xf32, #tpu.memory_space<vmem_shared>>
    tpu.wait_indirect_dma semaphore(%arg16 : memref<!tpu.dma_semaphore, #tpu.memory_space<semaphore_mem>>) src(%dma_wait3A_168 : memref<128x64xf32, #tpu.memory_space<vmem>>) dst(%dma_wait3A_174 : memref<10112x64xf32, #tpu.memory_space<vmem_shared>>)
    %dma_wait3A_175 = arith.constant 2 : i32
    %dma_wait3A_176 = arith.constant 38 : i32
    %dma_wait3A_177 = arith.constant 0 : i32
    %dma_wait3A_178 = arith.constant 0 : i32
    %dma_wait3A_179 = tpu.memref_slice %arg8[%dma_wait3A_175, %dma_wait3A_177, %dma_wait3A_178] : memref<4x128x64xf32, #tpu.memory_space<vmem>> -> memref<1x128x64xf32, #tpu.memory_space<vmem>>
    %dma_wait3A_180 = tpu.memref_squeeze %dma_wait3A_179 : memref<1x128x64xf32, #tpu.memory_space<vmem>> -> memref<128x64xf32, #tpu.memory_space<vmem>>
    %dma_wait3A_181 = arith.constant 0 : i32
    %dma_wait3A_182 = tpu.memref_slice %arg7[%dma_wait3A_176, %dma_wait3A_181] : memref<40x128xi32, #tpu.memory_space<vmem>> -> memref<1x128xi32, #tpu.memory_space<vmem>>
    %dma_wait3A_183 = tpu.memref_squeeze %dma_wait3A_182 : memref<1x128xi32, #tpu.memory_space<vmem>> -> memref<128xi32, #tpu.memory_space<vmem>>
    %dma_wait3A_184 = arith.constant 0 : i32
    %dma_wait3A_185 = arith.constant 0 : i32
    %dma_wait3A_186 = tpu.memref_slice %arg10[%dma_wait3A_184, %dma_wait3A_185] : memref<10112x64xf32, #tpu.memory_space<vmem_shared>> -> memref<10112x64xf32, #tpu.memory_space<vmem_shared>>
    tpu.wait_indirect_dma semaphore(%arg17 : memref<!tpu.dma_semaphore, #tpu.memory_space<semaphore_mem>>) src(%dma_wait3A_180 : memref<128x64xf32, #tpu.memory_space<vmem>>) dst(%dma_wait3A_186 : memref<10112x64xf32, #tpu.memory_space<vmem_shared>>)
    %dma_wait3A_187 = arith.constant 3 : i32
    %dma_wait3A_188 = arith.constant 39 : i32
    %dma_wait3A_189 = arith.constant 0 : i32
    %dma_wait3A_190 = arith.constant 0 : i32
    %dma_wait3A_191 = tpu.memref_slice %arg8[%dma_wait3A_187, %dma_wait3A_189, %dma_wait3A_190] : memref<4x128x64xf32, #tpu.memory_space<vmem>> -> memref<1x128x64xf32, #tpu.memory_space<vmem>>
    %dma_wait3A_192 = tpu.memref_squeeze %dma_wait3A_191 : memref<1x128x64xf32, #tpu.memory_space<vmem>> -> memref<128x64xf32, #tpu.memory_space<vmem>>
    %dma_wait3A_193 = arith.constant 0 : i32
    %dma_wait3A_194 = tpu.memref_slice %arg7[%dma_wait3A_188, %dma_wait3A_193] : memref<40x128xi32, #tpu.memory_space<vmem>> -> memref<1x128xi32, #tpu.memory_space<vmem>>
    %dma_wait3A_195 = tpu.memref_squeeze %dma_wait3A_194 : memref<1x128xi32, #tpu.memory_space<vmem>> -> memref<128xi32, #tpu.memory_space<vmem>>
    %dma_wait3A_196 = arith.constant 0 : i32
    %dma_wait3A_197 = arith.constant 0 : i32
    %dma_wait3A_198 = tpu.memref_slice %arg10[%dma_wait3A_196, %dma_wait3A_197] : memref<10112x64xf32, #tpu.memory_space<vmem_shared>> -> memref<10112x64xf32, #tpu.memory_space<vmem_shared>>
    tpu.wait_indirect_dma semaphore(%arg18 : memref<!tpu.dma_semaphore, #tpu.memory_space<semaphore_mem>>) src(%dma_wait3A_192 : memref<128x64xf32, #tpu.memory_space<vmem>>) dst(%dma_wait3A_198 : memref<10112x64xf32, #tpu.memory_space<vmem_shared>>)
    %mul3A_199 = arith.constant 160 : i32
    %mul3A_200 = arith.muli %arg1, %mul3A_199 : i32
    %add3A_201 = arith.constant 80 : i32
    %add3A_202 = arith.addi %mul3A_200, %add3A_201 : i32
    "tpu.region"() ({
      %run_scoped3A_374 = tpu.sem_alloc : memref<!tpu.dma_semaphore, #tpu.memory_space<semaphore_mem>>
      %dma_start3A_375 = arith.constant 0 : i32
      %dma_start3A_376 = tpu.memref_slice %arg3[%add3A_202, %dma_start3A_375] : memref<2560x128xi32, #tpu.memory_space<hbm>> -> memref<40x128xi32, #tpu.memory_space<hbm>>
      %dma_start3A_377 = arith.constant 0 : i32
      %dma_start3A_378 = tpu.memref_slice %arg3[%add3A_202, %dma_start3A_377] : memref<2560x128xi32, #tpu.memory_space<hbm>> -> memref<40x128xi32, #tpu.memory_space<hbm>>
      tpu.enqueue_dma source(%dma_start3A_378 : memref<40x128xi32, #tpu.memory_space<hbm>>) target(%arg6 : memref<40x128xi32, #tpu.memory_space<vmem>>) target_semaphore(%run_scoped3A_374 : memref<!tpu.dma_semaphore, #tpu.memory_space<semaphore_mem>>)
      %dma_wait3A_379 = arith.constant 0 : i32
      %dma_wait3A_380 = tpu.memref_slice %arg3[%add3A_202, %dma_wait3A_379] : memref<2560x128xi32, #tpu.memory_space<hbm>> -> memref<40x128xi32, #tpu.memory_space<hbm>>
      %dma_wait3A_381 = arith.constant 0 : i32
      %dma_wait3A_382 = tpu.memref_slice %arg3[%add3A_202, %dma_wait3A_381] : memref<2560x128xi32, #tpu.memory_space<hbm>> -> memref<40x128xi32, #tpu.memory_space<hbm>>
      tpu.wait_dma2 semaphore(%run_scoped3A_374 : memref<!tpu.dma_semaphore, #tpu.memory_space<semaphore_mem>>) src(%dma_wait3A_382 : memref<40x128xi32, #tpu.memory_space<hbm>>) dst(%arg6 : memref<40x128xi32, #tpu.memory_space<vmem>>)
      tpu.yield
    }) : () -> ()
    %mul3A_203 = arith.constant 160 : i32
    %mul3A_204 = arith.muli %arg1, %mul3A_203 : i32
    %add3A_205 = arith.constant 80 : i32
    %add3A_206 = arith.addi %mul3A_204, %add3A_205 : i32
    "tpu.region"() ({
      %run_scoped3A_374 = tpu.sem_alloc : memref<!tpu.dma_semaphore, #tpu.memory_space<semaphore_mem>>
      %dma_start3A_375 = arith.constant 0 : i32
      %dma_start3A_376 = tpu.memref_slice %arg4[%add3A_206, %dma_start3A_375] : memref<2560x128xi32, #tpu.memory_space<hbm>> -> memref<40x128xi32, #tpu.memory_space<hbm>>
      %dma_start3A_377 = arith.constant 0 : i32
      %dma_start3A_378 = tpu.memref_slice %arg4[%add3A_206, %dma_start3A_377] : memref<2560x128xi32, #tpu.memory_space<hbm>> -> memref<40x128xi32, #tpu.memory_space<hbm>>
      tpu.enqueue_dma source(%dma_start3A_378 : memref<40x128xi32, #tpu.memory_space<hbm>>) target(%arg7 : memref<40x128xi32, #tpu.memory_space<vmem>>) target_semaphore(%run_scoped3A_374 : memref<!tpu.dma_semaphore, #tpu.memory_space<semaphore_mem>>)
      %dma_wait3A_379 = arith.constant 0 : i32
      %dma_wait3A_380 = tpu.memref_slice %arg4[%add3A_206, %dma_wait3A_379] : memref<2560x128xi32, #tpu.memory_space<hbm>> -> memref<40x128xi32, #tpu.memory_space<hbm>>
      %dma_wait3A_381 = arith.constant 0 : i32
      %dma_wait3A_382 = tpu.memref_slice %arg4[%add3A_206, %dma_wait3A_381] : memref<2560x128xi32, #tpu.memory_space<hbm>> -> memref<40x128xi32, #tpu.memory_space<hbm>>
      tpu.wait_dma2 semaphore(%run_scoped3A_374 : memref<!tpu.dma_semaphore, #tpu.memory_space<semaphore_mem>>) src(%dma_wait3A_382 : memref<40x128xi32, #tpu.memory_space<hbm>>) dst(%arg7 : memref<40x128xi32, #tpu.memory_space<vmem>>)
      tpu.yield
    }) : () -> ()
    %dma_start3A_207 = arith.constant 0 : i32
    %dma_start3A_208 = arith.constant 0 : i32
    %dma_start3A_209 = arith.constant 0 : i32
    %dma_start3A_210 = arith.constant 0 : i32
    %dma_start3A_211 = tpu.memref_slice %arg8[%dma_start3A_208, %dma_start3A_209, %dma_start3A_210] : memref<4x128x64xf32, #tpu.memory_space<vmem>> -> memref<1x128x64xf32, #tpu.memory_space<vmem>>
    %dma_start3A_212 = tpu.memref_squeeze %dma_start3A_211 : memref<1x128x64xf32, #tpu.memory_space<vmem>> -> memref<128x64xf32, #tpu.memory_space<vmem>>
    %dma_start3A_213 = arith.constant 0 : i32
    %dma_start3A_214 = tpu.memref_slice %arg6[%dma_start3A_207, %dma_start3A_213] : memref<40x128xi32, #tpu.memory_space<vmem>> -> memref<1x128xi32, #tpu.memory_space<vmem>>
    %dma_start3A_215 = tpu.memref_squeeze %dma_start3A_214 : memref<1x128xi32, #tpu.memory_space<vmem>> -> memref<128xi32, #tpu.memory_space<vmem>>
    %dma_start3A_216 = arith.constant 0 : i32
    %dma_start3A_217 = arith.constant 0 : i32
    %dma_start3A_218 = tpu.memref_slice %arg9[%dma_start3A_216, %dma_start3A_217] : memref<10112x64xf32, #tpu.memory_space<vmem_shared>> -> memref<10112x64xf32, #tpu.memory_space<vmem_shared>>
    tpu.enqueue_indirect_dma source(%dma_start3A_218 : memref<10112x64xf32, #tpu.memory_space<vmem_shared>>) target(%dma_start3A_212 : memref<128x64xf32, #tpu.memory_space<vmem>>) offsets(%dma_start3A_215 : memref<128xi32, #tpu.memory_space<vmem>>) semaphore(%arg11 : memref<!tpu.dma_semaphore, #tpu.memory_space<semaphore_mem>>)
    %dma_start3A_219 = arith.constant 1 : i32
    %dma_start3A_220 = arith.constant 1 : i32
    %dma_start3A_221 = arith.constant 0 : i32
    %dma_start3A_222 = arith.constant 0 : i32
    %dma_start3A_223 = tpu.memref_slice %arg8[%dma_start3A_220, %dma_start3A_221, %dma_start3A_222] : memref<4x128x64xf32, #tpu.memory_space<vmem>> -> memref<1x128x64xf32, #tpu.memory_space<vmem>>
    %dma_start3A_224 = tpu.memref_squeeze %dma_start3A_223 : memref<1x128x64xf32, #tpu.memory_space<vmem>> -> memref<128x64xf32, #tpu.memory_space<vmem>>
    %dma_start3A_225 = arith.constant 0 : i32
    %dma_start3A_226 = tpu.memref_slice %arg6[%dma_start3A_219, %dma_start3A_225] : memref<40x128xi32, #tpu.memory_space<vmem>> -> memref<1x128xi32, #tpu.memory_space<vmem>>
    %dma_start3A_227 = tpu.memref_squeeze %dma_start3A_226 : memref<1x128xi32, #tpu.memory_space<vmem>> -> memref<128xi32, #tpu.memory_space<vmem>>
    %dma_start3A_228 = arith.constant 0 : i32
    %dma_start3A_229 = arith.constant 0 : i32
    %dma_start3A_230 = tpu.memref_slice %arg9[%dma_start3A_228, %dma_start3A_229] : memref<10112x64xf32, #tpu.memory_space<vmem_shared>> -> memref<10112x64xf32, #tpu.memory_space<vmem_shared>>
    tpu.enqueue_indirect_dma source(%dma_start3A_230 : memref<10112x64xf32, #tpu.memory_space<vmem_shared>>) target(%dma_start3A_224 : memref<128x64xf32, #tpu.memory_space<vmem>>) offsets(%dma_start3A_227 : memref<128xi32, #tpu.memory_space<vmem>>) semaphore(%arg12 : memref<!tpu.dma_semaphore, #tpu.memory_space<semaphore_mem>>)
    %scan3A_231 = arith.constant 0 : i32
    %scan3A_232 = arith.constant 10 : i32
    %scan3A_233 = arith.addi %scan3A_231, %scan3A_232 : i32
    %scan3A_234 = arith.constant 1 : i32
    scf.for %scan3A_374 = %scan3A_231 to %scan3A_233 step %scan3A_234  : i32 {
      %mul3A_375 = arith.constant 4 : i32
      %mul3A_376 = arith.muli %scan3A_374, %mul3A_375 : i32
      %add3A_377 = arith.constant 0 : i32
      %add3A_378 = arith.addi %mul3A_376, %add3A_377 : i32
      %add3A_379 = arith.constant 2 : i32
      %add3A_380 = arith.addi %add3A_378, %add3A_379 : i32
      %lt3A = arith.constant 40 : i32
      %lt3A_381 = arith.cmpi slt, %add3A_380, %lt3A : i32
      %convert_element_type3A = arith.extui %lt3A_381 : i1 to i32
      %cond3A = arith.constant 0 : i32
      %cond3A_382 = arith.cmpi ne, %convert_element_type3A, %cond3A : i32
      scf.if %cond3A_382 {
        %add3A_504 = arith.constant 2 : i32
        %add3A_505 = arith.addi %add3A_378, %add3A_504 : i32
        %ge3A = arith.constant 4 : i32
        %ge3A_506 = arith.cmpi sge, %add3A_505, %ge3A : i32
        %convert_element_type3A_507 = arith.extui %ge3A_506 : i1 to i32
        %cond3A_508 = arith.constant 0 : i32
        %cond3A_509 = arith.cmpi ne, %convert_element_type3A_507, %cond3A_508 : i32
        scf.if %cond3A_509 {
          %add3A_523 = arith.constant 2 : i32
          %add3A_524 = arith.addi %add3A_378, %add3A_523 : i32
          %sub3A = arith.constant 4 : i32
          %sub3A_525 = arith.subi %add3A_524, %sub3A : i32
          %dma_wait3A_526 = arith.constant 2 : i32
          %dma_wait3A_527 = arith.constant 0 : i32
          %dma_wait3A_528 = arith.constant 0 : i32
          %dma_wait3A_529 = tpu.memref_slice %arg8[%dma_wait3A_526, %dma_wait3A_527, %dma_wait3A_528] : memref<4x128x64xf32, #tpu.memory_space<vmem>> -> memref<1x128x64xf32, #tpu.memory_space<vmem>>
          %dma_wait3A_530 = tpu.memref_squeeze %dma_wait3A_529 : memref<1x128x64xf32, #tpu.memory_space<vmem>> -> memref<128x64xf32, #tpu.memory_space<vmem>>
          %dma_wait3A_531 = arith.constant 0 : i32
          %dma_wait3A_532 = tpu.memref_slice %arg7[%sub3A_525, %dma_wait3A_531] : memref<40x128xi32, #tpu.memory_space<vmem>> -> memref<1x128xi32, #tpu.memory_space<vmem>>
          %dma_wait3A_533 = tpu.memref_squeeze %dma_wait3A_532 : memref<1x128xi32, #tpu.memory_space<vmem>> -> memref<128xi32, #tpu.memory_space<vmem>>
          %dma_wait3A_534 = arith.constant 0 : i32
          %dma_wait3A_535 = arith.constant 0 : i32
          %dma_wait3A_536 = tpu.memref_slice %arg10[%dma_wait3A_534, %dma_wait3A_535] : memref<10112x64xf32, #tpu.memory_space<vmem_shared>> -> memref<10112x64xf32, #tpu.memory_space<vmem_shared>>
          tpu.wait_indirect_dma semaphore(%arg17 : memref<!tpu.dma_semaphore, #tpu.memory_space<semaphore_mem>>) src(%dma_wait3A_530 : memref<128x64xf32, #tpu.memory_space<vmem>>) dst(%dma_wait3A_536 : memref<10112x64xf32, #tpu.memory_space<vmem_shared>>)
        } else {
        }
        %add3A_510 = arith.constant 2 : i32
        %add3A_511 = arith.addi %add3A_378, %add3A_510 : i32
        %dma_start3A_512 = arith.constant 2 : i32
        %dma_start3A_513 = arith.constant 0 : i32
        %dma_start3A_514 = arith.constant 0 : i32
        %dma_start3A_515 = tpu.memref_slice %arg8[%dma_start3A_512, %dma_start3A_513, %dma_start3A_514] : memref<4x128x64xf32, #tpu.memory_space<vmem>> -> memref<1x128x64xf32, #tpu.memory_space<vmem>>
        %dma_start3A_516 = tpu.memref_squeeze %dma_start3A_515 : memref<1x128x64xf32, #tpu.memory_space<vmem>> -> memref<128x64xf32, #tpu.memory_space<vmem>>
        %dma_start3A_517 = arith.constant 0 : i32
        %dma_start3A_518 = tpu.memref_slice %arg6[%add3A_511, %dma_start3A_517] : memref<40x128xi32, #tpu.memory_space<vmem>> -> memref<1x128xi32, #tpu.memory_space<vmem>>
        %dma_start3A_519 = tpu.memref_squeeze %dma_start3A_518 : memref<1x128xi32, #tpu.memory_space<vmem>> -> memref<128xi32, #tpu.memory_space<vmem>>
        %dma_start3A_520 = arith.constant 0 : i32
        %dma_start3A_521 = arith.constant 0 : i32
        %dma_start3A_522 = tpu.memref_slice %arg9[%dma_start3A_520, %dma_start3A_521] : memref<10112x64xf32, #tpu.memory_space<vmem_shared>> -> memref<10112x64xf32, #tpu.memory_space<vmem_shared>>
        tpu.enqueue_indirect_dma source(%dma_start3A_522 : memref<10112x64xf32, #tpu.memory_space<vmem_shared>>) target(%dma_start3A_516 : memref<128x64xf32, #tpu.memory_space<vmem>>) offsets(%dma_start3A_519 : memref<128xi32, #tpu.memory_space<vmem>>) semaphore(%arg13 : memref<!tpu.dma_semaphore, #tpu.memory_space<semaphore_mem>>)
      } else {
      }
      %dma_wait3A_383 = arith.constant 0 : i32
      %dma_wait3A_384 = arith.constant 0 : i32
      %dma_wait3A_385 = arith.constant 0 : i32
      %dma_wait3A_386 = tpu.memref_slice %arg8[%dma_wait3A_383, %dma_wait3A_384, %dma_wait3A_385] : memref<4x128x64xf32, #tpu.memory_space<vmem>> -> memref<1x128x64xf32, #tpu.memory_space<vmem>>
      %dma_wait3A_387 = tpu.memref_squeeze %dma_wait3A_386 : memref<1x128x64xf32, #tpu.memory_space<vmem>> -> memref<128x64xf32, #tpu.memory_space<vmem>>
      %dma_wait3A_388 = arith.constant 0 : i32
      %dma_wait3A_389 = tpu.memref_slice %arg6[%add3A_378, %dma_wait3A_388] : memref<40x128xi32, #tpu.memory_space<vmem>> -> memref<1x128xi32, #tpu.memory_space<vmem>>
      %dma_wait3A_390 = tpu.memref_squeeze %dma_wait3A_389 : memref<1x128xi32, #tpu.memory_space<vmem>> -> memref<128xi32, #tpu.memory_space<vmem>>
      %dma_wait3A_391 = arith.constant 0 : i32
      %dma_wait3A_392 = arith.constant 0 : i32
      %dma_wait3A_393 = tpu.memref_slice %arg9[%dma_wait3A_391, %dma_wait3A_392] : memref<10112x64xf32, #tpu.memory_space<vmem_shared>> -> memref<10112x64xf32, #tpu.memory_space<vmem_shared>>
      tpu.wait_indirect_dma semaphore(%arg11 : memref<!tpu.dma_semaphore, #tpu.memory_space<semaphore_mem>>) src(%dma_wait3A_393 : memref<10112x64xf32, #tpu.memory_space<vmem_shared>>) dst(%dma_wait3A_387 : memref<128x64xf32, #tpu.memory_space<vmem>>)
      %dma_start3A_394 = arith.constant 0 : i32
      %dma_start3A_395 = arith.constant 0 : i32
      %dma_start3A_396 = arith.constant 0 : i32
      %dma_start3A_397 = tpu.memref_slice %arg8[%dma_start3A_394, %dma_start3A_395, %dma_start3A_396] : memref<4x128x64xf32, #tpu.memory_space<vmem>> -> memref<1x128x64xf32, #tpu.memory_space<vmem>>
      %dma_start3A_398 = tpu.memref_squeeze %dma_start3A_397 : memref<1x128x64xf32, #tpu.memory_space<vmem>> -> memref<128x64xf32, #tpu.memory_space<vmem>>
      %dma_start3A_399 = arith.constant 0 : i32
      %dma_start3A_400 = tpu.memref_slice %arg7[%add3A_378, %dma_start3A_399] : memref<40x128xi32, #tpu.memory_space<vmem>> -> memref<1x128xi32, #tpu.memory_space<vmem>>
      %dma_start3A_401 = tpu.memref_squeeze %dma_start3A_400 : memref<1x128xi32, #tpu.memory_space<vmem>> -> memref<128xi32, #tpu.memory_space<vmem>>
      %dma_start3A_402 = arith.constant 0 : i32
      %dma_start3A_403 = arith.constant 0 : i32
      %dma_start3A_404 = tpu.memref_slice %arg10[%dma_start3A_402, %dma_start3A_403] : memref<10112x64xf32, #tpu.memory_space<vmem_shared>> -> memref<10112x64xf32, #tpu.memory_space<vmem_shared>>
      tpu.enqueue_indirect_dma source(%dma_start3A_398 : memref<128x64xf32, #tpu.memory_space<vmem>>) target(%dma_start3A_404 : memref<10112x64xf32, #tpu.memory_space<vmem_shared>>) offsets(%dma_start3A_401 : memref<128xi32, #tpu.memory_space<vmem>>) semaphore(%arg15 : memref<!tpu.dma_semaphore, #tpu.memory_space<semaphore_mem>>) {add = true}
      %mul3A_405 = arith.constant 4 : i32
      %mul3A_406 = arith.muli %scan3A_374, %mul3A_405 : i32
      %add3A_407 = arith.constant 1 : i32
      %add3A_408 = arith.addi %mul3A_406, %add3A_407 : i32
      %add3A_409 = arith.constant 2 : i32
      %add3A_410 = arith.addi %add3A_408, %add3A_409 : i32
      %lt3A_411 = arith.constant 40 : i32
      %lt3A_412 = arith.cmpi slt, %add3A_410, %lt3A_411 : i32
      %convert_element_type3A_413 = arith.extui %lt3A_412 : i1 to i32
      %cond3A_414 = arith.constant 0 : i32
      %cond3A_415 = arith.cmpi ne, %convert_element_type3A_413, %cond3A_414 : i32
      scf.if %cond3A_415 {
        %add3A_504 = arith.constant 2 : i32
        %add3A_505 = arith.addi %add3A_408, %add3A_504 : i32
        %ge3A = arith.constant 4 : i32
        %ge3A_506 = arith.cmpi sge, %add3A_505, %ge3A : i32
        %convert_element_type3A_507 = arith.extui %ge3A_506 : i1 to i32
        %cond3A_508 = arith.constant 0 : i32
        %cond3A_509 = arith.cmpi ne, %convert_element_type3A_507, %cond3A_508 : i32
        scf.if %cond3A_509 {
          %add3A_523 = arith.constant 2 : i32
          %add3A_524 = arith.addi %add3A_408, %add3A_523 : i32
          %sub3A = arith.constant 4 : i32
          %sub3A_525 = arith.subi %add3A_524, %sub3A : i32
          %dma_wait3A_526 = arith.constant 3 : i32
          %dma_wait3A_527 = arith.constant 0 : i32
          %dma_wait3A_528 = arith.constant 0 : i32
          %dma_wait3A_529 = tpu.memref_slice %arg8[%dma_wait3A_526, %dma_wait3A_527, %dma_wait3A_528] : memref<4x128x64xf32, #tpu.memory_space<vmem>> -> memref<1x128x64xf32, #tpu.memory_space<vmem>>
          %dma_wait3A_530 = tpu.memref_squeeze %dma_wait3A_529 : memref<1x128x64xf32, #tpu.memory_space<vmem>> -> memref<128x64xf32, #tpu.memory_space<vmem>>
          %dma_wait3A_531 = arith.constant 0 : i32
          %dma_wait3A_532 = tpu.memref_slice %arg7[%sub3A_525, %dma_wait3A_531] : memref<40x128xi32, #tpu.memory_space<vmem>> -> memref<1x128xi32, #tpu.memory_space<vmem>>
          %dma_wait3A_533 = tpu.memref_squeeze %dma_wait3A_532 : memref<1x128xi32, #tpu.memory_space<vmem>> -> memref<128xi32, #tpu.memory_space<vmem>>
          %dma_wait3A_534 = arith.constant 0 : i32
          %dma_wait3A_535 = arith.constant 0 : i32
          %dma_wait3A_536 = tpu.memref_slice %arg10[%dma_wait3A_534, %dma_wait3A_535] : memref<10112x64xf32, #tpu.memory_space<vmem_shared>> -> memref<10112x64xf32, #tpu.memory_space<vmem_shared>>
          tpu.wait_indirect_dma semaphore(%arg18 : memref<!tpu.dma_semaphore, #tpu.memory_space<semaphore_mem>>) src(%dma_wait3A_530 : memref<128x64xf32, #tpu.memory_space<vmem>>) dst(%dma_wait3A_536 : memref<10112x64xf32, #tpu.memory_space<vmem_shared>>)
        } else {
        }
        %add3A_510 = arith.constant 2 : i32
        %add3A_511 = arith.addi %add3A_408, %add3A_510 : i32
        %dma_start3A_512 = arith.constant 3 : i32
        %dma_start3A_513 = arith.constant 0 : i32
        %dma_start3A_514 = arith.constant 0 : i32
        %dma_start3A_515 = tpu.memref_slice %arg8[%dma_start3A_512, %dma_start3A_513, %dma_start3A_514] : memref<4x128x64xf32, #tpu.memory_space<vmem>> -> memref<1x128x64xf32, #tpu.memory_space<vmem>>
        %dma_start3A_516 = tpu.memref_squeeze %dma_start3A_515 : memref<1x128x64xf32, #tpu.memory_space<vmem>> -> memref<128x64xf32, #tpu.memory_space<vmem>>
        %dma_start3A_517 = arith.constant 0 : i32
        %dma_start3A_518 = tpu.memref_slice %arg6[%add3A_511, %dma_start3A_517] : memref<40x128xi32, #tpu.memory_space<vmem>> -> memref<1x128xi32, #tpu.memory_space<vmem>>
        %dma_start3A_519 = tpu.memref_squeeze %dma_start3A_518 : memref<1x128xi32, #tpu.memory_space<vmem>> -> memref<128xi32, #tpu.memory_space<vmem>>
        %dma_start3A_520 = arith.constant 0 : i32
        %dma_start3A_521 = arith.constant 0 : i32
        %dma_start3A_522 = tpu.memref_slice %arg9[%dma_start3A_520, %dma_start3A_521] : memref<10112x64xf32, #tpu.memory_space<vmem_shared>> -> memref<10112x64xf32, #tpu.memory_space<vmem_shared>>
        tpu.enqueue_indirect_dma source(%dma_start3A_522 : memref<10112x64xf32, #tpu.memory_space<vmem_shared>>) target(%dma_start3A_516 : memref<128x64xf32, #tpu.memory_space<vmem>>) offsets(%dma_start3A_519 : memref<128xi32, #tpu.memory_space<vmem>>) semaphore(%arg14 : memref<!tpu.dma_semaphore, #tpu.memory_space<semaphore_mem>>)
      } else {
      }
      %dma_wait3A_416 = arith.constant 1 : i32
      %dma_wait3A_417 = arith.constant 0 : i32
      %dma_wait3A_418 = arith.constant 0 : i32
      %dma_wait3A_419 = tpu.memref_slice %arg8[%dma_wait3A_416, %dma_wait3A_417, %dma_wait3A_418] : memref<4x128x64xf32, #tpu.memory_space<vmem>> -> memref<1x128x64xf32, #tpu.memory_space<vmem>>
      %dma_wait3A_420 = tpu.memref_squeeze %dma_wait3A_419 : memref<1x128x64xf32, #tpu.memory_space<vmem>> -> memref<128x64xf32, #tpu.memory_space<vmem>>
      %dma_wait3A_421 = arith.constant 0 : i32
      %dma_wait3A_422 = tpu.memref_slice %arg6[%add3A_408, %dma_wait3A_421] : memref<40x128xi32, #tpu.memory_space<vmem>> -> memref<1x128xi32, #tpu.memory_space<vmem>>
      %dma_wait3A_423 = tpu.memref_squeeze %dma_wait3A_422 : memref<1x128xi32, #tpu.memory_space<vmem>> -> memref<128xi32, #tpu.memory_space<vmem>>
      %dma_wait3A_424 = arith.constant 0 : i32
      %dma_wait3A_425 = arith.constant 0 : i32
      %dma_wait3A_426 = tpu.memref_slice %arg9[%dma_wait3A_424, %dma_wait3A_425] : memref<10112x64xf32, #tpu.memory_space<vmem_shared>> -> memref<10112x64xf32, #tpu.memory_space<vmem_shared>>
      tpu.wait_indirect_dma semaphore(%arg12 : memref<!tpu.dma_semaphore, #tpu.memory_space<semaphore_mem>>) src(%dma_wait3A_426 : memref<10112x64xf32, #tpu.memory_space<vmem_shared>>) dst(%dma_wait3A_420 : memref<128x64xf32, #tpu.memory_space<vmem>>)
      %dma_start3A_427 = arith.constant 1 : i32
      %dma_start3A_428 = arith.constant 0 : i32
      %dma_start3A_429 = arith.constant 0 : i32
      %dma_start3A_430 = tpu.memref_slice %arg8[%dma_start3A_427, %dma_start3A_428, %dma_start3A_429] : memref<4x128x64xf32, #tpu.memory_space<vmem>> -> memref<1x128x64xf32, #tpu.memory_space<vmem>>
      %dma_start3A_431 = tpu.memref_squeeze %dma_start3A_430 : memref<1x128x64xf32, #tpu.memory_space<vmem>> -> memref<128x64xf32, #tpu.memory_space<vmem>>
      %dma_start3A_432 = arith.constant 0 : i32
      %dma_start3A_433 = tpu.memref_slice %arg7[%add3A_408, %dma_start3A_432] : memref<40x128xi32, #tpu.memory_space<vmem>> -> memref<1x128xi32, #tpu.memory_space<vmem>>
      %dma_start3A_434 = tpu.memref_squeeze %dma_start3A_433 : memref<1x128xi32, #tpu.memory_space<vmem>> -> memref<128xi32, #tpu.memory_space<vmem>>
      %dma_start3A_435 = arith.constant 0 : i32
      %dma_start3A_436 = arith.constant 0 : i32
      %dma_start3A_437 = tpu.memref_slice %arg10[%dma_start3A_435, %dma_start3A_436] : memref<10112x64xf32, #tpu.memory_space<vmem_shared>> -> memref<10112x64xf32, #tpu.memory_space<vmem_shared>>
      tpu.enqueue_indirect_dma source(%dma_start3A_431 : memref<128x64xf32, #tpu.memory_space<vmem>>) target(%dma_start3A_437 : memref<10112x64xf32, #tpu.memory_space<vmem_shared>>) offsets(%dma_start3A_434 : memref<128xi32, #tpu.memory_space<vmem>>) semaphore(%arg16 : memref<!tpu.dma_semaphore, #tpu.memory_space<semaphore_mem>>) {add = true}
      %mul3A_438 = arith.constant 4 : i32
      %mul3A_439 = arith.muli %scan3A_374, %mul3A_438 : i32
      %add3A_440 = arith.constant 2 : i32
      %add3A_441 = arith.addi %mul3A_439, %add3A_440 : i32
      %add3A_442 = arith.constant 2 : i32
      %add3A_443 = arith.addi %add3A_441, %add3A_442 : i32
      %lt3A_444 = arith.constant 40 : i32
      %lt3A_445 = arith.cmpi slt, %add3A_443, %lt3A_444 : i32
      %convert_element_type3A_446 = arith.extui %lt3A_445 : i1 to i32
      %cond3A_447 = arith.constant 0 : i32
      %cond3A_448 = arith.cmpi ne, %convert_element_type3A_446, %cond3A_447 : i32
      scf.if %cond3A_448 {
        %add3A_504 = arith.constant 2 : i32
        %add3A_505 = arith.addi %add3A_441, %add3A_504 : i32
        %ge3A = arith.constant 4 : i32
        %ge3A_506 = arith.cmpi sge, %add3A_505, %ge3A : i32
        %convert_element_type3A_507 = arith.extui %ge3A_506 : i1 to i32
        %cond3A_508 = arith.constant 0 : i32
        %cond3A_509 = arith.cmpi ne, %convert_element_type3A_507, %cond3A_508 : i32
        scf.if %cond3A_509 {
          %add3A_523 = arith.constant 2 : i32
          %add3A_524 = arith.addi %add3A_441, %add3A_523 : i32
          %sub3A = arith.constant 4 : i32
          %sub3A_525 = arith.subi %add3A_524, %sub3A : i32
          %dma_wait3A_526 = arith.constant 0 : i32
          %dma_wait3A_527 = arith.constant 0 : i32
          %dma_wait3A_528 = arith.constant 0 : i32
          %dma_wait3A_529 = tpu.memref_slice %arg8[%dma_wait3A_526, %dma_wait3A_527, %dma_wait3A_528] : memref<4x128x64xf32, #tpu.memory_space<vmem>> -> memref<1x128x64xf32, #tpu.memory_space<vmem>>
          %dma_wait3A_530 = tpu.memref_squeeze %dma_wait3A_529 : memref<1x128x64xf32, #tpu.memory_space<vmem>> -> memref<128x64xf32, #tpu.memory_space<vmem>>
          %dma_wait3A_531 = arith.constant 0 : i32
          %dma_wait3A_532 = tpu.memref_slice %arg7[%sub3A_525, %dma_wait3A_531] : memref<40x128xi32, #tpu.memory_space<vmem>> -> memref<1x128xi32, #tpu.memory_space<vmem>>
          %dma_wait3A_533 = tpu.memref_squeeze %dma_wait3A_532 : memref<1x128xi32, #tpu.memory_space<vmem>> -> memref<128xi32, #tpu.memory_space<vmem>>
          %dma_wait3A_534 = arith.constant 0 : i32
          %dma_wait3A_535 = arith.constant 0 : i32
          %dma_wait3A_536 = tpu.memref_slice %arg10[%dma_wait3A_534, %dma_wait3A_535] : memref<10112x64xf32, #tpu.memory_space<vmem_shared>> -> memref<10112x64xf32, #tpu.memory_space<vmem_shared>>
          tpu.wait_indirect_dma semaphore(%arg15 : memref<!tpu.dma_semaphore, #tpu.memory_space<semaphore_mem>>) src(%dma_wait3A_530 : memref<128x64xf32, #tpu.memory_space<vmem>>) dst(%dma_wait3A_536 : memref<10112x64xf32, #tpu.memory_space<vmem_shared>>)
        } else {
        }
        %add3A_510 = arith.constant 2 : i32
        %add3A_511 = arith.addi %add3A_441, %add3A_510 : i32
        %dma_start3A_512 = arith.constant 0 : i32
        %dma_start3A_513 = arith.constant 0 : i32
        %dma_start3A_514 = arith.constant 0 : i32
        %dma_start3A_515 = tpu.memref_slice %arg8[%dma_start3A_512, %dma_start3A_513, %dma_start3A_514] : memref<4x128x64xf32, #tpu.memory_space<vmem>> -> memref<1x128x64xf32, #tpu.memory_space<vmem>>
        %dma_start3A_516 = tpu.memref_squeeze %dma_start3A_515 : memref<1x128x64xf32, #tpu.memory_space<vmem>> -> memref<128x64xf32, #tpu.memory_space<vmem>>
        %dma_start3A_517 = arith.constant 0 : i32
        %dma_start3A_518 = tpu.memref_slice %arg6[%add3A_511, %dma_start3A_517] : memref<40x128xi32, #tpu.memory_space<vmem>> -> memref<1x128xi32, #tpu.memory_space<vmem>>
        %dma_start3A_519 = tpu.memref_squeeze %dma_start3A_518 : memref<1x128xi32, #tpu.memory_space<vmem>> -> memref<128xi32, #tpu.memory_space<vmem>>
        %dma_start3A_520 = arith.constant 0 : i32
        %dma_start3A_521 = arith.constant 0 : i32
        %dma_start3A_522 = tpu.memref_slice %arg9[%dma_start3A_520, %dma_start3A_521] : memref<10112x64xf32, #tpu.memory_space<vmem_shared>> -> memref<10112x64xf32, #tpu.memory_space<vmem_shared>>
        tpu.enqueue_indirect_dma source(%dma_start3A_522 : memref<10112x64xf32, #tpu.memory_space<vmem_shared>>) target(%dma_start3A_516 : memref<128x64xf32, #tpu.memory_space<vmem>>) offsets(%dma_start3A_519 : memref<128xi32, #tpu.memory_space<vmem>>) semaphore(%arg11 : memref<!tpu.dma_semaphore, #tpu.memory_space<semaphore_mem>>)
      } else {
      }
      %dma_wait3A_449 = arith.constant 2 : i32
      %dma_wait3A_450 = arith.constant 0 : i32
      %dma_wait3A_451 = arith.constant 0 : i32
      %dma_wait3A_452 = tpu.memref_slice %arg8[%dma_wait3A_449, %dma_wait3A_450, %dma_wait3A_451] : memref<4x128x64xf32, #tpu.memory_space<vmem>> -> memref<1x128x64xf32, #tpu.memory_space<vmem>>
      %dma_wait3A_453 = tpu.memref_squeeze %dma_wait3A_452 : memref<1x128x64xf32, #tpu.memory_space<vmem>> -> memref<128x64xf32, #tpu.memory_space<vmem>>
      %dma_wait3A_454 = arith.constant 0 : i32
      %dma_wait3A_455 = tpu.memref_slice %arg6[%add3A_441, %dma_wait3A_454] : memref<40x128xi32, #tpu.memory_space<vmem>> -> memref<1x128xi32, #tpu.memory_space<vmem>>
      %dma_wait3A_456 = tpu.memref_squeeze %dma_wait3A_455 : memref<1x128xi32, #tpu.memory_space<vmem>> -> memref<128xi32, #tpu.memory_space<vmem>>
      %dma_wait3A_457 = arith.constant 0 : i32
      %dma_wait3A_458 = arith.constant 0 : i32
      %dma_wait3A_459 = tpu.memref_slice %arg9[%dma_wait3A_457, %dma_wait3A_458] : memref<10112x64xf32, #tpu.memory_space<vmem_shared>> -> memref<10112x64xf32, #tpu.memory_space<vmem_shared>>
      tpu.wait_indirect_dma semaphore(%arg13 : memref<!tpu.dma_semaphore, #tpu.memory_space<semaphore_mem>>) src(%dma_wait3A_459 : memref<10112x64xf32, #tpu.memory_space<vmem_shared>>) dst(%dma_wait3A_453 : memref<128x64xf32, #tpu.memory_space<vmem>>)
      %dma_start3A_460 = arith.constant 2 : i32
      %dma_start3A_461 = arith.constant 0 : i32
      %dma_start3A_462 = arith.constant 0 : i32
      %dma_start3A_463 = tpu.memref_slice %arg8[%dma_start3A_460, %dma_start3A_461, %dma_start3A_462] : memref<4x128x64xf32, #tpu.memory_space<vmem>> -> memref<1x128x64xf32, #tpu.memory_space<vmem>>
      %dma_start3A_464 = tpu.memref_squeeze %dma_start3A_463 : memref<1x128x64xf32, #tpu.memory_space<vmem>> -> memref<128x64xf32, #tpu.memory_space<vmem>>
      %dma_start3A_465 = arith.constant 0 : i32
      %dma_start3A_466 = tpu.memref_slice %arg7[%add3A_441, %dma_start3A_465] : memref<40x128xi32, #tpu.memory_space<vmem>> -> memref<1x128xi32, #tpu.memory_space<vmem>>
      %dma_start3A_467 = tpu.memref_squeeze %dma_start3A_466 : memref<1x128xi32, #tpu.memory_space<vmem>> -> memref<128xi32, #tpu.memory_space<vmem>>
      %dma_start3A_468 = arith.constant 0 : i32
      %dma_start3A_469 = arith.constant 0 : i32
      %dma_start3A_470 = tpu.memref_slice %arg10[%dma_start3A_468, %dma_start3A_469] : memref<10112x64xf32, #tpu.memory_space<vmem_shared>> -> memref<10112x64xf32, #tpu.memory_space<vmem_shared>>
      tpu.enqueue_indirect_dma source(%dma_start3A_464 : memref<128x64xf32, #tpu.memory_space<vmem>>) target(%dma_start3A_470 : memref<10112x64xf32, #tpu.memory_space<vmem_shared>>) offsets(%dma_start3A_467 : memref<128xi32, #tpu.memory_space<vmem>>) semaphore(%arg17 : memref<!tpu.dma_semaphore, #tpu.memory_space<semaphore_mem>>) {add = true}
      %mul3A_471 = arith.constant 4 : i32
      %mul3A_472 = arith.muli %scan3A_374, %mul3A_471 : i32
      %add3A_473 = arith.constant 3 : i32
      %add3A_474 = arith.addi %mul3A_472, %add3A_473 : i32
      %add3A_475 = arith.constant 2 : i32
      %add3A_476 = arith.addi %add3A_474, %add3A_475 : i32
      %lt3A_477 = arith.constant 40 : i32
      %lt3A_478 = arith.cmpi slt, %add3A_476, %lt3A_477 : i32
      %convert_element_type3A_479 = arith.extui %lt3A_478 : i1 to i32
      %cond3A_480 = arith.constant 0 : i32
      %cond3A_481 = arith.cmpi ne, %convert_element_type3A_479, %cond3A_480 : i32
      scf.if %cond3A_481 {
        %add3A_504 = arith.constant 2 : i32
        %add3A_505 = arith.addi %add3A_474, %add3A_504 : i32
        %ge3A = arith.constant 4 : i32
        %ge3A_506 = arith.cmpi sge, %add3A_505, %ge3A : i32
        %convert_element_type3A_507 = arith.extui %ge3A_506 : i1 to i32
        %cond3A_508 = arith.constant 0 : i32
        %cond3A_509 = arith.cmpi ne, %convert_element_type3A_507, %cond3A_508 : i32
        scf.if %cond3A_509 {
          %add3A_523 = arith.constant 2 : i32
          %add3A_524 = arith.addi %add3A_474, %add3A_523 : i32
          %sub3A = arith.constant 4 : i32
          %sub3A_525 = arith.subi %add3A_524, %sub3A : i32
          %dma_wait3A_526 = arith.constant 1 : i32
          %dma_wait3A_527 = arith.constant 0 : i32
          %dma_wait3A_528 = arith.constant 0 : i32
          %dma_wait3A_529 = tpu.memref_slice %arg8[%dma_wait3A_526, %dma_wait3A_527, %dma_wait3A_528] : memref<4x128x64xf32, #tpu.memory_space<vmem>> -> memref<1x128x64xf32, #tpu.memory_space<vmem>>
          %dma_wait3A_530 = tpu.memref_squeeze %dma_wait3A_529 : memref<1x128x64xf32, #tpu.memory_space<vmem>> -> memref<128x64xf32, #tpu.memory_space<vmem>>
          %dma_wait3A_531 = arith.constant 0 : i32
          %dma_wait3A_532 = tpu.memref_slice %arg7[%sub3A_525, %dma_wait3A_531] : memref<40x128xi32, #tpu.memory_space<vmem>> -> memref<1x128xi32, #tpu.memory_space<vmem>>
          %dma_wait3A_533 = tpu.memref_squeeze %dma_wait3A_532 : memref<1x128xi32, #tpu.memory_space<vmem>> -> memref<128xi32, #tpu.memory_space<vmem>>
          %dma_wait3A_534 = arith.constant 0 : i32
          %dma_wait3A_535 = arith.constant 0 : i32
          %dma_wait3A_536 = tpu.memref_slice %arg10[%dma_wait3A_534, %dma_wait3A_535] : memref<10112x64xf32, #tpu.memory_space<vmem_shared>> -> memref<10112x64xf32, #tpu.memory_space<vmem_shared>>
          tpu.wait_indirect_dma semaphore(%arg16 : memref<!tpu.dma_semaphore, #tpu.memory_space<semaphore_mem>>) src(%dma_wait3A_530 : memref<128x64xf32, #tpu.memory_space<vmem>>) dst(%dma_wait3A_536 : memref<10112x64xf32, #tpu.memory_space<vmem_shared>>)
        } else {
        }
        %add3A_510 = arith.constant 2 : i32
        %add3A_511 = arith.addi %add3A_474, %add3A_510 : i32
        %dma_start3A_512 = arith.constant 1 : i32
        %dma_start3A_513 = arith.constant 0 : i32
        %dma_start3A_514 = arith.constant 0 : i32
        %dma_start3A_515 = tpu.memref_slice %arg8[%dma_start3A_512, %dma_start3A_513, %dma_start3A_514] : memref<4x128x64xf32, #tpu.memory_space<vmem>> -> memref<1x128x64xf32, #tpu.memory_space<vmem>>
        %dma_start3A_516 = tpu.memref_squeeze %dma_start3A_515 : memref<1x128x64xf32, #tpu.memory_space<vmem>> -> memref<128x64xf32, #tpu.memory_space<vmem>>
        %dma_start3A_517 = arith.constant 0 : i32
        %dma_start3A_518 = tpu.memref_slice %arg6[%add3A_511, %dma_start3A_517] : memref<40x128xi32, #tpu.memory_space<vmem>> -> memref<1x128xi32, #tpu.memory_space<vmem>>
        %dma_start3A_519 = tpu.memref_squeeze %dma_start3A_518 : memref<1x128xi32, #tpu.memory_space<vmem>> -> memref<128xi32, #tpu.memory_space<vmem>>
        %dma_start3A_520 = arith.constant 0 : i32
        %dma_start3A_521 = arith.constant 0 : i32
        %dma_start3A_522 = tpu.memref_slice %arg9[%dma_start3A_520, %dma_start3A_521] : memref<10112x64xf32, #tpu.memory_space<vmem_shared>> -> memref<10112x64xf32, #tpu.memory_space<vmem_shared>>
        tpu.enqueue_indirect_dma source(%dma_start3A_522 : memref<10112x64xf32, #tpu.memory_space<vmem_shared>>) target(%dma_start3A_516 : memref<128x64xf32, #tpu.memory_space<vmem>>) offsets(%dma_start3A_519 : memref<128xi32, #tpu.memory_space<vmem>>) semaphore(%arg12 : memref<!tpu.dma_semaphore, #tpu.memory_space<semaphore_mem>>)
      } else {
      }
      %dma_wait3A_482 = arith.constant 3 : i32
      %dma_wait3A_483 = arith.constant 0 : i32
      %dma_wait3A_484 = arith.constant 0 : i32
      %dma_wait3A_485 = tpu.memref_slice %arg8[%dma_wait3A_482, %dma_wait3A_483, %dma_wait3A_484] : memref<4x128x64xf32, #tpu.memory_space<vmem>> -> memref<1x128x64xf32, #tpu.memory_space<vmem>>
      %dma_wait3A_486 = tpu.memref_squeeze %dma_wait3A_485 : memref<1x128x64xf32, #tpu.memory_space<vmem>> -> memref<128x64xf32, #tpu.memory_space<vmem>>
      %dma_wait3A_487 = arith.constant 0 : i32
      %dma_wait3A_488 = tpu.memref_slice %arg6[%add3A_474, %dma_wait3A_487] : memref<40x128xi32, #tpu.memory_space<vmem>> -> memref<1x128xi32, #tpu.memory_space<vmem>>
      %dma_wait3A_489 = tpu.memref_squeeze %dma_wait3A_488 : memref<1x128xi32, #tpu.memory_space<vmem>> -> memref<128xi32, #tpu.memory_space<vmem>>
      %dma_wait3A_490 = arith.constant 0 : i32
      %dma_wait3A_491 = arith.constant 0 : i32
      %dma_wait3A_492 = tpu.memref_slice %arg9[%dma_wait3A_490, %dma_wait3A_491] : memref<10112x64xf32, #tpu.memory_space<vmem_shared>> -> memref<10112x64xf32, #tpu.memory_space<vmem_shared>>
      tpu.wait_indirect_dma semaphore(%arg14 : memref<!tpu.dma_semaphore, #tpu.memory_space<semaphore_mem>>) src(%dma_wait3A_492 : memref<10112x64xf32, #tpu.memory_space<vmem_shared>>) dst(%dma_wait3A_486 : memref<128x64xf32, #tpu.memory_space<vmem>>)
      %dma_start3A_493 = arith.constant 3 : i32
      %dma_start3A_494 = arith.constant 0 : i32
      %dma_start3A_495 = arith.constant 0 : i32
      %dma_start3A_496 = tpu.memref_slice %arg8[%dma_start3A_493, %dma_start3A_494, %dma_start3A_495] : memref<4x128x64xf32, #tpu.memory_space<vmem>> -> memref<1x128x64xf32, #tpu.memory_space<vmem>>
      %dma_start3A_497 = tpu.memref_squeeze %dma_start3A_496 : memref<1x128x64xf32, #tpu.memory_space<vmem>> -> memref<128x64xf32, #tpu.memory_space<vmem>>
      %dma_start3A_498 = arith.constant 0 : i32
      %dma_start3A_499 = tpu.memref_slice %arg7[%add3A_474, %dma_start3A_498] : memref<40x128xi32, #tpu.memory_space<vmem>> -> memref<1x128xi32, #tpu.memory_space<vmem>>
      %dma_start3A_500 = tpu.memref_squeeze %dma_start3A_499 : memref<1x128xi32, #tpu.memory_space<vmem>> -> memref<128xi32, #tpu.memory_space<vmem>>
      %dma_start3A_501 = arith.constant 0 : i32
      %dma_start3A_502 = arith.constant 0 : i32
      %dma_start3A_503 = tpu.memref_slice %arg10[%dma_start3A_501, %dma_start3A_502] : memref<10112x64xf32, #tpu.memory_space<vmem_shared>> -> memref<10112x64xf32, #tpu.memory_space<vmem_shared>>
      tpu.enqueue_indirect_dma source(%dma_start3A_497 : memref<128x64xf32, #tpu.memory_space<vmem>>) target(%dma_start3A_503 : memref<10112x64xf32, #tpu.memory_space<vmem_shared>>) offsets(%dma_start3A_500 : memref<128xi32, #tpu.memory_space<vmem>>) semaphore(%arg18 : memref<!tpu.dma_semaphore, #tpu.memory_space<semaphore_mem>>) {add = true}
    }
    %scan3A_235 = arith.constant 10 : i32
    %dma_wait3A_236 = arith.constant 0 : i32
    %dma_wait3A_237 = arith.constant 36 : i32
    %dma_wait3A_238 = arith.constant 0 : i32
    %dma_wait3A_239 = arith.constant 0 : i32
    %dma_wait3A_240 = tpu.memref_slice %arg8[%dma_wait3A_236, %dma_wait3A_238, %dma_wait3A_239] : memref<4x128x64xf32, #tpu.memory_space<vmem>> -> memref<1x128x64xf32, #tpu.memory_space<vmem>>
    %dma_wait3A_241 = tpu.memref_squeeze %dma_wait3A_240 : memref<1x128x64xf32, #tpu.memory_space<vmem>> -> memref<128x64xf32, #tpu.memory_space<vmem>>
    %dma_wait3A_242 = arith.constant 0 : i32
    %dma_wait3A_243 = tpu.memref_slice %arg7[%dma_wait3A_237, %dma_wait3A_242] : memref<40x128xi32, #tpu.memory_space<vmem>> -> memref<1x128xi32, #tpu.memory_space<vmem>>
    %dma_wait3A_244 = tpu.memref_squeeze %dma_wait3A_243 : memref<1x128xi32, #tpu.memory_space<vmem>> -> memref<128xi32, #tpu.memory_space<vmem>>
    %dma_wait3A_245 = arith.constant 0 : i32
    %dma_wait3A_246 = arith.constant 0 : i32
    %dma_wait3A_247 = tpu.memref_slice %arg10[%dma_wait3A_245, %dma_wait3A_246] : memref<10112x64xf32, #tpu.memory_space<vmem_shared>> -> memref<10112x64xf32, #tpu.memory_space<vmem_shared>>
    tpu.wait_indirect_dma semaphore(%arg15 : memref<!tpu.dma_semaphore, #tpu.memory_space<semaphore_mem>>) src(%dma_wait3A_241 : memref<128x64xf32, #tpu.memory_space<vmem>>) dst(%dma_wait3A_247 : memref<10112x64xf32, #tpu.memory_space<vmem_shared>>)
    %dma_wait3A_248 = arith.constant 1 : i32
    %dma_wait3A_249 = arith.constant 37 : i32
    %dma_wait3A_250 = arith.constant 0 : i32
    %dma_wait3A_251 = arith.constant 0 : i32
    %dma_wait3A_252 = tpu.memref_slice %arg8[%dma_wait3A_248, %dma_wait3A_250, %dma_wait3A_251] : memref<4x128x64xf32, #tpu.memory_space<vmem>> -> memref<1x128x64xf32, #tpu.memory_space<vmem>>
    %dma_wait3A_253 = tpu.memref_squeeze %dma_wait3A_252 : memref<1x128x64xf32, #tpu.memory_space<vmem>> -> memref<128x64xf32, #tpu.memory_space<vmem>>
    %dma_wait3A_254 = arith.constant 0 : i32
    %dma_wait3A_255 = tpu.memref_slice %arg7[%dma_wait3A_249, %dma_wait3A_254] : memref<40x128xi32, #tpu.memory_space<vmem>> -> memref<1x128xi32, #tpu.memory_space<vmem>>
    %dma_wait3A_256 = tpu.memref_squeeze %dma_wait3A_255 : memref<1x128xi32, #tpu.memory_space<vmem>> -> memref<128xi32, #tpu.memory_space<vmem>>
    %dma_wait3A_257 = arith.constant 0 : i32
    %dma_wait3A_258 = arith.constant 0 : i32
    %dma_wait3A_259 = tpu.memref_slice %arg10[%dma_wait3A_257, %dma_wait3A_258] : memref<10112x64xf32, #tpu.memory_space<vmem_shared>> -> memref<10112x64xf32, #tpu.memory_space<vmem_shared>>
    tpu.wait_indirect_dma semaphore(%arg16 : memref<!tpu.dma_semaphore, #tpu.memory_space<semaphore_mem>>) src(%dma_wait3A_253 : memref<128x64xf32, #tpu.memory_space<vmem>>) dst(%dma_wait3A_259 : memref<10112x64xf32, #tpu.memory_space<vmem_shared>>)
    %dma_wait3A_260 = arith.constant 2 : i32
    %dma_wait3A_261 = arith.constant 38 : i32
    %dma_wait3A_262 = arith.constant 0 : i32
    %dma_wait3A_263 = arith.constant 0 : i32
    %dma_wait3A_264 = tpu.memref_slice %arg8[%dma_wait3A_260, %dma_wait3A_262, %dma_wait3A_263] : memref<4x128x64xf32, #tpu.memory_space<vmem>> -> memref<1x128x64xf32, #tpu.memory_space<vmem>>
    %dma_wait3A_265 = tpu.memref_squeeze %dma_wait3A_264 : memref<1x128x64xf32, #tpu.memory_space<vmem>> -> memref<128x64xf32, #tpu.memory_space<vmem>>
    %dma_wait3A_266 = arith.constant 0 : i32
    %dma_wait3A_267 = tpu.memref_slice %arg7[%dma_wait3A_261, %dma_wait3A_266] : memref<40x128xi32, #tpu.memory_space<vmem>> -> memref<1x128xi32, #tpu.memory_space<vmem>>
    %dma_wait3A_268 = tpu.memref_squeeze %dma_wait3A_267 : memref<1x128xi32, #tpu.memory_space<vmem>> -> memref<128xi32, #tpu.memory_space<vmem>>
    %dma_wait3A_269 = arith.constant 0 : i32
    %dma_wait3A_270 = arith.constant 0 : i32
    %dma_wait3A_271 = tpu.memref_slice %arg10[%dma_wait3A_269, %dma_wait3A_270] : memref<10112x64xf32, #tpu.memory_space<vmem_shared>> -> memref<10112x64xf32, #tpu.memory_space<vmem_shared>>
    tpu.wait_indirect_dma semaphore(%arg17 : memref<!tpu.dma_semaphore, #tpu.memory_space<semaphore_mem>>) src(%dma_wait3A_265 : memref<128x64xf32, #tpu.memory_space<vmem>>) dst(%dma_wait3A_271 : memref<10112x64xf32, #tpu.memory_space<vmem_shared>>)
    %dma_wait3A_272 = arith.constant 3 : i32
    %dma_wait3A_273 = arith.constant 39 : i32
    %dma_wait3A_274 = arith.constant 0 : i32
    %dma_wait3A_275 = arith.constant 0 : i32
    %dma_wait3A_276 = tpu.memref_slice %arg8[%dma_wait3A_272, %dma_wait3A_274, %dma_wait3A_275] : memref<4x128x64xf32, #tpu.memory_space<vmem>> -> memref<1x128x64xf32, #tpu.memory_space<vmem>>
    %dma_wait3A_277 = tpu.memref_squeeze %dma_wait3A_276 : memref<1x128x64xf32, #tpu.memory_space<vmem>> -> memref<128x64xf32, #tpu.memory_space<vmem>>
    %dma_wait3A_278 = arith.constant 0 : i32
    %dma_wait3A_279 = tpu.memref_slice %arg7[%dma_wait3A_273, %dma_wait3A_278] : memref<40x128xi32, #tpu.memory_space<vmem>> -> memref<1x128xi32, #tpu.memory_space<vmem>>
    %dma_wait3A_280 = tpu.memref_squeeze %dma_wait3A_279 : memref<1x128xi32, #tpu.memory_space<vmem>> -> memref<128xi32, #tpu.memory_space<vmem>>
    %dma_wait3A_281 = arith.constant 0 : i32
    %dma_wait3A_282 = arith.constant 0 : i32
    %dma_wait3A_283 = tpu.memref_slice %arg10[%dma_wait3A_281, %dma_wait3A_282] : memref<10112x64xf32, #tpu.memory_space<vmem_shared>> -> memref<10112x64xf32, #tpu.memory_space<vmem_shared>>
    tpu.wait_indirect_dma semaphore(%arg18 : memref<!tpu.dma_semaphore, #tpu.memory_space<semaphore_mem>>) src(%dma_wait3A_277 : memref<128x64xf32, #tpu.memory_space<vmem>>) dst(%dma_wait3A_283 : memref<10112x64xf32, #tpu.memory_space<vmem_shared>>)
    %mul3A_284 = arith.constant 160 : i32
    %mul3A_285 = arith.muli %arg1, %mul3A_284 : i32
    %add3A_286 = arith.constant 120 : i32
    %add3A_287 = arith.addi %mul3A_285, %add3A_286 : i32
    "tpu.region"() ({
      %run_scoped3A_374 = tpu.sem_alloc : memref<!tpu.dma_semaphore, #tpu.memory_space<semaphore_mem>>
      %dma_start3A_375 = arith.constant 0 : i32
      %dma_start3A_376 = tpu.memref_slice %arg3[%add3A_287, %dma_start3A_375] : memref<2560x128xi32, #tpu.memory_space<hbm>> -> memref<40x128xi32, #tpu.memory_space<hbm>>
      %dma_start3A_377 = arith.constant 0 : i32
      %dma_start3A_378 = tpu.memref_slice %arg3[%add3A_287, %dma_start3A_377] : memref<2560x128xi32, #tpu.memory_space<hbm>> -> memref<40x128xi32, #tpu.memory_space<hbm>>
      tpu.enqueue_dma source(%dma_start3A_378 : memref<40x128xi32, #tpu.memory_space<hbm>>) target(%arg6 : memref<40x128xi32, #tpu.memory_space<vmem>>) target_semaphore(%run_scoped3A_374 : memref<!tpu.dma_semaphore, #tpu.memory_space<semaphore_mem>>)
      %dma_wait3A_379 = arith.constant 0 : i32
      %dma_wait3A_380 = tpu.memref_slice %arg3[%add3A_287, %dma_wait3A_379] : memref<2560x128xi32, #tpu.memory_space<hbm>> -> memref<40x128xi32, #tpu.memory_space<hbm>>
      %dma_wait3A_381 = arith.constant 0 : i32
      %dma_wait3A_382 = tpu.memref_slice %arg3[%add3A_287, %dma_wait3A_381] : memref<2560x128xi32, #tpu.memory_space<hbm>> -> memref<40x128xi32, #tpu.memory_space<hbm>>
      tpu.wait_dma2 semaphore(%run_scoped3A_374 : memref<!tpu.dma_semaphore, #tpu.memory_space<semaphore_mem>>) src(%dma_wait3A_382 : memref<40x128xi32, #tpu.memory_space<hbm>>) dst(%arg6 : memref<40x128xi32, #tpu.memory_space<vmem>>)
      tpu.yield
    }) : () -> ()
    %mul3A_288 = arith.constant 160 : i32
    %mul3A_289 = arith.muli %arg1, %mul3A_288 : i32
    %add3A_290 = arith.constant 120 : i32
    %add3A_291 = arith.addi %mul3A_289, %add3A_290 : i32
    "tpu.region"() ({
      %run_scoped3A_374 = tpu.sem_alloc : memref<!tpu.dma_semaphore, #tpu.memory_space<semaphore_mem>>
      %dma_start3A_375 = arith.constant 0 : i32
      %dma_start3A_376 = tpu.memref_slice %arg4[%add3A_291, %dma_start3A_375] : memref<2560x128xi32, #tpu.memory_space<hbm>> -> memref<40x128xi32, #tpu.memory_space<hbm>>
      %dma_start3A_377 = arith.constant 0 : i32
      %dma_start3A_378 = tpu.memref_slice %arg4[%add3A_291, %dma_start3A_377] : memref<2560x128xi32, #tpu.memory_space<hbm>> -> memref<40x128xi32, #tpu.memory_space<hbm>>
      tpu.enqueue_dma source(%dma_start3A_378 : memref<40x128xi32, #tpu.memory_space<hbm>>) target(%arg7 : memref<40x128xi32, #tpu.memory_space<vmem>>) target_semaphore(%run_scoped3A_374 : memref<!tpu.dma_semaphore, #tpu.memory_space<semaphore_mem>>)
      %dma_wait3A_379 = arith.constant 0 : i32
      %dma_wait3A_380 = tpu.memref_slice %arg4[%add3A_291, %dma_wait3A_379] : memref<2560x128xi32, #tpu.memory_space<hbm>> -> memref<40x128xi32, #tpu.memory_space<hbm>>
      %dma_wait3A_381 = arith.constant 0 : i32
      %dma_wait3A_382 = tpu.memref_slice %arg4[%add3A_291, %dma_wait3A_381] : memref<2560x128xi32, #tpu.memory_space<hbm>> -> memref<40x128xi32, #tpu.memory_space<hbm>>
      tpu.wait_dma2 semaphore(%run_scoped3A_374 : memref<!tpu.dma_semaphore, #tpu.memory_space<semaphore_mem>>) src(%dma_wait3A_382 : memref<40x128xi32, #tpu.memory_space<hbm>>) dst(%arg7 : memref<40x128xi32, #tpu.memory_space<vmem>>)
      tpu.yield
    }) : () -> ()
    %dma_start3A_292 = arith.constant 0 : i32
    %dma_start3A_293 = arith.constant 0 : i32
    %dma_start3A_294 = arith.constant 0 : i32
    %dma_start3A_295 = arith.constant 0 : i32
    %dma_start3A_296 = tpu.memref_slice %arg8[%dma_start3A_293, %dma_start3A_294, %dma_start3A_295] : memref<4x128x64xf32, #tpu.memory_space<vmem>> -> memref<1x128x64xf32, #tpu.memory_space<vmem>>
    %dma_start3A_297 = tpu.memref_squeeze %dma_start3A_296 : memref<1x128x64xf32, #tpu.memory_space<vmem>> -> memref<128x64xf32, #tpu.memory_space<vmem>>
    %dma_start3A_298 = arith.constant 0 : i32
    %dma_start3A_299 = tpu.memref_slice %arg6[%dma_start3A_292, %dma_start3A_298] : memref<40x128xi32, #tpu.memory_space<vmem>> -> memref<1x128xi32, #tpu.memory_space<vmem>>
    %dma_start3A_300 = tpu.memref_squeeze %dma_start3A_299 : memref<1x128xi32, #tpu.memory_space<vmem>> -> memref<128xi32, #tpu.memory_space<vmem>>
    %dma_start3A_301 = arith.constant 0 : i32
    %dma_start3A_302 = arith.constant 0 : i32
    %dma_start3A_303 = tpu.memref_slice %arg9[%dma_start3A_301, %dma_start3A_302] : memref<10112x64xf32, #tpu.memory_space<vmem_shared>> -> memref<10112x64xf32, #tpu.memory_space<vmem_shared>>
    tpu.enqueue_indirect_dma source(%dma_start3A_303 : memref<10112x64xf32, #tpu.memory_space<vmem_shared>>) target(%dma_start3A_297 : memref<128x64xf32, #tpu.memory_space<vmem>>) offsets(%dma_start3A_300 : memref<128xi32, #tpu.memory_space<vmem>>) semaphore(%arg11 : memref<!tpu.dma_semaphore, #tpu.memory_space<semaphore_mem>>)
    %dma_start3A_304 = arith.constant 1 : i32
    %dma_start3A_305 = arith.constant 1 : i32
    %dma_start3A_306 = arith.constant 0 : i32
    %dma_start3A_307 = arith.constant 0 : i32
    %dma_start3A_308 = tpu.memref_slice %arg8[%dma_start3A_305, %dma_start3A_306, %dma_start3A_307] : memref<4x128x64xf32, #tpu.memory_space<vmem>> -> memref<1x128x64xf32, #tpu.memory_space<vmem>>
    %dma_start3A_309 = tpu.memref_squeeze %dma_start3A_308 : memref<1x128x64xf32, #tpu.memory_space<vmem>> -> memref<128x64xf32, #tpu.memory_space<vmem>>
    %dma_start3A_310 = arith.constant 0 : i32
    %dma_start3A_311 = tpu.memref_slice %arg6[%dma_start3A_304, %dma_start3A_310] : memref<40x128xi32, #tpu.memory_space<vmem>> -> memref<1x128xi32, #tpu.memory_space<vmem>>
    %dma_start3A_312 = tpu.memref_squeeze %dma_start3A_311 : memref<1x128xi32, #tpu.memory_space<vmem>> -> memref<128xi32, #tpu.memory_space<vmem>>
    %dma_start3A_313 = arith.constant 0 : i32
    %dma_start3A_314 = arith.constant 0 : i32
    %dma_start3A_315 = tpu.memref_slice %arg9[%dma_start3A_313, %dma_start3A_314] : memref<10112x64xf32, #tpu.memory_space<vmem_shared>> -> memref<10112x64xf32, #tpu.memory_space<vmem_shared>>
    tpu.enqueue_indirect_dma source(%dma_start3A_315 : memref<10112x64xf32, #tpu.memory_space<vmem_shared>>) target(%dma_start3A_309 : memref<128x64xf32, #tpu.memory_space<vmem>>) offsets(%dma_start3A_312 : memref<128xi32, #tpu.memory_space<vmem>>) semaphore(%arg12 : memref<!tpu.dma_semaphore, #tpu.memory_space<semaphore_mem>>)
    %scan3A_316 = arith.constant 0 : i32
    %scan3A_317 = arith.constant 10 : i32
    %scan3A_318 = arith.addi %scan3A_316, %scan3A_317 : i32
    %scan3A_319 = arith.constant 1 : i32
    scf.for %scan3A_374 = %scan3A_316 to %scan3A_318 step %scan3A_319  : i32 {
      %mul3A_375 = arith.constant 4 : i32
      %mul3A_376 = arith.muli %scan3A_374, %mul3A_375 : i32
      %add3A_377 = arith.constant 0 : i32
      %add3A_378 = arith.addi %mul3A_376, %add3A_377 : i32
      %add3A_379 = arith.constant 2 : i32
      %add3A_380 = arith.addi %add3A_378, %add3A_379 : i32
      %lt3A = arith.constant 40 : i32
      %lt3A_381 = arith.cmpi slt, %add3A_380, %lt3A : i32
      %convert_element_type3A = arith.extui %lt3A_381 : i1 to i32
      %cond3A = arith.constant 0 : i32
      %cond3A_382 = arith.cmpi ne, %convert_element_type3A, %cond3A : i32
      scf.if %cond3A_382 {
        %add3A_504 = arith.constant 2 : i32
        %add3A_505 = arith.addi %add3A_378, %add3A_504 : i32
        %ge3A = arith.constant 4 : i32
        %ge3A_506 = arith.cmpi sge, %add3A_505, %ge3A : i32
        %convert_element_type3A_507 = arith.extui %ge3A_506 : i1 to i32
        %cond3A_508 = arith.constant 0 : i32
        %cond3A_509 = arith.cmpi ne, %convert_element_type3A_507, %cond3A_508 : i32
        scf.if %cond3A_509 {
          %add3A_523 = arith.constant 2 : i32
          %add3A_524 = arith.addi %add3A_378, %add3A_523 : i32
          %sub3A = arith.constant 4 : i32
          %sub3A_525 = arith.subi %add3A_524, %sub3A : i32
          %dma_wait3A_526 = arith.constant 2 : i32
          %dma_wait3A_527 = arith.constant 0 : i32
          %dma_wait3A_528 = arith.constant 0 : i32
          %dma_wait3A_529 = tpu.memref_slice %arg8[%dma_wait3A_526, %dma_wait3A_527, %dma_wait3A_528] : memref<4x128x64xf32, #tpu.memory_space<vmem>> -> memref<1x128x64xf32, #tpu.memory_space<vmem>>
          %dma_wait3A_530 = tpu.memref_squeeze %dma_wait3A_529 : memref<1x128x64xf32, #tpu.memory_space<vmem>> -> memref<128x64xf32, #tpu.memory_space<vmem>>
          %dma_wait3A_531 = arith.constant 0 : i32
          %dma_wait3A_532 = tpu.memref_slice %arg7[%sub3A_525, %dma_wait3A_531] : memref<40x128xi32, #tpu.memory_space<vmem>> -> memref<1x128xi32, #tpu.memory_space<vmem>>
          %dma_wait3A_533 = tpu.memref_squeeze %dma_wait3A_532 : memref<1x128xi32, #tpu.memory_space<vmem>> -> memref<128xi32, #tpu.memory_space<vmem>>
          %dma_wait3A_534 = arith.constant 0 : i32
          %dma_wait3A_535 = arith.constant 0 : i32
          %dma_wait3A_536 = tpu.memref_slice %arg10[%dma_wait3A_534, %dma_wait3A_535] : memref<10112x64xf32, #tpu.memory_space<vmem_shared>> -> memref<10112x64xf32, #tpu.memory_space<vmem_shared>>
          tpu.wait_indirect_dma semaphore(%arg17 : memref<!tpu.dma_semaphore, #tpu.memory_space<semaphore_mem>>) src(%dma_wait3A_530 : memref<128x64xf32, #tpu.memory_space<vmem>>) dst(%dma_wait3A_536 : memref<10112x64xf32, #tpu.memory_space<vmem_shared>>)
        } else {
        }
        %add3A_510 = arith.constant 2 : i32
        %add3A_511 = arith.addi %add3A_378, %add3A_510 : i32
        %dma_start3A_512 = arith.constant 2 : i32
        %dma_start3A_513 = arith.constant 0 : i32
        %dma_start3A_514 = arith.constant 0 : i32
        %dma_start3A_515 = tpu.memref_slice %arg8[%dma_start3A_512, %dma_start3A_513, %dma_start3A_514] : memref<4x128x64xf32, #tpu.memory_space<vmem>> -> memref<1x128x64xf32, #tpu.memory_space<vmem>>
        %dma_start3A_516 = tpu.memref_squeeze %dma_start3A_515 : memref<1x128x64xf32, #tpu.memory_space<vmem>> -> memref<128x64xf32, #tpu.memory_space<vmem>>
        %dma_start3A_517 = arith.constant 0 : i32
        %dma_start3A_518 = tpu.memref_slice %arg6[%add3A_511, %dma_start3A_517] : memref<40x128xi32, #tpu.memory_space<vmem>> -> memref<1x128xi32, #tpu.memory_space<vmem>>
        %dma_start3A_519 = tpu.memref_squeeze %dma_start3A_518 : memref<1x128xi32, #tpu.memory_space<vmem>> -> memref<128xi32, #tpu.memory_space<vmem>>
        %dma_start3A_520 = arith.constant 0 : i32
        %dma_start3A_521 = arith.constant 0 : i32
        %dma_start3A_522 = tpu.memref_slice %arg9[%dma_start3A_520, %dma_start3A_521] : memref<10112x64xf32, #tpu.memory_space<vmem_shared>> -> memref<10112x64xf32, #tpu.memory_space<vmem_shared>>
        tpu.enqueue_indirect_dma source(%dma_start3A_522 : memref<10112x64xf32, #tpu.memory_space<vmem_shared>>) target(%dma_start3A_516 : memref<128x64xf32, #tpu.memory_space<vmem>>) offsets(%dma_start3A_519 : memref<128xi32, #tpu.memory_space<vmem>>) semaphore(%arg13 : memref<!tpu.dma_semaphore, #tpu.memory_space<semaphore_mem>>)
      } else {
      }
      %dma_wait3A_383 = arith.constant 0 : i32
      %dma_wait3A_384 = arith.constant 0 : i32
      %dma_wait3A_385 = arith.constant 0 : i32
      %dma_wait3A_386 = tpu.memref_slice %arg8[%dma_wait3A_383, %dma_wait3A_384, %dma_wait3A_385] : memref<4x128x64xf32, #tpu.memory_space<vmem>> -> memref<1x128x64xf32, #tpu.memory_space<vmem>>
      %dma_wait3A_387 = tpu.memref_squeeze %dma_wait3A_386 : memref<1x128x64xf32, #tpu.memory_space<vmem>> -> memref<128x64xf32, #tpu.memory_space<vmem>>
      %dma_wait3A_388 = arith.constant 0 : i32
      %dma_wait3A_389 = tpu.memref_slice %arg6[%add3A_378, %dma_wait3A_388] : memref<40x128xi32, #tpu.memory_space<vmem>> -> memref<1x128xi32, #tpu.memory_space<vmem>>
      %dma_wait3A_390 = tpu.memref_squeeze %dma_wait3A_389 : memref<1x128xi32, #tpu.memory_space<vmem>> -> memref<128xi32, #tpu.memory_space<vmem>>
      %dma_wait3A_391 = arith.constant 0 : i32
      %dma_wait3A_392 = arith.constant 0 : i32
      %dma_wait3A_393 = tpu.memref_slice %arg9[%dma_wait3A_391, %dma_wait3A_392] : memref<10112x64xf32, #tpu.memory_space<vmem_shared>> -> memref<10112x64xf32, #tpu.memory_space<vmem_shared>>
      tpu.wait_indirect_dma semaphore(%arg11 : memref<!tpu.dma_semaphore, #tpu.memory_space<semaphore_mem>>) src(%dma_wait3A_393 : memref<10112x64xf32, #tpu.memory_space<vmem_shared>>) dst(%dma_wait3A_387 : memref<128x64xf32, #tpu.memory_space<vmem>>)
      %dma_start3A_394 = arith.constant 0 : i32
      %dma_start3A_395 = arith.constant 0 : i32
      %dma_start3A_396 = arith.constant 0 : i32
      %dma_start3A_397 = tpu.memref_slice %arg8[%dma_start3A_394, %dma_start3A_395, %dma_start3A_396] : memref<4x128x64xf32, #tpu.memory_space<vmem>> -> memref<1x128x64xf32, #tpu.memory_space<vmem>>
      %dma_start3A_398 = tpu.memref_squeeze %dma_start3A_397 : memref<1x128x64xf32, #tpu.memory_space<vmem>> -> memref<128x64xf32, #tpu.memory_space<vmem>>
      %dma_start3A_399 = arith.constant 0 : i32
      %dma_start3A_400 = tpu.memref_slice %arg7[%add3A_378, %dma_start3A_399] : memref<40x128xi32, #tpu.memory_space<vmem>> -> memref<1x128xi32, #tpu.memory_space<vmem>>
      %dma_start3A_401 = tpu.memref_squeeze %dma_start3A_400 : memref<1x128xi32, #tpu.memory_space<vmem>> -> memref<128xi32, #tpu.memory_space<vmem>>
      %dma_start3A_402 = arith.constant 0 : i32
      %dma_start3A_403 = arith.constant 0 : i32
      %dma_start3A_404 = tpu.memref_slice %arg10[%dma_start3A_402, %dma_start3A_403] : memref<10112x64xf32, #tpu.memory_space<vmem_shared>> -> memref<10112x64xf32, #tpu.memory_space<vmem_shared>>
      tpu.enqueue_indirect_dma source(%dma_start3A_398 : memref<128x64xf32, #tpu.memory_space<vmem>>) target(%dma_start3A_404 : memref<10112x64xf32, #tpu.memory_space<vmem_shared>>) offsets(%dma_start3A_401 : memref<128xi32, #tpu.memory_space<vmem>>) semaphore(%arg15 : memref<!tpu.dma_semaphore, #tpu.memory_space<semaphore_mem>>) {add = true}
      %mul3A_405 = arith.constant 4 : i32
      %mul3A_406 = arith.muli %scan3A_374, %mul3A_405 : i32
      %add3A_407 = arith.constant 1 : i32
      %add3A_408 = arith.addi %mul3A_406, %add3A_407 : i32
      %add3A_409 = arith.constant 2 : i32
      %add3A_410 = arith.addi %add3A_408, %add3A_409 : i32
      %lt3A_411 = arith.constant 40 : i32
      %lt3A_412 = arith.cmpi slt, %add3A_410, %lt3A_411 : i32
      %convert_element_type3A_413 = arith.extui %lt3A_412 : i1 to i32
      %cond3A_414 = arith.constant 0 : i32
      %cond3A_415 = arith.cmpi ne, %convert_element_type3A_413, %cond3A_414 : i32
      scf.if %cond3A_415 {
        %add3A_504 = arith.constant 2 : i32
        %add3A_505 = arith.addi %add3A_408, %add3A_504 : i32
        %ge3A = arith.constant 4 : i32
        %ge3A_506 = arith.cmpi sge, %add3A_505, %ge3A : i32
        %convert_element_type3A_507 = arith.extui %ge3A_506 : i1 to i32
        %cond3A_508 = arith.constant 0 : i32
        %cond3A_509 = arith.cmpi ne, %convert_element_type3A_507, %cond3A_508 : i32
        scf.if %cond3A_509 {
          %add3A_523 = arith.constant 2 : i32
          %add3A_524 = arith.addi %add3A_408, %add3A_523 : i32
          %sub3A = arith.constant 4 : i32
          %sub3A_525 = arith.subi %add3A_524, %sub3A : i32
          %dma_wait3A_526 = arith.constant 3 : i32
          %dma_wait3A_527 = arith.constant 0 : i32
          %dma_wait3A_528 = arith.constant 0 : i32
          %dma_wait3A_529 = tpu.memref_slice %arg8[%dma_wait3A_526, %dma_wait3A_527, %dma_wait3A_528] : memref<4x128x64xf32, #tpu.memory_space<vmem>> -> memref<1x128x64xf32, #tpu.memory_space<vmem>>
          %dma_wait3A_530 = tpu.memref_squeeze %dma_wait3A_529 : memref<1x128x64xf32, #tpu.memory_space<vmem>> -> memref<128x64xf32, #tpu.memory_space<vmem>>
          %dma_wait3A_531 = arith.constant 0 : i32
          %dma_wait3A_532 = tpu.memref_slice %arg7[%sub3A_525, %dma_wait3A_531] : memref<40x128xi32, #tpu.memory_space<vmem>> -> memref<1x128xi32, #tpu.memory_space<vmem>>
          %dma_wait3A_533 = tpu.memref_squeeze %dma_wait3A_532 : memref<1x128xi32, #tpu.memory_space<vmem>> -> memref<128xi32, #tpu.memory_space<vmem>>
          %dma_wait3A_534 = arith.constant 0 : i32
          %dma_wait3A_535 = arith.constant 0 : i32
          %dma_wait3A_536 = tpu.memref_slice %arg10[%dma_wait3A_534, %dma_wait3A_535] : memref<10112x64xf32, #tpu.memory_space<vmem_shared>> -> memref<10112x64xf32, #tpu.memory_space<vmem_shared>>
          tpu.wait_indirect_dma semaphore(%arg18 : memref<!tpu.dma_semaphore, #tpu.memory_space<semaphore_mem>>) src(%dma_wait3A_530 : memref<128x64xf32, #tpu.memory_space<vmem>>) dst(%dma_wait3A_536 : memref<10112x64xf32, #tpu.memory_space<vmem_shared>>)
        } else {
        }
        %add3A_510 = arith.constant 2 : i32
        %add3A_511 = arith.addi %add3A_408, %add3A_510 : i32
        %dma_start3A_512 = arith.constant 3 : i32
        %dma_start3A_513 = arith.constant 0 : i32
        %dma_start3A_514 = arith.constant 0 : i32
        %dma_start3A_515 = tpu.memref_slice %arg8[%dma_start3A_512, %dma_start3A_513, %dma_start3A_514] : memref<4x128x64xf32, #tpu.memory_space<vmem>> -> memref<1x128x64xf32, #tpu.memory_space<vmem>>
        %dma_start3A_516 = tpu.memref_squeeze %dma_start3A_515 : memref<1x128x64xf32, #tpu.memory_space<vmem>> -> memref<128x64xf32, #tpu.memory_space<vmem>>
        %dma_start3A_517 = arith.constant 0 : i32
        %dma_start3A_518 = tpu.memref_slice %arg6[%add3A_511, %dma_start3A_517] : memref<40x128xi32, #tpu.memory_space<vmem>> -> memref<1x128xi32, #tpu.memory_space<vmem>>
        %dma_start3A_519 = tpu.memref_squeeze %dma_start3A_518 : memref<1x128xi32, #tpu.memory_space<vmem>> -> memref<128xi32, #tpu.memory_space<vmem>>
        %dma_start3A_520 = arith.constant 0 : i32
        %dma_start3A_521 = arith.constant 0 : i32
        %dma_start3A_522 = tpu.memref_slice %arg9[%dma_start3A_520, %dma_start3A_521] : memref<10112x64xf32, #tpu.memory_space<vmem_shared>> -> memref<10112x64xf32, #tpu.memory_space<vmem_shared>>
        tpu.enqueue_indirect_dma source(%dma_start3A_522 : memref<10112x64xf32, #tpu.memory_space<vmem_shared>>) target(%dma_start3A_516 : memref<128x64xf32, #tpu.memory_space<vmem>>) offsets(%dma_start3A_519 : memref<128xi32, #tpu.memory_space<vmem>>) semaphore(%arg14 : memref<!tpu.dma_semaphore, #tpu.memory_space<semaphore_mem>>)
      } else {
      }
      %dma_wait3A_416 = arith.constant 1 : i32
      %dma_wait3A_417 = arith.constant 0 : i32
      %dma_wait3A_418 = arith.constant 0 : i32
      %dma_wait3A_419 = tpu.memref_slice %arg8[%dma_wait3A_416, %dma_wait3A_417, %dma_wait3A_418] : memref<4x128x64xf32, #tpu.memory_space<vmem>> -> memref<1x128x64xf32, #tpu.memory_space<vmem>>
      %dma_wait3A_420 = tpu.memref_squeeze %dma_wait3A_419 : memref<1x128x64xf32, #tpu.memory_space<vmem>> -> memref<128x64xf32, #tpu.memory_space<vmem>>
      %dma_wait3A_421 = arith.constant 0 : i32
      %dma_wait3A_422 = tpu.memref_slice %arg6[%add3A_408, %dma_wait3A_421] : memref<40x128xi32, #tpu.memory_space<vmem>> -> memref<1x128xi32, #tpu.memory_space<vmem>>
      %dma_wait3A_423 = tpu.memref_squeeze %dma_wait3A_422 : memref<1x128xi32, #tpu.memory_space<vmem>> -> memref<128xi32, #tpu.memory_space<vmem>>
      %dma_wait3A_424 = arith.constant 0 : i32
      %dma_wait3A_425 = arith.constant 0 : i32
      %dma_wait3A_426 = tpu.memref_slice %arg9[%dma_wait3A_424, %dma_wait3A_425] : memref<10112x64xf32, #tpu.memory_space<vmem_shared>> -> memref<10112x64xf32, #tpu.memory_space<vmem_shared>>
      tpu.wait_indirect_dma semaphore(%arg12 : memref<!tpu.dma_semaphore, #tpu.memory_space<semaphore_mem>>) src(%dma_wait3A_426 : memref<10112x64xf32, #tpu.memory_space<vmem_shared>>) dst(%dma_wait3A_420 : memref<128x64xf32, #tpu.memory_space<vmem>>)
      %dma_start3A_427 = arith.constant 1 : i32
      %dma_start3A_428 = arith.constant 0 : i32
      %dma_start3A_429 = arith.constant 0 : i32
      %dma_start3A_430 = tpu.memref_slice %arg8[%dma_start3A_427, %dma_start3A_428, %dma_start3A_429] : memref<4x128x64xf32, #tpu.memory_space<vmem>> -> memref<1x128x64xf32, #tpu.memory_space<vmem>>
      %dma_start3A_431 = tpu.memref_squeeze %dma_start3A_430 : memref<1x128x64xf32, #tpu.memory_space<vmem>> -> memref<128x64xf32, #tpu.memory_space<vmem>>
      %dma_start3A_432 = arith.constant 0 : i32
      %dma_start3A_433 = tpu.memref_slice %arg7[%add3A_408, %dma_start3A_432] : memref<40x128xi32, #tpu.memory_space<vmem>> -> memref<1x128xi32, #tpu.memory_space<vmem>>
      %dma_start3A_434 = tpu.memref_squeeze %dma_start3A_433 : memref<1x128xi32, #tpu.memory_space<vmem>> -> memref<128xi32, #tpu.memory_space<vmem>>
      %dma_start3A_435 = arith.constant 0 : i32
      %dma_start3A_436 = arith.constant 0 : i32
      %dma_start3A_437 = tpu.memref_slice %arg10[%dma_start3A_435, %dma_start3A_436] : memref<10112x64xf32, #tpu.memory_space<vmem_shared>> -> memref<10112x64xf32, #tpu.memory_space<vmem_shared>>
      tpu.enqueue_indirect_dma source(%dma_start3A_431 : memref<128x64xf32, #tpu.memory_space<vmem>>) target(%dma_start3A_437 : memref<10112x64xf32, #tpu.memory_space<vmem_shared>>) offsets(%dma_start3A_434 : memref<128xi32, #tpu.memory_space<vmem>>) semaphore(%arg16 : memref<!tpu.dma_semaphore, #tpu.memory_space<semaphore_mem>>) {add = true}
      %mul3A_438 = arith.constant 4 : i32
      %mul3A_439 = arith.muli %scan3A_374, %mul3A_438 : i32
      %add3A_440 = arith.constant 2 : i32
      %add3A_441 = arith.addi %mul3A_439, %add3A_440 : i32
      %add3A_442 = arith.constant 2 : i32
      %add3A_443 = arith.addi %add3A_441, %add3A_442 : i32
      %lt3A_444 = arith.constant 40 : i32
      %lt3A_445 = arith.cmpi slt, %add3A_443, %lt3A_444 : i32
      %convert_element_type3A_446 = arith.extui %lt3A_445 : i1 to i32
      %cond3A_447 = arith.constant 0 : i32
      %cond3A_448 = arith.cmpi ne, %convert_element_type3A_446, %cond3A_447 : i32
      scf.if %cond3A_448 {
        %add3A_504 = arith.constant 2 : i32
        %add3A_505 = arith.addi %add3A_441, %add3A_504 : i32
        %ge3A = arith.constant 4 : i32
        %ge3A_506 = arith.cmpi sge, %add3A_505, %ge3A : i32
        %convert_element_type3A_507 = arith.extui %ge3A_506 : i1 to i32
        %cond3A_508 = arith.constant 0 : i32
        %cond3A_509 = arith.cmpi ne, %convert_element_type3A_507, %cond3A_508 : i32
        scf.if %cond3A_509 {
          %add3A_523 = arith.constant 2 : i32
          %add3A_524 = arith.addi %add3A_441, %add3A_523 : i32
          %sub3A = arith.constant 4 : i32
          %sub3A_525 = arith.subi %add3A_524, %sub3A : i32
          %dma_wait3A_526 = arith.constant 0 : i32
          %dma_wait3A_527 = arith.constant 0 : i32
          %dma_wait3A_528 = arith.constant 0 : i32
          %dma_wait3A_529 = tpu.memref_slice %arg8[%dma_wait3A_526, %dma_wait3A_527, %dma_wait3A_528] : memref<4x128x64xf32, #tpu.memory_space<vmem>> -> memref<1x128x64xf32, #tpu.memory_space<vmem>>
          %dma_wait3A_530 = tpu.memref_squeeze %dma_wait3A_529 : memref<1x128x64xf32, #tpu.memory_space<vmem>> -> memref<128x64xf32, #tpu.memory_space<vmem>>
          %dma_wait3A_531 = arith.constant 0 : i32
          %dma_wait3A_532 = tpu.memref_slice %arg7[%sub3A_525, %dma_wait3A_531] : memref<40x128xi32, #tpu.memory_space<vmem>> -> memref<1x128xi32, #tpu.memory_space<vmem>>
          %dma_wait3A_533 = tpu.memref_squeeze %dma_wait3A_532 : memref<1x128xi32, #tpu.memory_space<vmem>> -> memref<128xi32, #tpu.memory_space<vmem>>
          %dma_wait3A_534 = arith.constant 0 : i32
          %dma_wait3A_535 = arith.constant 0 : i32
          %dma_wait3A_536 = tpu.memref_slice %arg10[%dma_wait3A_534, %dma_wait3A_535] : memref<10112x64xf32, #tpu.memory_space<vmem_shared>> -> memref<10112x64xf32, #tpu.memory_space<vmem_shared>>
          tpu.wait_indirect_dma semaphore(%arg15 : memref<!tpu.dma_semaphore, #tpu.memory_space<semaphore_mem>>) src(%dma_wait3A_530 : memref<128x64xf32, #tpu.memory_space<vmem>>) dst(%dma_wait3A_536 : memref<10112x64xf32, #tpu.memory_space<vmem_shared>>)
        } else {
        }
        %add3A_510 = arith.constant 2 : i32
        %add3A_511 = arith.addi %add3A_441, %add3A_510 : i32
        %dma_start3A_512 = arith.constant 0 : i32
        %dma_start3A_513 = arith.constant 0 : i32
        %dma_start3A_514 = arith.constant 0 : i32
        %dma_start3A_515 = tpu.memref_slice %arg8[%dma_start3A_512, %dma_start3A_513, %dma_start3A_514] : memref<4x128x64xf32, #tpu.memory_space<vmem>> -> memref<1x128x64xf32, #tpu.memory_space<vmem>>
        %dma_start3A_516 = tpu.memref_squeeze %dma_start3A_515 : memref<1x128x64xf32, #tpu.memory_space<vmem>> -> memref<128x64xf32, #tpu.memory_space<vmem>>
        %dma_start3A_517 = arith.constant 0 : i32
        %dma_start3A_518 = tpu.memref_slice %arg6[%add3A_511, %dma_start3A_517] : memref<40x128xi32, #tpu.memory_space<vmem>> -> memref<1x128xi32, #tpu.memory_space<vmem>>
        %dma_start3A_519 = tpu.memref_squeeze %dma_start3A_518 : memref<1x128xi32, #tpu.memory_space<vmem>> -> memref<128xi32, #tpu.memory_space<vmem>>
        %dma_start3A_520 = arith.constant 0 : i32
        %dma_start3A_521 = arith.constant 0 : i32
        %dma_start3A_522 = tpu.memref_slice %arg9[%dma_start3A_520, %dma_start3A_521] : memref<10112x64xf32, #tpu.memory_space<vmem_shared>> -> memref<10112x64xf32, #tpu.memory_space<vmem_shared>>
        tpu.enqueue_indirect_dma source(%dma_start3A_522 : memref<10112x64xf32, #tpu.memory_space<vmem_shared>>) target(%dma_start3A_516 : memref<128x64xf32, #tpu.memory_space<vmem>>) offsets(%dma_start3A_519 : memref<128xi32, #tpu.memory_space<vmem>>) semaphore(%arg11 : memref<!tpu.dma_semaphore, #tpu.memory_space<semaphore_mem>>)
      } else {
      }
      %dma_wait3A_449 = arith.constant 2 : i32
      %dma_wait3A_450 = arith.constant 0 : i32
      %dma_wait3A_451 = arith.constant 0 : i32
      %dma_wait3A_452 = tpu.memref_slice %arg8[%dma_wait3A_449, %dma_wait3A_450, %dma_wait3A_451] : memref<4x128x64xf32, #tpu.memory_space<vmem>> -> memref<1x128x64xf32, #tpu.memory_space<vmem>>
      %dma_wait3A_453 = tpu.memref_squeeze %dma_wait3A_452 : memref<1x128x64xf32, #tpu.memory_space<vmem>> -> memref<128x64xf32, #tpu.memory_space<vmem>>
      %dma_wait3A_454 = arith.constant 0 : i32
      %dma_wait3A_455 = tpu.memref_slice %arg6[%add3A_441, %dma_wait3A_454] : memref<40x128xi32, #tpu.memory_space<vmem>> -> memref<1x128xi32, #tpu.memory_space<vmem>>
      %dma_wait3A_456 = tpu.memref_squeeze %dma_wait3A_455 : memref<1x128xi32, #tpu.memory_space<vmem>> -> memref<128xi32, #tpu.memory_space<vmem>>
      %dma_wait3A_457 = arith.constant 0 : i32
      %dma_wait3A_458 = arith.constant 0 : i32
      %dma_wait3A_459 = tpu.memref_slice %arg9[%dma_wait3A_457, %dma_wait3A_458] : memref<10112x64xf32, #tpu.memory_space<vmem_shared>> -> memref<10112x64xf32, #tpu.memory_space<vmem_shared>>
      tpu.wait_indirect_dma semaphore(%arg13 : memref<!tpu.dma_semaphore, #tpu.memory_space<semaphore_mem>>) src(%dma_wait3A_459 : memref<10112x64xf32, #tpu.memory_space<vmem_shared>>) dst(%dma_wait3A_453 : memref<128x64xf32, #tpu.memory_space<vmem>>)
      %dma_start3A_460 = arith.constant 2 : i32
      %dma_start3A_461 = arith.constant 0 : i32
      %dma_start3A_462 = arith.constant 0 : i32
      %dma_start3A_463 = tpu.memref_slice %arg8[%dma_start3A_460, %dma_start3A_461, %dma_start3A_462] : memref<4x128x64xf32, #tpu.memory_space<vmem>> -> memref<1x128x64xf32, #tpu.memory_space<vmem>>
      %dma_start3A_464 = tpu.memref_squeeze %dma_start3A_463 : memref<1x128x64xf32, #tpu.memory_space<vmem>> -> memref<128x64xf32, #tpu.memory_space<vmem>>
      %dma_start3A_465 = arith.constant 0 : i32
      %dma_start3A_466 = tpu.memref_slice %arg7[%add3A_441, %dma_start3A_465] : memref<40x128xi32, #tpu.memory_space<vmem>> -> memref<1x128xi32, #tpu.memory_space<vmem>>
      %dma_start3A_467 = tpu.memref_squeeze %dma_start3A_466 : memref<1x128xi32, #tpu.memory_space<vmem>> -> memref<128xi32, #tpu.memory_space<vmem>>
      %dma_start3A_468 = arith.constant 0 : i32
      %dma_start3A_469 = arith.constant 0 : i32
      %dma_start3A_470 = tpu.memref_slice %arg10[%dma_start3A_468, %dma_start3A_469] : memref<10112x64xf32, #tpu.memory_space<vmem_shared>> -> memref<10112x64xf32, #tpu.memory_space<vmem_shared>>
      tpu.enqueue_indirect_dma source(%dma_start3A_464 : memref<128x64xf32, #tpu.memory_space<vmem>>) target(%dma_start3A_470 : memref<10112x64xf32, #tpu.memory_space<vmem_shared>>) offsets(%dma_start3A_467 : memref<128xi32, #tpu.memory_space<vmem>>) semaphore(%arg17 : memref<!tpu.dma_semaphore, #tpu.memory_space<semaphore_mem>>) {add = true}
      %mul3A_471 = arith.constant 4 : i32
      %mul3A_472 = arith.muli %scan3A_374, %mul3A_471 : i32
      %add3A_473 = arith.constant 3 : i32
      %add3A_474 = arith.addi %mul3A_472, %add3A_473 : i32
      %add3A_475 = arith.constant 2 : i32
      %add3A_476 = arith.addi %add3A_474, %add3A_475 : i32
      %lt3A_477 = arith.constant 40 : i32
      %lt3A_478 = arith.cmpi slt, %add3A_476, %lt3A_477 : i32
      %convert_element_type3A_479 = arith.extui %lt3A_478 : i1 to i32
      %cond3A_480 = arith.constant 0 : i32
      %cond3A_481 = arith.cmpi ne, %convert_element_type3A_479, %cond3A_480 : i32
      scf.if %cond3A_481 {
        %add3A_504 = arith.constant 2 : i32
        %add3A_505 = arith.addi %add3A_474, %add3A_504 : i32
        %ge3A = arith.constant 4 : i32
        %ge3A_506 = arith.cmpi sge, %add3A_505, %ge3A : i32
        %convert_element_type3A_507 = arith.extui %ge3A_506 : i1 to i32
        %cond3A_508 = arith.constant 0 : i32
        %cond3A_509 = arith.cmpi ne, %convert_element_type3A_507, %cond3A_508 : i32
        scf.if %cond3A_509 {
          %add3A_523 = arith.constant 2 : i32
          %add3A_524 = arith.addi %add3A_474, %add3A_523 : i32
          %sub3A = arith.constant 4 : i32
          %sub3A_525 = arith.subi %add3A_524, %sub3A : i32
          %dma_wait3A_526 = arith.constant 1 : i32
          %dma_wait3A_527 = arith.constant 0 : i32
          %dma_wait3A_528 = arith.constant 0 : i32
          %dma_wait3A_529 = tpu.memref_slice %arg8[%dma_wait3A_526, %dma_wait3A_527, %dma_wait3A_528] : memref<4x128x64xf32, #tpu.memory_space<vmem>> -> memref<1x128x64xf32, #tpu.memory_space<vmem>>
          %dma_wait3A_530 = tpu.memref_squeeze %dma_wait3A_529 : memref<1x128x64xf32, #tpu.memory_space<vmem>> -> memref<128x64xf32, #tpu.memory_space<vmem>>
          %dma_wait3A_531 = arith.constant 0 : i32
          %dma_wait3A_532 = tpu.memref_slice %arg7[%sub3A_525, %dma_wait3A_531] : memref<40x128xi32, #tpu.memory_space<vmem>> -> memref<1x128xi32, #tpu.memory_space<vmem>>
          %dma_wait3A_533 = tpu.memref_squeeze %dma_wait3A_532 : memref<1x128xi32, #tpu.memory_space<vmem>> -> memref<128xi32, #tpu.memory_space<vmem>>
          %dma_wait3A_534 = arith.constant 0 : i32
          %dma_wait3A_535 = arith.constant 0 : i32
          %dma_wait3A_536 = tpu.memref_slice %arg10[%dma_wait3A_534, %dma_wait3A_535] : memref<10112x64xf32, #tpu.memory_space<vmem_shared>> -> memref<10112x64xf32, #tpu.memory_space<vmem_shared>>
          tpu.wait_indirect_dma semaphore(%arg16 : memref<!tpu.dma_semaphore, #tpu.memory_space<semaphore_mem>>) src(%dma_wait3A_530 : memref<128x64xf32, #tpu.memory_space<vmem>>) dst(%dma_wait3A_536 : memref<10112x64xf32, #tpu.memory_space<vmem_shared>>)
        } else {
        }
        %add3A_510 = arith.constant 2 : i32
        %add3A_511 = arith.addi %add3A_474, %add3A_510 : i32
        %dma_start3A_512 = arith.constant 1 : i32
        %dma_start3A_513 = arith.constant 0 : i32
        %dma_start3A_514 = arith.constant 0 : i32
        %dma_start3A_515 = tpu.memref_slice %arg8[%dma_start3A_512, %dma_start3A_513, %dma_start3A_514] : memref<4x128x64xf32, #tpu.memory_space<vmem>> -> memref<1x128x64xf32, #tpu.memory_space<vmem>>
        %dma_start3A_516 = tpu.memref_squeeze %dma_start3A_515 : memref<1x128x64xf32, #tpu.memory_space<vmem>> -> memref<128x64xf32, #tpu.memory_space<vmem>>
        %dma_start3A_517 = arith.constant 0 : i32
        %dma_start3A_518 = tpu.memref_slice %arg6[%add3A_511, %dma_start3A_517] : memref<40x128xi32, #tpu.memory_space<vmem>> -> memref<1x128xi32, #tpu.memory_space<vmem>>
        %dma_start3A_519 = tpu.memref_squeeze %dma_start3A_518 : memref<1x128xi32, #tpu.memory_space<vmem>> -> memref<128xi32, #tpu.memory_space<vmem>>
        %dma_start3A_520 = arith.constant 0 : i32
        %dma_start3A_521 = arith.constant 0 : i32
        %dma_start3A_522 = tpu.memref_slice %arg9[%dma_start3A_520, %dma_start3A_521] : memref<10112x64xf32, #tpu.memory_space<vmem_shared>> -> memref<10112x64xf32, #tpu.memory_space<vmem_shared>>
        tpu.enqueue_indirect_dma source(%dma_start3A_522 : memref<10112x64xf32, #tpu.memory_space<vmem_shared>>) target(%dma_start3A_516 : memref<128x64xf32, #tpu.memory_space<vmem>>) offsets(%dma_start3A_519 : memref<128xi32, #tpu.memory_space<vmem>>) semaphore(%arg12 : memref<!tpu.dma_semaphore, #tpu.memory_space<semaphore_mem>>)
      } else {
      }
      %dma_wait3A_482 = arith.constant 3 : i32
      %dma_wait3A_483 = arith.constant 0 : i32
      %dma_wait3A_484 = arith.constant 0 : i32
      %dma_wait3A_485 = tpu.memref_slice %arg8[%dma_wait3A_482, %dma_wait3A_483, %dma_wait3A_484] : memref<4x128x64xf32, #tpu.memory_space<vmem>> -> memref<1x128x64xf32, #tpu.memory_space<vmem>>
      %dma_wait3A_486 = tpu.memref_squeeze %dma_wait3A_485 : memref<1x128x64xf32, #tpu.memory_space<vmem>> -> memref<128x64xf32, #tpu.memory_space<vmem>>
      %dma_wait3A_487 = arith.constant 0 : i32
      %dma_wait3A_488 = tpu.memref_slice %arg6[%add3A_474, %dma_wait3A_487] : memref<40x128xi32, #tpu.memory_space<vmem>> -> memref<1x128xi32, #tpu.memory_space<vmem>>
      %dma_wait3A_489 = tpu.memref_squeeze %dma_wait3A_488 : memref<1x128xi32, #tpu.memory_space<vmem>> -> memref<128xi32, #tpu.memory_space<vmem>>
      %dma_wait3A_490 = arith.constant 0 : i32
      %dma_wait3A_491 = arith.constant 0 : i32
      %dma_wait3A_492 = tpu.memref_slice %arg9[%dma_wait3A_490, %dma_wait3A_491] : memref<10112x64xf32, #tpu.memory_space<vmem_shared>> -> memref<10112x64xf32, #tpu.memory_space<vmem_shared>>
      tpu.wait_indirect_dma semaphore(%arg14 : memref<!tpu.dma_semaphore, #tpu.memory_space<semaphore_mem>>) src(%dma_wait3A_492 : memref<10112x64xf32, #tpu.memory_space<vmem_shared>>) dst(%dma_wait3A_486 : memref<128x64xf32, #tpu.memory_space<vmem>>)
      %dma_start3A_493 = arith.constant 3 : i32
      %dma_start3A_494 = arith.constant 0 : i32
      %dma_start3A_495 = arith.constant 0 : i32
      %dma_start3A_496 = tpu.memref_slice %arg8[%dma_start3A_493, %dma_start3A_494, %dma_start3A_495] : memref<4x128x64xf32, #tpu.memory_space<vmem>> -> memref<1x128x64xf32, #tpu.memory_space<vmem>>
      %dma_start3A_497 = tpu.memref_squeeze %dma_start3A_496 : memref<1x128x64xf32, #tpu.memory_space<vmem>> -> memref<128x64xf32, #tpu.memory_space<vmem>>
      %dma_start3A_498 = arith.constant 0 : i32
      %dma_start3A_499 = tpu.memref_slice %arg7[%add3A_474, %dma_start3A_498] : memref<40x128xi32, #tpu.memory_space<vmem>> -> memref<1x128xi32, #tpu.memory_space<vmem>>
      %dma_start3A_500 = tpu.memref_squeeze %dma_start3A_499 : memref<1x128xi32, #tpu.memory_space<vmem>> -> memref<128xi32, #tpu.memory_space<vmem>>
      %dma_start3A_501 = arith.constant 0 : i32
      %dma_start3A_502 = arith.constant 0 : i32
      %dma_start3A_503 = tpu.memref_slice %arg10[%dma_start3A_501, %dma_start3A_502] : memref<10112x64xf32, #tpu.memory_space<vmem_shared>> -> memref<10112x64xf32, #tpu.memory_space<vmem_shared>>
      tpu.enqueue_indirect_dma source(%dma_start3A_497 : memref<128x64xf32, #tpu.memory_space<vmem>>) target(%dma_start3A_503 : memref<10112x64xf32, #tpu.memory_space<vmem_shared>>) offsets(%dma_start3A_500 : memref<128xi32, #tpu.memory_space<vmem>>) semaphore(%arg18 : memref<!tpu.dma_semaphore, #tpu.memory_space<semaphore_mem>>) {add = true}
    }
    %scan3A_320 = arith.constant 10 : i32
    %dma_wait3A_321 = arith.constant 0 : i32
    %dma_wait3A_322 = arith.constant 36 : i32
    %dma_wait3A_323 = arith.constant 0 : i32
    %dma_wait3A_324 = arith.constant 0 : i32
    %dma_wait3A_325 = tpu.memref_slice %arg8[%dma_wait3A_321, %dma_wait3A_323, %dma_wait3A_324] : memref<4x128x64xf32, #tpu.memory_space<vmem>> -> memref<1x128x64xf32, #tpu.memory_space<vmem>>
    %dma_wait3A_326 = tpu.memref_squeeze %dma_wait3A_325 : memref<1x128x64xf32, #tpu.memory_space<vmem>> -> memref<128x64xf32, #tpu.memory_space<vmem>>
    %dma_wait3A_327 = arith.constant 0 : i32
    %dma_wait3A_328 = tpu.memref_slice %arg7[%dma_wait3A_322, %dma_wait3A_327] : memref<40x128xi32, #tpu.memory_space<vmem>> -> memref<1x128xi32, #tpu.memory_space<vmem>>
    %dma_wait3A_329 = tpu.memref_squeeze %dma_wait3A_328 : memref<1x128xi32, #tpu.memory_space<vmem>> -> memref<128xi32, #tpu.memory_space<vmem>>
    %dma_wait3A_330 = arith.constant 0 : i32
    %dma_wait3A_331 = arith.constant 0 : i32
    %dma_wait3A_332 = tpu.memref_slice %arg10[%dma_wait3A_330, %dma_wait3A_331] : memref<10112x64xf32, #tpu.memory_space<vmem_shared>> -> memref<10112x64xf32, #tpu.memory_space<vmem_shared>>
    tpu.wait_indirect_dma semaphore(%arg15 : memref<!tpu.dma_semaphore, #tpu.memory_space<semaphore_mem>>) src(%dma_wait3A_326 : memref<128x64xf32, #tpu.memory_space<vmem>>) dst(%dma_wait3A_332 : memref<10112x64xf32, #tpu.memory_space<vmem_shared>>)
    %dma_wait3A_333 = arith.constant 1 : i32
    %dma_wait3A_334 = arith.constant 37 : i32
    %dma_wait3A_335 = arith.constant 0 : i32
    %dma_wait3A_336 = arith.constant 0 : i32
    %dma_wait3A_337 = tpu.memref_slice %arg8[%dma_wait3A_333, %dma_wait3A_335, %dma_wait3A_336] : memref<4x128x64xf32, #tpu.memory_space<vmem>> -> memref<1x128x64xf32, #tpu.memory_space<vmem>>
    %dma_wait3A_338 = tpu.memref_squeeze %dma_wait3A_337 : memref<1x128x64xf32, #tpu.memory_space<vmem>> -> memref<128x64xf32, #tpu.memory_space<vmem>>
    %dma_wait3A_339 = arith.constant 0 : i32
    %dma_wait3A_340 = tpu.memref_slice %arg7[%dma_wait3A_334, %dma_wait3A_339] : memref<40x128xi32, #tpu.memory_space<vmem>> -> memref<1x128xi32, #tpu.memory_space<vmem>>
    %dma_wait3A_341 = tpu.memref_squeeze %dma_wait3A_340 : memref<1x128xi32, #tpu.memory_space<vmem>> -> memref<128xi32, #tpu.memory_space<vmem>>
    %dma_wait3A_342 = arith.constant 0 : i32
    %dma_wait3A_343 = arith.constant 0 : i32
    %dma_wait3A_344 = tpu.memref_slice %arg10[%dma_wait3A_342, %dma_wait3A_343] : memref<10112x64xf32, #tpu.memory_space<vmem_shared>> -> memref<10112x64xf32, #tpu.memory_space<vmem_shared>>
    tpu.wait_indirect_dma semaphore(%arg16 : memref<!tpu.dma_semaphore, #tpu.memory_space<semaphore_mem>>) src(%dma_wait3A_338 : memref<128x64xf32, #tpu.memory_space<vmem>>) dst(%dma_wait3A_344 : memref<10112x64xf32, #tpu.memory_space<vmem_shared>>)
    %dma_wait3A_345 = arith.constant 2 : i32
    %dma_wait3A_346 = arith.constant 38 : i32
    %dma_wait3A_347 = arith.constant 0 : i32
    %dma_wait3A_348 = arith.constant 0 : i32
    %dma_wait3A_349 = tpu.memref_slice %arg8[%dma_wait3A_345, %dma_wait3A_347, %dma_wait3A_348] : memref<4x128x64xf32, #tpu.memory_space<vmem>> -> memref<1x128x64xf32, #tpu.memory_space<vmem>>
    %dma_wait3A_350 = tpu.memref_squeeze %dma_wait3A_349 : memref<1x128x64xf32, #tpu.memory_space<vmem>> -> memref<128x64xf32, #tpu.memory_space<vmem>>
    %dma_wait3A_351 = arith.constant 0 : i32
    %dma_wait3A_352 = tpu.memref_slice %arg7[%dma_wait3A_346, %dma_wait3A_351] : memref<40x128xi32, #tpu.memory_space<vmem>> -> memref<1x128xi32, #tpu.memory_space<vmem>>
    %dma_wait3A_353 = tpu.memref_squeeze %dma_wait3A_352 : memref<1x128xi32, #tpu.memory_space<vmem>> -> memref<128xi32, #tpu.memory_space<vmem>>
    %dma_wait3A_354 = arith.constant 0 : i32
    %dma_wait3A_355 = arith.constant 0 : i32
    %dma_wait3A_356 = tpu.memref_slice %arg10[%dma_wait3A_354, %dma_wait3A_355] : memref<10112x64xf32, #tpu.memory_space<vmem_shared>> -> memref<10112x64xf32, #tpu.memory_space<vmem_shared>>
    tpu.wait_indirect_dma semaphore(%arg17 : memref<!tpu.dma_semaphore, #tpu.memory_space<semaphore_mem>>) src(%dma_wait3A_350 : memref<128x64xf32, #tpu.memory_space<vmem>>) dst(%dma_wait3A_356 : memref<10112x64xf32, #tpu.memory_space<vmem_shared>>)
    %dma_wait3A_357 = arith.constant 3 : i32
    %dma_wait3A_358 = arith.constant 39 : i32
    %dma_wait3A_359 = arith.constant 0 : i32
    %dma_wait3A_360 = arith.constant 0 : i32
    %dma_wait3A_361 = tpu.memref_slice %arg8[%dma_wait3A_357, %dma_wait3A_359, %dma_wait3A_360] : memref<4x128x64xf32, #tpu.memory_space<vmem>> -> memref<1x128x64xf32, #tpu.memory_space<vmem>>
    %dma_wait3A_362 = tpu.memref_squeeze %dma_wait3A_361 : memref<1x128x64xf32, #tpu.memory_space<vmem>> -> memref<128x64xf32, #tpu.memory_space<vmem>>
    %dma_wait3A_363 = arith.constant 0 : i32
    %dma_wait3A_364 = tpu.memref_slice %arg7[%dma_wait3A_358, %dma_wait3A_363] : memref<40x128xi32, #tpu.memory_space<vmem>> -> memref<1x128xi32, #tpu.memory_space<vmem>>
    %dma_wait3A_365 = tpu.memref_squeeze %dma_wait3A_364 : memref<1x128xi32, #tpu.memory_space<vmem>> -> memref<128xi32, #tpu.memory_space<vmem>>
    %dma_wait3A_366 = arith.constant 0 : i32
    %dma_wait3A_367 = arith.constant 0 : i32
    %dma_wait3A_368 = tpu.memref_slice %arg10[%dma_wait3A_366, %dma_wait3A_367] : memref<10112x64xf32, #tpu.memory_space<vmem_shared>> -> memref<10112x64xf32, #tpu.memory_space<vmem_shared>>
    tpu.wait_indirect_dma semaphore(%arg18 : memref<!tpu.dma_semaphore, #tpu.memory_space<semaphore_mem>>) src(%dma_wait3A_362 : memref<128x64xf32, #tpu.memory_space<vmem>>) dst(%dma_wait3A_368 : memref<10112x64xf32, #tpu.memory_space<vmem_shared>>)
    %barrier3A_369 = arith.constant 0 : index
    tpu.barrier barrier_id(%barrier3A_369)
    %mul3A_370 = arith.constant 632 : i32
    %mul3A_371 = arith.muli %arg1, %mul3A_370 : i32
    %mul3A_372 = arith.constant 632 : i32
    %mul3A_373 = arith.muli %arg1, %mul3A_372 : i32
    "tpu.region"() ({
      %run_scoped3A_374 = tpu.sem_alloc : memref<!tpu.dma_semaphore, #tpu.memory_space<semaphore_mem>>
      %dma_start3A_375 = arith.constant 0 : i32
      %dma_start3A_376 = tpu.memref_slice %arg5[%arg0, %mul3A_373, %dma_start3A_375] : memref<2x10112x64xf32, #tpu.memory_space<hbm>> -> memref<1x632x64xf32, #tpu.memory_space<hbm>>
      %dma_start3A_377 = tpu.memref_squeeze %dma_start3A_376 : memref<1x632x64xf32, #tpu.memory_space<hbm>> -> memref<632x64xf32, #tpu.memory_space<hbm>>
      %dma_start3A_378 = arith.constant 0 : i32
      %dma_start3A_379 = tpu.memref_slice %arg10[%mul3A_371, %dma_start3A_378] : memref<10112x64xf32, #tpu.memory_space<vmem_shared>> -> memref<632x64xf32, #tpu.memory_space<vmem_shared>>
      tpu.enqueue_dma source(%dma_start3A_379 : memref<632x64xf32, #tpu.memory_space<vmem_shared>>) target(%dma_start3A_377 : memref<632x64xf32, #tpu.memory_space<hbm>>) target_semaphore(%run_scoped3A_374 : memref<!tpu.dma_semaphore, #tpu.memory_space<semaphore_mem>>)
      %dma_wait3A_380 = arith.constant 0 : i32
      %dma_wait3A_381 = tpu.memref_slice %arg5[%arg0, %mul3A_373, %dma_wait3A_380] : memref<2x10112x64xf32, #tpu.memory_space<hbm>> -> memref<1x632x64xf32, #tpu.memory_space<hbm>>
      %dma_wait3A_382 = tpu.memref_squeeze %dma_wait3A_381 : memref<1x632x64xf32, #tpu.memory_space<hbm>> -> memref<632x64xf32, #tpu.memory_space<hbm>>
      %dma_wait3A_383 = arith.constant 0 : i32
      %dma_wait3A_384 = tpu.memref_slice %arg10[%mul3A_371, %dma_wait3A_383] : memref<10112x64xf32, #tpu.memory_space<vmem_shared>> -> memref<632x64xf32, #tpu.memory_space<vmem_shared>>
      tpu.wait_dma2 semaphore(%run_scoped3A_374 : memref<!tpu.dma_semaphore, #tpu.memory_space<semaphore_mem>>) src(%dma_wait3A_384 : memref<632x64xf32, #tpu.memory_space<vmem_shared>>) dst(%dma_wait3A_382 : memref<632x64xf32, #tpu.memory_space<hbm>>)
      tpu.yield
    }) : () -> ()
    return
  }
}

#map = affine_map<(d0, d1) -> (0, 0)>
#map1 = affine_map<(d0, d1) -> (0, 0, 0)>
module attributes {stable_mosaic.version = 14 : i64} {
  func.func @_deg_kernel(%arg0: i32, %arg1: i32, %arg2: memref<2560x128xi32, #tpu.memory_space<hbm>>, %arg3: memref<2x10240x16xf32, #tpu.memory_space<hbm>>, %arg4: memref<80x128xi32, #tpu.memory_space<vmem>>, %arg5: memref<128x16xf32, #tpu.memory_space<vmem>>, %arg6: memref<128x16xf32, #tpu.memory_space<vmem>>, %arg7: memref<10240x16xf32, #tpu.memory_space<vmem_shared>>, %arg8: memref<!tpu.dma_semaphore, #tpu.memory_space<semaphore_mem>>) attributes {dimension_semantics = [#tpu.dimension_semantics<core_parallel>, #tpu.dimension_semantics<subcore_parallel>], iteration_bounds = array<i64: 2, 16>, scalar_prefetch = 0 : i64, scratch_operands = 5 : i64, tpu.core_type = #tpu.core_type<sc_vector_subcore>, window_params = [{transform_indices = #map}, {transform_indices = #map1}]} {
    %mul3A = arith.constant 16 : i32
    %mul3A_0 = arith.muli %arg0, %mul3A : i32
    %add3A = arith.addi %mul3A_0, %arg1 : i32
    %broadcast_in_dim3A = arith.constant 1.000000e+00 : f32
    %broadcast_in_dim3A_1 = vector.broadcast %broadcast_in_dim3A : f32 to vector<16xf32>
    %broadcast_in_dim3A_2 = arith.constant 0.000000e+00 : f32
    %broadcast_in_dim3A_3 = vector.broadcast %broadcast_in_dim3A_2 : f32 to vector<16xf32>
    %scan3A = arith.constant 0 : i32
    %scan3A_4 = arith.constant 128 : i32
    %scan3A_5 = arith.addi %scan3A, %scan3A_4 : i32
    %scan3A_6 = arith.constant 1 : i32
    scf.for %scan3A_30 = %scan3A to %scan3A_5 step %scan3A_6  : i32 {
      %swap3A = arith.index_cast %scan3A_30 : i32 to index
      %swap3A_31 = arith.constant 0 : index
      %swap3A_32 = tpu.vector_load %arg5[%swap3A, %swap3A_31] {strides = array<i32>} : memref<128x16xf32, #tpu.memory_space<vmem>>, vector<1x16xf32>,
      %swap3A_33 = vector.shape_cast %swap3A_32 : vector<1x16xf32> to vector<16xf32>
      %swap3A_34 = vector.shape_cast %broadcast_in_dim3A_1 : vector<16xf32> to vector<1x16xf32>
      tpu.vector_store %arg5[%swap3A, %swap3A_31], %swap3A_34 {strides = array<i32>} : memref<128x16xf32, #tpu.memory_space<vmem>>, vector<1x16xf32>,
      %swap3A_35 = arith.index_cast %scan3A_30 : i32 to index
      %swap3A_36 = arith.constant 0 : index
      %swap3A_37 = tpu.vector_load %arg6[%swap3A_35, %swap3A_36] {strides = array<i32>} : memref<128x16xf32, #tpu.memory_space<vmem>>, vector<1x16xf32>,
      %swap3A_38 = vector.shape_cast %swap3A_37 : vector<1x16xf32> to vector<16xf32>
      %swap3A_39 = vector.shape_cast %broadcast_in_dim3A_3 : vector<16xf32> to vector<1x16xf32>
      tpu.vector_store %arg6[%swap3A_35, %swap3A_36], %swap3A_39 {strides = array<i32>} : memref<128x16xf32, #tpu.memory_space<vmem>>, vector<1x16xf32>,
    }
    %scan3A_7 = arith.constant 128 : i32
    %scan3A_8 = arith.constant 0 : i32
    %scan3A_9 = arith.constant 5 : i32
    %scan3A_10 = arith.addi %scan3A_8, %scan3A_9 : i32
    %scan3A_11 = arith.constant 1 : i32
    scf.for %scan3A_30 = %scan3A_8 to %scan3A_10 step %scan3A_11  : i32 {
      %mul3A_31 = arith.constant 640 : i32
      %mul3A_32 = arith.muli %arg1, %mul3A_31 : i32
      %mul3A_33 = arith.constant 128 : i32
      %mul3A_34 = arith.muli %scan3A_30, %mul3A_33 : i32
      %add3A_35 = arith.addi %mul3A_32, %mul3A_34 : i32
      "tpu.region"() ({
        %run_scoped3A = tpu.sem_alloc : memref<!tpu.dma_semaphore, #tpu.memory_space<semaphore_mem>>
        %dma_start3A = arith.constant 0 : i32
        %dma_start3A_36 = tpu.memref_slice %arg7[%add3A_35, %dma_start3A] : memref<10240x16xf32, #tpu.memory_space<vmem_shared>> -> memref<128x16xf32, #tpu.memory_space<vmem_shared>>
        %dma_start3A_37 = arith.constant 0 : i32
        %dma_start3A_38 = tpu.memref_slice %arg7[%add3A_35, %dma_start3A_37] : memref<10240x16xf32, #tpu.memory_space<vmem_shared>> -> memref<128x16xf32, #tpu.memory_space<vmem_shared>>
        tpu.enqueue_dma source(%arg6 : memref<128x16xf32, #tpu.memory_space<vmem>>) target(%dma_start3A_38 : memref<128x16xf32, #tpu.memory_space<vmem_shared>>) target_semaphore(%run_scoped3A : memref<!tpu.dma_semaphore, #tpu.memory_space<semaphore_mem>>)
        %dma_wait3A = arith.constant 0 : i32
        %dma_wait3A_39 = tpu.memref_slice %arg7[%add3A_35, %dma_wait3A] : memref<10240x16xf32, #tpu.memory_space<vmem_shared>> -> memref<128x16xf32, #tpu.memory_space<vmem_shared>>
        %dma_wait3A_40 = arith.constant 0 : i32
        %dma_wait3A_41 = tpu.memref_slice %arg7[%add3A_35, %dma_wait3A_40] : memref<10240x16xf32, #tpu.memory_space<vmem_shared>> -> memref<128x16xf32, #tpu.memory_space<vmem_shared>>
        tpu.wait_dma2 semaphore(%run_scoped3A : memref<!tpu.dma_semaphore, #tpu.memory_space<semaphore_mem>>) src(%arg6 : memref<128x16xf32, #tpu.memory_space<vmem>>) dst(%dma_wait3A_41 : memref<128x16xf32, #tpu.memory_space<vmem_shared>>)
        tpu.yield
      }) : () -> ()
    }
    %scan3A_12 = arith.constant 5 : i32
    %mul3A_13 = arith.constant 80 : i32
    %mul3A_14 = arith.muli %add3A, %mul3A_13 : i32
    "tpu.region"() ({
      %run_scoped3A = tpu.sem_alloc : memref<!tpu.dma_semaphore, #tpu.memory_space<semaphore_mem>>
      %dma_start3A = arith.constant 0 : i32
      %dma_start3A_30 = tpu.memref_slice %arg2[%mul3A_14, %dma_start3A] : memref<2560x128xi32, #tpu.memory_space<hbm>> -> memref<80x128xi32, #tpu.memory_space<hbm>>
      %dma_start3A_31 = arith.constant 0 : i32
      %dma_start3A_32 = tpu.memref_slice %arg2[%mul3A_14, %dma_start3A_31] : memref<2560x128xi32, #tpu.memory_space<hbm>> -> memref<80x128xi32, #tpu.memory_space<hbm>>
      tpu.enqueue_dma source(%dma_start3A_32 : memref<80x128xi32, #tpu.memory_space<hbm>>) target(%arg4 : memref<80x128xi32, #tpu.memory_space<vmem>>) target_semaphore(%run_scoped3A : memref<!tpu.dma_semaphore, #tpu.memory_space<semaphore_mem>>)
      %dma_wait3A = arith.constant 0 : i32
      %dma_wait3A_33 = tpu.memref_slice %arg2[%mul3A_14, %dma_wait3A] : memref<2560x128xi32, #tpu.memory_space<hbm>> -> memref<80x128xi32, #tpu.memory_space<hbm>>
      %dma_wait3A_34 = arith.constant 0 : i32
      %dma_wait3A_35 = tpu.memref_slice %arg2[%mul3A_14, %dma_wait3A_34] : memref<2560x128xi32, #tpu.memory_space<hbm>> -> memref<80x128xi32, #tpu.memory_space<hbm>>
      tpu.wait_dma2 semaphore(%run_scoped3A : memref<!tpu.dma_semaphore, #tpu.memory_space<semaphore_mem>>) src(%dma_wait3A_35 : memref<80x128xi32, #tpu.memory_space<hbm>>) dst(%arg4 : memref<80x128xi32, #tpu.memory_space<vmem>>)
      tpu.yield
    }) : () -> ()
    %barrier3A = arith.constant 0 : index
    tpu.barrier barrier_id(%barrier3A)
    %scan3A_15 = arith.constant 0 : i32
    %scan3A_16 = arith.constant 80 : i32
    %scan3A_17 = arith.addi %scan3A_15, %scan3A_16 : i32
    %scan3A_18 = arith.constant 1 : i32
    scf.for %scan3A_30 = %scan3A_15 to %scan3A_17 step %scan3A_18  : i32 {
      %dma_start3A = arith.constant 0 : i32
      %dma_start3A_31 = tpu.memref_slice %arg4[%scan3A_30, %dma_start3A] : memref<80x128xi32, #tpu.memory_space<vmem>> -> memref<1x128xi32, #tpu.memory_space<vmem>>
      %dma_start3A_32 = tpu.memref_squeeze %dma_start3A_31 : memref<1x128xi32, #tpu.memory_space<vmem>> -> memref<128xi32, #tpu.memory_space<vmem>>
      %dma_start3A_33 = arith.constant 0 : i32
      %dma_start3A_34 = arith.constant 0 : i32
      %dma_start3A_35 = tpu.memref_slice %arg7[%dma_start3A_33, %dma_start3A_34] : memref<10240x16xf32, #tpu.memory_space<vmem_shared>> -> memref<10240x16xf32, #tpu.memory_space<vmem_shared>>
      tpu.enqueue_indirect_dma source(%arg5 : memref<128x16xf32, #tpu.memory_space<vmem>>) target(%dma_start3A_35 : memref<10240x16xf32, #tpu.memory_space<vmem_shared>>) offsets(%dma_start3A_32 : memref<128xi32, #tpu.memory_space<vmem>>) semaphore(%arg8 : memref<!tpu.dma_semaphore, #tpu.memory_space<semaphore_mem>>) {add = true}
    }
    %scan3A_19 = arith.constant 80 : i32
    %scan3A_20 = arith.constant 0 : i32
    %scan3A_21 = arith.constant 80 : i32
    %scan3A_22 = arith.addi %scan3A_20, %scan3A_21 : i32
    %scan3A_23 = arith.constant 1 : i32
    scf.for %scan3A_30 = %scan3A_20 to %scan3A_22 step %scan3A_23  : i32 {
      %dma_wait3A = arith.constant 0 : i32
      %dma_wait3A_31 = tpu.memref_slice %arg4[%scan3A_30, %dma_wait3A] : memref<80x128xi32, #tpu.memory_space<vmem>> -> memref<1x128xi32, #tpu.memory_space<vmem>>
      %dma_wait3A_32 = tpu.memref_squeeze %dma_wait3A_31 : memref<1x128xi32, #tpu.memory_space<vmem>> -> memref<128xi32, #tpu.memory_space<vmem>>
      %dma_wait3A_33 = arith.constant 0 : i32
      %dma_wait3A_34 = arith.constant 0 : i32
      %dma_wait3A_35 = tpu.memref_slice %arg7[%dma_wait3A_33, %dma_wait3A_34] : memref<10240x16xf32, #tpu.memory_space<vmem_shared>> -> memref<10240x16xf32, #tpu.memory_space<vmem_shared>>
      tpu.wait_indirect_dma semaphore(%arg8 : memref<!tpu.dma_semaphore, #tpu.memory_space<semaphore_mem>>) src(%arg5 : memref<128x16xf32, #tpu.memory_space<vmem>>) dst(%dma_wait3A_35 : memref<10240x16xf32, #tpu.memory_space<vmem_shared>>)
    }
    %scan3A_24 = arith.constant 80 : i32
    %barrier3A_25 = arith.constant 0 : index
    tpu.barrier barrier_id(%barrier3A_25)
    %mul3A_26 = arith.constant 640 : i32
    %mul3A_27 = arith.muli %arg1, %mul3A_26 : i32
    %mul3A_28 = arith.constant 640 : i32
    %mul3A_29 = arith.muli %arg1, %mul3A_28 : i32
    "tpu.region"() ({
      %run_scoped3A = tpu.sem_alloc : memref<!tpu.dma_semaphore, #tpu.memory_space<semaphore_mem>>
      %dma_start3A = arith.constant 0 : i32
      %dma_start3A_30 = tpu.memref_slice %arg3[%arg0, %mul3A_29, %dma_start3A] : memref<2x10240x16xf32, #tpu.memory_space<hbm>> -> memref<1x640x16xf32, #tpu.memory_space<hbm>>
      %dma_start3A_31 = tpu.memref_squeeze %dma_start3A_30 : memref<1x640x16xf32, #tpu.memory_space<hbm>> -> memref<640x16xf32, #tpu.memory_space<hbm>>
      %dma_start3A_32 = arith.constant 0 : i32
      %dma_start3A_33 = tpu.memref_slice %arg7[%mul3A_27, %dma_start3A_32] : memref<10240x16xf32, #tpu.memory_space<vmem_shared>> -> memref<640x16xf32, #tpu.memory_space<vmem_shared>>
      tpu.enqueue_dma source(%dma_start3A_33 : memref<640x16xf32, #tpu.memory_space<vmem_shared>>) target(%dma_start3A_31 : memref<640x16xf32, #tpu.memory_space<hbm>>) target_semaphore(%run_scoped3A : memref<!tpu.dma_semaphore, #tpu.memory_space<semaphore_mem>>)
      %dma_wait3A = arith.constant 0 : i32
      %dma_wait3A_34 = tpu.memref_slice %arg3[%arg0, %mul3A_29, %dma_wait3A] : memref<2x10240x16xf32, #tpu.memory_space<hbm>> -> memref<1x640x16xf32, #tpu.memory_space<hbm>>
      %dma_wait3A_35 = tpu.memref_squeeze %dma_wait3A_34 : memref<1x640x16xf32, #tpu.memory_space<hbm>> -> memref<640x16xf32, #tpu.memory_space<hbm>>
      %dma_wait3A_36 = arith.constant 0 : i32
      %dma_wait3A_37 = tpu.memref_slice %arg7[%mul3A_27, %dma_wait3A_36] : memref<10240x16xf32, #tpu.memory_space<vmem_shared>> -> memref<640x16xf32, #tpu.memory_space<vmem_shared>>
      tpu.wait_dma2 semaphore(%run_scoped3A : memref<!tpu.dma_semaphore, #tpu.memory_space<semaphore_mem>>) src(%dma_wait3A_37 : memref<640x16xf32, #tpu.memory_space<vmem_shared>>) dst(%dma_wait3A_35 : memref<640x16xf32, #tpu.memory_space<hbm>>)
      tpu.yield
    }) : () -> ()
    return
  }
}

module attributes {stable_mosaic.version = 14 : i64} {
  func.func @_mm_body(%arg0: i32, %arg1: memref<2000x128xf32, #tpu.memory_space<vmem>>, %arg2: memref<128x128xf32, #tpu.memory_space<vmem>>, %arg3: memref<128x128xf32, #tpu.memory_space<vmem>>, %arg4: memref<1x128xf32, #tpu.memory_space<vmem>>, %arg5: memref<2000x128xf32, #tpu.memory_space<vmem>>, %arg6: memref<2000x128xf32, #tpu.memory_space<vmem>>) attributes {dimension_semantics = [#tpu.dimension_semantics<arbitrary>], iteration_bounds = array<i64: 5>, scalar_prefetch = 0 : i64, scratch_operands = 0 : i64, tpu.core_type = #tpu.core_type<tc>, window_params = [{transform_indices = @transform_0, window_bounds = array<i64: 2000, 128>}, {pipeline_mode = #tpu.pipeline_mode<synchronous>, transform_indices = @transform_1, window_bounds = array<i64: 128, 128>}, {pipeline_mode = #tpu.pipeline_mode<synchronous>, transform_indices = @transform_2, window_bounds = array<i64: 128, 128>}, {pipeline_mode = #tpu.pipeline_mode<synchronous>, transform_indices = @transform_3, window_bounds = array<i64: 1, 128>}, {transform_indices = @transform_4, window_bounds = array<i64: 2000, 128>}, {transform_indices = @transform_5, window_bounds = array<i64: 2000, 128>}]} {
    %get3A = arith.constant 0 : index
    %get3A_0 = arith.constant 0 : index
    %get3A_1 = vector.load %arg1[%get3A, %get3A_0] : memref<2000x128xf32, #tpu.memory_space<vmem>>, vector<2000x128xf32>
    %get3A_2 = arith.constant 0 : index
    %get3A_3 = arith.constant 0 : index
    %get3A_4 = vector.load %arg2[%get3A_2, %get3A_3] : memref<128x128xf32, #tpu.memory_space<vmem>>, vector<128x128xf32>
    %dot_general3A = arith.constant dense<0.000000e+00> : vector<2000x128xf32>
    %dot_general3A_5 = tpu.matmul %get3A_1, %get3A_4, %dot_general3A {dimension_numbers = #tpu.dot_dimension_numbers<[1], [1], [0], [0], [0, 0, 1, 0], [], []>, precision = #tpu.contract_precision<fp32>, transpose_lhs_hint = false} : vector<2000x128xf32>, vector<128x128xf32>, vector<2000x128xf32> -> vector<2000x128xf32>
    %get3A_6 = arith.constant 0 : index
    %get3A_7 = arith.constant 0 : index
    %get3A_8 = vector.load %arg4[%get3A_6, %get3A_7] : memref<1x128xf32, #tpu.memory_space<vmem>>, vector<1x128xf32>
    %add3A = vector.broadcast %get3A_8 : vector<1x128xf32> to vector<2000x128xf32>
    %add3A_9 = arith.addf %dot_general3A_5, %add3A : vector<2000x128xf32>
    %swap3A = arith.constant 0 : index
    %swap3A_10 = arith.constant 0 : index
    %swap3A_11 = vector.load %arg5[%swap3A, %swap3A_10] : memref<2000x128xf32, #tpu.memory_space<vmem>>, vector<2000x128xf32>
    tpu.vector_store %arg5[%swap3A, %swap3A_10], %add3A_9 {strides = array<i32>} : memref<2000x128xf32, #tpu.memory_space<vmem>>, vector<2000x128xf32>,
    %get3A_12 = arith.constant 0 : index
    %get3A_13 = arith.constant 0 : index
    %get3A_14 = vector.load %arg3[%get3A_12, %get3A_13] : memref<128x128xf32, #tpu.memory_space<vmem>>, vector<128x128xf32>
    %dot_general3A_15 = arith.constant dense<0.000000e+00> : vector<2000x128xf32>
    %dot_general3A_16 = tpu.matmul %get3A_1, %get3A_14, %dot_general3A_15 {dimension_numbers = #tpu.dot_dimension_numbers<[1], [1], [0], [0], [0, 0, 1, 0], [], []>, precision = #tpu.contract_precision<fp32>, transpose_lhs_hint = false} : vector<2000x128xf32>, vector<128x128xf32>, vector<2000x128xf32> -> vector<2000x128xf32>
    %swap3A_17 = arith.constant 0 : index
    %swap3A_18 = arith.constant 0 : index
    %swap3A_19 = vector.load %arg6[%swap3A_17, %swap3A_18] : memref<2000x128xf32, #tpu.memory_space<vmem>>, vector<2000x128xf32>
    tpu.vector_store %arg6[%swap3A_17, %swap3A_18], %dot_general3A_16 {strides = array<i32>} : memref<2000x128xf32, #tpu.memory_space<vmem>>, vector<2000x128xf32>,
    return
  }
  func.func @transform_0(%arg0: i32) -> (i32, i32) {
    %c0_i32 = arith.constant 0 : i32
    %c0_i32_0 = arith.constant 0 : i32
    return %arg0, %c0_i32 : i32, i32
  }
  func.func @transform_1(%arg0: i32) -> (i32, i32) {
    %c0_i32 = arith.constant 0 : i32
    %c0_i32_0 = arith.constant 0 : i32
    %c0_i32_1 = arith.constant 0 : i32
    return %c0_i32, %c0_i32_0 : i32, i32
  }
  func.func @transform_2(%arg0: i32) -> (i32, i32) {
    %c0_i32 = arith.constant 0 : i32
    %c0_i32_0 = arith.constant 0 : i32
    %c0_i32_1 = arith.constant 0 : i32
    return %c0_i32, %c0_i32_0 : i32, i32
  }
  func.func @transform_3(%arg0: i32) -> (i32, i32) {
    %c0_i32 = arith.constant 0 : i32
    %c0_i32_0 = arith.constant 0 : i32
    %c0_i32_1 = arith.constant 0 : i32
    return %c0_i32, %c0_i32_0 : i32, i32
  }
  func.func @transform_4(%arg0: i32) -> (i32, i32) {
    %c0_i32 = arith.constant 0 : i32
    %c0_i32_0 = arith.constant 0 : i32
    return %arg0, %c0_i32 : i32, i32
  }
  func.func @transform_5(%arg0: i32) -> (i32, i32) {
    %c0_i32 = arith.constant 0 : i32
    %c0_i32_0 = arith.constant 0 : i32
    return %arg0, %c0_i32 : i32, i32
  }
}

module attributes {stable_mosaic.version = 14 : i64} {
  func.func @_scale_body(%arg0: i32, %arg1: memref<2000x128xf32, #tpu.memory_space<vmem>>, %arg2: memref<2x2000x16xf32, #tpu.memory_space<vmem>>, %arg3: memref<2x2000x64xf32, #tpu.memory_space<vmem>>) attributes {dimension_semantics = [#tpu.dimension_semantics<arbitrary>], iteration_bounds = array<i64: 5>, scalar_prefetch = 0 : i64, scratch_operands = 0 : i64, tpu.core_type = #tpu.core_type<tc>, window_params = [{transform_indices = @transform_0, window_bounds = array<i64: 2000, 128>}, {transform_indices = @transform_1, window_bounds = array<i64: 2, 2000, 16>}, {transform_indices = @transform_2, window_bounds = array<i64: 2, 2000, 64>}]} {
    %get3A = arith.constant 0 : index
    %get3A_0 = arith.constant 0 : index
    %get3A_1 = arith.constant 0 : index
    %get3A_2 = vector.load %arg2[%get3A, %get3A_0, %get3A_1] : memref<2x2000x16xf32, #tpu.memory_space<vmem>>, vector<1x2000x1xf32>
    %get3A_3 = vector.shape_cast %get3A_2 : vector<1x2000x1xf32> to vector<2000x1xf32>
    %get3A_4 = arith.constant 1 : index
    %get3A_5 = arith.constant 0 : index
    %get3A_6 = arith.constant 0 : index
    %get3A_7 = vector.load %arg2[%get3A_4, %get3A_5, %get3A_6] : memref<2x2000x16xf32, #tpu.memory_space<vmem>>, vector<1x2000x1xf32>
    %get3A_8 = vector.shape_cast %get3A_7 : vector<1x2000x1xf32> to vector<2000x1xf32>
    %add3A = arith.addf %get3A_3, %get3A_8 : vector<2000x1xf32>
    %add3A_9 = arith.constant 1.000000e+00 : f32
    %add3A_10 = vector.broadcast %add3A_9 : f32 to vector<2000x1xf32>
    %add3A_11 = arith.addf %add3A, %add3A_10 : vector<2000x1xf32>
    %get3A_12 = arith.constant 0 : index
    %get3A_13 = arith.constant 0 : index
    %get3A_14 = vector.load %arg1[%get3A_12, %get3A_13] : memref<2000x128xf32, #tpu.memory_space<vmem>>, vector<2000x128xf32>
    %rsqrt3A = math.rsqrt %add3A_11 : vector<2000x1xf32>
    %mul3A = vector.broadcast %rsqrt3A : vector<2000x1xf32> to vector<2000x128xf32>
    %mul3A_15 = arith.mulf %get3A_14, %mul3A : vector<2000x128xf32>
    %slice3A = vector.extract_strided_slice %mul3A_15 {offsets = [0, 0], sizes = [2000, 64], strides = [1, 1]} : vector<2000x128xf32> to vector<2000x64xf32>
    %swap3A = arith.constant 0 : index
    %swap3A_16 = arith.constant 0 : index
    %swap3A_17 = arith.constant 0 : index
    %swap3A_18 = vector.load %arg3[%swap3A, %swap3A_16, %swap3A_17] : memref<2x2000x64xf32, #tpu.memory_space<vmem>>, vector<1x2000x64xf32>
    %swap3A_19 = vector.shape_cast %swap3A_18 : vector<1x2000x64xf32> to vector<2000x64xf32>
    %swap3A_20 = vector.shape_cast %slice3A : vector<2000x64xf32> to vector<1x2000x64xf32>
    tpu.vector_store %arg3[%swap3A, %swap3A_16, %swap3A_17], %swap3A_20 {strides = array<i32>} : memref<2x2000x64xf32, #tpu.memory_space<vmem>>, vector<1x2000x64xf32>,
    %slice3A_21 = vector.extract_strided_slice %mul3A_15 {offsets = [0, 64], sizes = [2000, 64], strides = [1, 1]} : vector<2000x128xf32> to vector<2000x64xf32>
    %swap3A_22 = arith.constant 1 : index
    %swap3A_23 = arith.constant 0 : index
    %swap3A_24 = arith.constant 0 : index
    %swap3A_25 = vector.load %arg3[%swap3A_22, %swap3A_23, %swap3A_24] : memref<2x2000x64xf32, #tpu.memory_space<vmem>>, vector<1x2000x64xf32>
    %swap3A_26 = vector.shape_cast %swap3A_25 : vector<1x2000x64xf32> to vector<2000x64xf32>
    %swap3A_27 = vector.shape_cast %slice3A_21 : vector<2000x64xf32> to vector<1x2000x64xf32>
    tpu.vector_store %arg3[%swap3A_22, %swap3A_23, %swap3A_24], %swap3A_27 {strides = array<i32>} : memref<2x2000x64xf32, #tpu.memory_space<vmem>>, vector<1x2000x64xf32>,
    return
  }
  func.func @transform_0(%arg0: i32) -> (i32, i32) {
    %c0_i32 = arith.constant 0 : i32
    %c0_i32_0 = arith.constant 0 : i32
    return %arg0, %c0_i32 : i32, i32
  }
  func.func @transform_1(%arg0: i32) -> (i32, i32, i32) {
    %c0_i32 = arith.constant 0 : i32
    %c0_i32_0 = arith.constant 0 : i32
    %c0_i32_1 = arith.constant 0 : i32
    return %c0_i32, %arg0, %c0_i32_0 : i32, i32, i32
  }
  func.func @transform_2(%arg0: i32) -> (i32, i32, i32) {
    %c0_i32 = arith.constant 0 : i32
    %c0_i32_0 = arith.constant 0 : i32
    %c0_i32_1 = arith.constant 0 : i32
    return %c0_i32, %arg0, %c0_i32_0 : i32, i32, i32
  }
}

module attributes {stable_mosaic.version = 14 : i64} {
  func.func @_comb_body(%arg0: i32, %arg1: memref<2000x128xf32, #tpu.memory_space<vmem>>, %arg2: memref<2x2000x64xf32, #tpu.memory_space<vmem>>, %arg3: memref<2x2000x64xf32, #tpu.memory_space<vmem>>, %arg4: memref<2x2000x16xf32, #tpu.memory_space<vmem>>, %arg5: memref<2000x128xf32, #tpu.memory_space<vmem>>) attributes {dimension_semantics = [#tpu.dimension_semantics<arbitrary>], iteration_bounds = array<i64: 5>, scalar_prefetch = 0 : i64, scratch_operands = 0 : i64, tpu.core_type = #tpu.core_type<tc>, window_params = [{transform_indices = @transform_0, window_bounds = array<i64: 2000, 128>}, {transform_indices = @transform_1, window_bounds = array<i64: 2, 2000, 64>}, {transform_indices = @transform_2, window_bounds = array<i64: 2, 2000, 64>}, {transform_indices = @transform_3, window_bounds = array<i64: 2, 2000, 16>}, {transform_indices = @transform_4, window_bounds = array<i64: 2000, 128>}]} {
    %get3A = arith.constant 0 : index
    %get3A_0 = arith.constant 0 : index
    %get3A_1 = arith.constant 0 : index
    %get3A_2 = vector.load %arg4[%get3A, %get3A_0, %get3A_1] : memref<2x2000x16xf32, #tpu.memory_space<vmem>>, vector<1x2000x1xf32>
    %get3A_3 = vector.shape_cast %get3A_2 : vector<1x2000x1xf32> to vector<2000x1xf32>
    %get3A_4 = arith.constant 1 : index
    %get3A_5 = arith.constant 0 : index
    %get3A_6 = arith.constant 0 : index
    %get3A_7 = vector.load %arg4[%get3A_4, %get3A_5, %get3A_6] : memref<2x2000x16xf32, #tpu.memory_space<vmem>>, vector<1x2000x1xf32>
    %get3A_8 = vector.shape_cast %get3A_7 : vector<1x2000x1xf32> to vector<2000x1xf32>
    %add3A = arith.addf %get3A_3, %get3A_8 : vector<2000x1xf32>
    %add3A_9 = arith.constant 1.000000e+00 : f32
    %add3A_10 = vector.broadcast %add3A_9 : f32 to vector<2000x1xf32>
    %add3A_11 = arith.addf %add3A, %add3A_10 : vector<2000x1xf32>
    %rsqrt3A = math.rsqrt %add3A_11 : vector<2000x1xf32>
    %get3A_12 = arith.constant 0 : index
    %get3A_13 = arith.constant 0 : index
    %get3A_14 = arith.constant 0 : index
    %get3A_15 = vector.load %arg3[%get3A_12, %get3A_13, %get3A_14] : memref<2x2000x64xf32, #tpu.memory_space<vmem>>, vector<2x2000x64xf32>
    %get3A_16 = arith.constant 0 : index
    %get3A_17 = arith.constant 0 : index
    %get3A_18 = arith.constant 0 : index
    %get3A_19 = vector.load %arg2[%get3A_16, %get3A_17, %get3A_18] : memref<2x2000x64xf32, #tpu.memory_space<vmem>>, vector<2x2000x64xf32>
    %add3A_20 = arith.addf %get3A_15, %get3A_19 : vector<2x2000x64xf32>
    %slice3A = vector.extract_strided_slice %add3A_20 {offsets = [0, 0, 0], sizes = [1, 2000, 64], strides = [1, 1, 1]} : vector<2x2000x64xf32> to vector<1x2000x64xf32>
    %squeeze3A = vector.shape_cast %slice3A : vector<1x2000x64xf32> to vector<2000x64xf32>
    %slice3A_21 = vector.extract_strided_slice %add3A_20 {offsets = [1, 0, 0], sizes = [1, 2000, 64], strides = [1, 1, 1]} : vector<2x2000x64xf32> to vector<1x2000x64xf32>
    %squeeze3A_22 = vector.shape_cast %slice3A_21 : vector<1x2000x64xf32> to vector<2000x64xf32>
    %concatenate3A = tpu.concatenate %squeeze3A, %squeeze3A_22 in 1 : vector<2000x64xf32>, vector<2000x64xf32> -> vector<2000x128xf32>
    %get3A_23 = arith.constant 0 : index
    %get3A_24 = arith.constant 0 : index
    %get3A_25 = vector.load %arg1[%get3A_23, %get3A_24] : memref<2000x128xf32, #tpu.memory_space<vmem>>, vector<2000x128xf32>
    %mul3A = vector.broadcast %rsqrt3A : vector<2000x1xf32> to vector<2000x128xf32>
    %mul3A_26 = arith.mulf %mul3A, %concatenate3A : vector<2000x128xf32>
    %add3A_27 = arith.addf %get3A_25, %mul3A_26 : vector<2000x128xf32>
    %swap3A = arith.constant 0 : index
    %swap3A_28 = arith.constant 0 : index
    %swap3A_29 = vector.load %arg5[%swap3A, %swap3A_28] : memref<2000x128xf32, #tpu.memory_space<vmem>>, vector<2000x128xf32>
    tpu.vector_store %arg5[%swap3A, %swap3A_28], %add3A_27 {strides = array<i32>} : memref<2000x128xf32, #tpu.memory_space<vmem>>, vector<2000x128xf32>,
    return
  }
  func.func @transform_0(%arg0: i32) -> (i32, i32) {
    %c0_i32 = arith.constant 0 : i32
    %c0_i32_0 = arith.constant 0 : i32
    return %arg0, %c0_i32 : i32, i32
  }
  func.func @transform_1(%arg0: i32) -> (i32, i32, i32) {
    %c0_i32 = arith.constant 0 : i32
    %c0_i32_0 = arith.constant 0 : i32
    %c0_i32_1 = arith.constant 0 : i32
    return %c0_i32, %arg0, %c0_i32_0 : i32, i32, i32
  }
  func.func @transform_2(%arg0: i32) -> (i32, i32, i32) {
    %c0_i32 = arith.constant 0 : i32
    %c0_i32_0 = arith.constant 0 : i32
    %c0_i32_1 = arith.constant 0 : i32
    return %c0_i32, %arg0, %c0_i32_0 : i32, i32, i32
  }
  func.func @transform_3(%arg0: i32) -> (i32, i32, i32) {
    %c0_i32 = arith.constant 0 : i32
    %c0_i32_0 = arith.constant 0 : i32
    %c0_i32_1 = arith.constant 0 : i32
    return %c0_i32, %arg0, %c0_i32_0 : i32, i32, i32
  }
  func.func @transform_4(%arg0: i32) -> (i32, i32) {
    %c0_i32 = arith.constant 0 : i32
    %c0_i32_0 = arith.constant 0 : i32
    return %arg0, %c0_i32 : i32, i32
  }
}

</mosaic_0001>

<sc_bundles>
// kernel: kernel.10.cloned.1.call-start
scs
__scs_entry_jumppad:
0x0: {  	(pc) =	sbr.rel $0x88, $3  }
0x1: {  	(tag) =	ssettag $0x0;
	lr =	simm.s32 $0x1  }
0x2: {  	[smem:$0x3F9B] =	sst lr;
	_ =	strace $0xD0000000  }
0x3: {  	_ = 	snop  }
0x4: {  	_ = 	snop  }
0x5: {  	_ = 	snop  }
0x6: {  	_ = 	snop  }
0x7: {  	_ = 	snop  }
__scs_overlays_trampoline_lowered:
0x8: {  	[smem:$0x3FAA] =	sst s0  }
0x9: {  	[smem:$0x3FAB] =	sst s1  }
0xa: {  	[smem:$0x3FAC] =	sst s2  }
0xb: {  	[smem:$0x3FAD] =	sst s3  }
0xc: {  	[smem:$0x3FAE] =	sst s4  }
0xd: {  	[smem:$0x3FAF] =	sst s5  }
0xe: {  	[smem:$0x3FB0] =	sst s6  }
0xf: {  	[smem:$0x3FB1] =	sst s7  }
0x10: {  	[smem:$0x3FB2] =	sst s8  }
0x11: {  	[smem:$0x3FB3] =	sst s9;
	s0 =	simm.s32 @!p0 $0x0  }
0x12: {  	s1 =	sld [smem:$0x3F99];
	s0 =	simm.s32 @p0 $0x1  }
0x13: {  	[smem:$0x3FB4] =	sst s0;
	s0 =	simm.s32 @!p1 $0x0  }
0x14: {  	s2 =	sld [smem:$0x3F98];
	s0 =	simm.s32 @p1 $0x1  }
0x15: {  	[smem:$0x3FB5] =	sst s0;
	s0 =	simm.s32 @!p2 $0x0  }
0x16: {  	s3 =	sld [smem:$0x3FDB];
	s0 =	simm.s32 @p2 $0x1  }
0x17: {  	s4 =	simm.s32 $0x1BF5;
	[smem:$0x3FB7] =	sst s0  }
0x18: {  	s0 =	sld [smem:$0x3F9A];
	_ =	swait.ge [sflag:s4], $0x0  }
0x19: {  	s7 =	sld [smem:$0x3F9B]  }
0x1a: {  	s8 =	sadd.s32 $0xFFFFE003, lr  }
0x1b: {  	s9 =	sadd.s32 $0xFFFFFEF7, lr;
	s5 =	simm.s32 $0xFFFFFFFF;
	p2 =	slt.u32 s8, $0xFFFFF086  }
0x1c: {  	p1 =	slt.u32 s9, $0xF7A;
	s5 =	simm.s32 @!p2 $0x0  }
0x1d: {  	s5 =	simm.s32 @p1 $0x1;
	p0 =	seq.s32 s7, s2  }
0x1e: {  	s7 =	smul.u32 @!p0 $0xF7A, s2;
	p2 =	seq.s32 @!p0 s5, $0x0  }
0x1f: {  	s9 =	smul.u32 $0xF7A, s1;
	s8 =	simm.s32 @!p0 $0x1BF5;
	p2 =	por !p2, p0  }
0x20: {  	[sflag:s8] =	ssyncset.s32 @!p0 $0xFFFFF086;
	s6 =	sadd.s32 @!p0 s3, s7;
	s7 =	simm.s32 @!p0 $0x108  }
0x21: {  	s3 =	sadd.s32 s3, s9;
	s6 =	sadd.s32 @!p0 $0x88, s6;
	s7 =	simm.s32 @p2 $0x1082  }
0x22: {  	[simem:s7], [sflag:s8] =	dma.local @!p0 [hbm:s6], $0xF7A  }
0x23: {  	s9 =	sor.u32 $0xD0000000, s2;
	s6 =	simm.s32 $0x108;
	_ =	swait.ge @!p0 [sflag:s8], $0x0  }
0x24: {  	s3 =	sadd.s32 $0x88, s3;
	s6 =	simm.s32 @!p1 $0x1082;
	[sflag:s4] =	ssyncset.s32 $0xFFFFF086  }
0x25: {  	[simem:s6], [sflag:s4] =	dma.local [hbm:s3], $0xF7A  }
0x26: {  	[smem:$0x3F9B] =	sst s1;
	(tag) =	ssettag s2;
	_ =	strace s9  }
0x27: {  	s1 =	sld [smem:$0x3FAB]  }
0x28: {  	s2 =	sld [smem:$0x3FAC]  }
0x29: {  	s4 =	sld [smem:$0x3FAE]  }
0x2a: {  	p0 =	seq.s32 s5, $0x0;
	s5 =	sld [smem:$0x3FAF]  }
0x2b: {  	s6 =	sld [smem:$0x3FB0]  }
0x2c: {  	s7 =	sld [smem:$0x3FB1]  }
0x2d: {  	s3 =	simm.s32 $0x108;
	s8 =	sld [smem:$0x3FB2]  }
0x2e: {  	s3 =	simm.s32 @!p0 $0x1082;
	s9 =	sld [smem:$0x3FB3]  }
0x2f: {  	lr =	sadd.s32 s0, s3;
	s0 =	sld [smem:$0x3FAA]  }
0x30: {  	s3 =	sld [smem:$0x3FAD]  }
0x31: {  	[smem:$0x3FB6] =	sst s10  }
0x32: {  	s10 =	sld [smem:$0x3FB4];
	_ =	sdelay $0x3  }
0x33: {  	p0 =	seq.s32 s10, $0x1;
	s10 =	sld [smem:$0x3FB6];
	_ =	sdelay $0x3  }
0x34: {  	[smem:$0x3FB6] =	sst s10  }
0x35: {  	s10 =	sld [smem:$0x3FB5];
	_ =	sdelay $0x3  }
0x36: {  	p1 =	seq.s32 s10, $0x1;
	s10 =	sld [smem:$0x3FB6];
	_ =	sdelay $0x3  }
0x37: {  	[smem:$0x3FB6] =	sst s10  }
0x38: {  	s10 =	sld [smem:$0x3FB7]  }
0x39: {  	_ = 	snop;
	(pc) =	sbr.ind lr, $3  }
0x3a: {  	_ = 	snop  }
0x3b: {  	_ = 	snop  }
0x3c: {  	p2 =	seq.s32 s10, $0x1;
	s10 =	sld [smem:$0x3FB6]  }
0x3d: {  	_ =	shalt  }
0x3e: {  	_ =	shalt  }
0x3f: {  	_ =	shalt  }
0x40: {  	_ =	shalt  }
0x41: {  	_ =	shalt  }
0x42: {  	_ =	shalt  }
0x43: {  	_ =	shalt  }
0x44: {  	_ =	shalt  }
0x45: {  	_ =	shalt  }
0x46: {  	_ =	shalt  }
0x47: {  	_ =	shalt  }
0x48: {  	_ =	shalt  }
0x49: {  	_ =	shalt  }
0x4a: {  	_ =	shalt  }
0x4b: {  	_ =	shalt  }
0x4c: {  	_ =	shalt  }
0x4d: {  	_ =	shalt  }
0x4e: {  	_ =	shalt  }
0x4f: {  	_ =	shalt  }
0x50: {  	_ =	shalt  }
0x51: {  	_ =	shalt  }
0x52: {  	_ =	shalt  }
0x53: {  	_ =	shalt  }
0x54: {  	_ =	shalt  }
0x55: {  	_ =	shalt  }
0x56: {  	_ =	shalt  }
0x57: {  	_ =	shalt  }
0x58: {  	_ =	shalt  }
0x59: {  	_ =	shalt  }
0x5a: {  	_ =	shalt  }
0x5b: {  	_ =	shalt  }
0x5c: {  	_ =	shalt  }
0x5d: {  	_ =	shalt  }
0x5e: {  	_ =	shalt  }
0x5f: {  	_ =	shalt  }
0x60: {  	_ =	shalt  }
0x61: {  	_ =	shalt  }
0x62: {  	_ =	shalt  }
0x63: {  	_ =	shalt  }
0x64: {  	_ =	shalt  }
0x65: {  	_ =	shalt  }
0x66: {  	_ =	shalt  }
0x67: {  	_ =	shalt  }
0x68: {  	_ =	shalt  }
0x69: {  	_ =	shalt  }
0x6a: {  	_ =	shalt  }
0x6b: {  	_ =	shalt  }
0x6c: {  	_ =	shalt  }
0x6d: {  	_ =	shalt  }
0x6e: {  	_ =	shalt  }
0x6f: {  	_ =	shalt  }
0x70: {  	_ =	shalt  }
0x71: {  	_ =	shalt  }
0x72: {  	_ =	shalt  }
0x73: {  	_ =	shalt  }
0x74: {  	_ =	shalt  }
0x75: {  	_ =	shalt  }
0x76: {  	_ =	shalt  }
0x77: {  	_ =	shalt  }
0x78: {  	_ =	shalt  }
0x79: {  	_ =	shalt  }
0x7a: {  	_ =	shalt  }
0x7b: {  	_ =	shalt  }
0x7c: {  	_ =	shalt  }
0x7d: {  	_ =	shalt  }
0x7e: {  	_ =	shalt  }
0x7f: {  	_ =	shalt  }
0x80: {  	_ =	shalt  }
0x81: {  	_ =	shalt  }
0x82: {  	_ =	shalt  }
0x83: {  	_ =	shalt  }
0x84: {  	_ =	shalt  }
0x85: {  	_ =	shalt  }
0x86: {  	_ =	shalt  }
0x87: {  	_ =	shalt  }
.Lfunc_end0:
.L_simem_size_0:
called_computation.1_lowered:
.L_overlay_start_0:
0x88: {  	s2 =	sld [smem:$0x3FD9]  }
0x89: {  	s3 =	sld [smem:$0x3FFE];
	_ =	sdelay $0x1  }
0x8a: {  	s1 =	srdreg.scid  }
0x8b: {  	s0 =	sand.u32 $0x1, s1  }
0x8c: {  	s17 =	sshll.u32 s0, $0xA;
	s2 =	sadd.s32 s3, s2  }
0x8d: {  	s2 =	sadd.s32 s2, s17  }
0x8e: {  	[smem:$0x3FC2] =	sst s2  }
0x8f: {  	_ = 	snop  }
0x90: {  	s2 =	sld [smem:$0x3FD0];
	(tm) =	ssettm $0x1  }
0x91: {  	s18 =	sld [smem:$0x3FFB];
	_ =	sdelay $0x3  }
0x92: {  	_ =	strace s18  }
0x93: {  	s3 =	sld [smem:$0x3FFC];
	_ =	sdelay $0x3  }
0x94: {  	_ =	strace s3  }
0x95: {  	s3 =	sld [smem:$0x3FFD];
	_ =	sdelay $0x3  }
0x96: {  	_ =	strace s3  }
0x97: {  	_ =	strace $0x8FFFFFFF  }
0x98: {  	s19 =	sld [smem:$0x3FDB];
	_ =	sdelay $0x1  }
0x99: {  	s4 =	simm.s32 $_scs_section_size  }
0x9a: {  	s5 =	simm.s32 $_size__tile_overlayer_lowered;
	s6 =	simm.s32 $_tile_overlayer_lowered  }
0x9b: {  	s22 =	simm.s32 $0x1BFF;
	s21 =	sshll.u32 s6, $0x1;
	s3 =	sadd.s32 s4, s19  }
0x9c: {  	s7 =	simm.s32 $0x0;
	s20 =	sshll.u32 s5, $0x1;
	s5 =	sadd.s32 s21, s3  }
0x9d: {  	[timem:s7], [sflag:s22] =	dma.local [hbm:s5], s20  }
0x9e: {  	_ =	swait.ge [sflag:s22], s20  }
0x9f: {  	s4 =	ssub.s32 $0x0, s20;
	[sflag:s22] =	ssyncset.done $0x0  }
0xa0: {  	[sflag:s22] =	ssyncadd.s32 s4;
	_ =	sdelay $0x1  }
0xa1: {  	s23 =	simm.s32 $0x1B8B  }
0xa2: {  	_ =	swait.ge [sflag:s23], $0x1  }
0xa3: {  	[sflag:s23] =	ssyncset.done $0x0  }
0xa4: {  	s25 =	simm.s32 $0x1B8E;
	s24 =	sld [smem:$0x3FFE];
	[sflag:s23] =	ssyncadd.s32 $0xFFFFFFFF  }
0xa5: {  	s26 =	simm.s32 $execute0_lowered;
	[smem:$0x3FD2] =	sst s25  }
0xa6: {  	s5 =	sshll.u32 s26, $0x1;
	_ =	strace $0x80000049;
	[dreg:$0x1] =	wrdreg $0xFFFFFFFF  }
0xa7: {  	s28 =	simm.s32 $_size_execute0_lowered;
	s3 =	sadd.s32 s3, s5;
	[dreg:$0x0] =	wrdreg $0x0  }
0xa8: {  	s5 =	sshll.u32 s28, $0x1;
	[dreg:$0x2] =	wrdreg s3  }
0xa9: {  	[dreg:$0x3] =	wrdreg s5  }
0xaa: {  	[dreg:$0x4] =	wrdreg $0xC0  }
0xab: {  	_ =	task [dreg:s7], $0x5FFFF  }
0xac: {  	[dreg:$0x1] =	wrdreg $0xFFFFFFFF  }
0xad: {  	[dreg:$0x0] =	wrdreg $0x60  }
0xae: {  	[dreg:$0x2] =	wrdreg s24  }
0xaf: {  	[dreg:$0x3] =	wrdreg s2  }
0xb0: {  	[dreg:$0x4] =	wrdreg $0xA8000  }
0xb1: {  	[dreg:$0x5] =	wrdreg $0x146000  }
0xb2: {  	[dreg:$0x6] =	wrdreg $0x9  }
0xb3: {  	_ =	task.clear_ibuf [dreg:s7], $0x7FFFF;
	_ =	strace $0x90000049  }
0xb4: {  	s29 =	simm.s32 $0x9;
	_ =	strace $0x8000004B  }
0xb5: {  	_ =	swait.ge [sflag:s29], $0x1  }
0xb6: {  	[sflag:s29] =	ssyncadd.s32 $0xFFFFFFFF  }
0xb7: {  	_ =	strace $0x9000004B  }
0xb8: {  	_ =	sfence  }
0xb9: {  	s30 =	sld [smem:$0x0];
	_ =	sdelay $0x2  }
0xba: {  	s31 =	sshll.u32 s1, $0xD;
	s1 =	sshrl.u32 s1, $0x2  }
0xbb: {  	s3 =	sand.u32 $0x4000, s31;
	s1 =	sadd.s32 s1, s30  }
0xbc: {  	s0 =	sor.u32 s3, s0;
	s1 =	sshll.u32 s1, $0x11  }
0xbd: {  	s0 =	sor.u32 s1, s0  }
0xbe: {  	s0 =	sadd.s32 $0x8F2B, s0  }
0xbf: {  	[sflag:s0] =	ssyncadd.remote.s32 $0x1  }
0xc0: {  	_ =	sfence.sel $0xFFFF  }
0xc1: {  	[dreg:$0x0] =	wrdreg $0xFFFFFFFF;
	(pc) =	sbr.abs _section_cstart, $3  }
0xc2: {  	[dreg:$0x1] =	wrdreg $0xFFFFFFFF  }
0xc3: {  	_ =	task.clear_ibuf [dreg:s7], $0x2FFFF;
	_ =	strace $0x9FFFFFFF  }
0xc4: {  	(tm) =	ssettm $0x7FFFFFFF  }
0xc5: {  	_ =	shalt  }
tec
execute0_lowered:
.L_overlay_start_1:
0x0: {  	(tag) =	ssettag $0x1  }
0x1: {  	s0 =	rddreg [dreg:$0x0]  }
0x2: {  	s1 =	rddreg [dreg:$0x1]  }
0x3: {  	s2 =	rddreg [dreg:$0x2]  }
0x4: {  	s4 =	srdreg.scid;
	s11 =	stileid.u32  }
0x5: {  	s3 =	rddreg [dreg:$0x3];
	s28 =	simm.s32 $0x4800;
	s6 =	smul.u32 $0x9E00, s11  }
0x6: {  	s30 =	simm.s32 $0x6800;
	s31 =	simm.s32 $0x1;
	s9 =	smul.u32 $0x27800, s11  }
0x7: {  	s5 =	sand.u32 $0x1, s4;
	s4 =	simm.s32 $0x0;
	s13 =	smul.u32 $0x5000, s11  }
0x8: {  	s8 =	sadd.s32 $0xB200, s0;
	s10 =	sshll.u32 s11, $0x6;
	s16 =	smul.u32 $0xA00, s11  }
0x9: {  	s11 =	simm.s32 $0x3;
	s7 =	smul.u32 $0x9E000, s5;
	[smem:$0x7FF] =	sst s4  }
0xa: {  	s5 =	ssub.s32 $0x2, s5;
	s29 =	sor.u32 $0x1C09, s10;
	_ =	strace $0x8000004A  }
0xb: {  	s25 =	sshrl.u32 s5, $0x1;
	s26 =	sadd.s32 s6, s2;
	s9 =	sshrl.u32 s9, $0x2  }
0xc: {  	s18 =	sshrl.u32 s13, $0x3;
	s19 =	sadd.s32 s8, s16;
	s20 =	sadd.s32 s1, s16  }
0xd: {  	s13 =	simm.s32 $0x6;
	s16 =	simm.s32 $0x1580;
	s7 =	sadd.s32 s6, s7  }
0xe: {  	s5 =	ssub.s32 s5, s25;
	s6 =	sadd.s32 s6, s3;
	[dreg:$0xb] =	wrdreg s19  }
0xf: {  	[dreg:$0xc] =	wrdreg s20;
	s21 =	sadd.s32 $0x280, s18;
	s23 =	sadd.s32 $0x500, s18  }
0x10: {  	s26 =	sshrl.u32 s26, $0x3;
	s19 =	simm.s32 $0x1300;
	[dreg:$0x6] =	wrdreg s6  }
0x11: {  	s20 =	simm.s32 $0x2600;
	s22 =	sadd.s32 s8, s21;
	[dreg:$0x15] =	wrdreg s26  }
0x12: {  	s7 =	sshrl.u32 s7, $0x3;
	s24 =	sadd.s32 s8, s23;
	[dreg:$0xd] =	wrdreg s22  }
0x13: {  	s25 =	smax.u32 s5, $0x1;
	s26 =	simm.s32 $0x80;
	[dreg:$0xf] =	wrdreg s24  }
0x14: {  	s5 =	simm.s32 $0x2;
	s0 =	sadd.s32 s7, s0;
	[dreg:$0x14] =	wrdreg s25  }
0x15: {  	s24 =	simm.s32 $0x2800;
	s25 =	simm.s32 $0x1400;
	s12 =	sadd.s32 $0x65200, s0  }
0x16: {  	s22 =	simm.s32 $0x2680;
	s0 =	sadd.s32 $0x8CA00, s0;
	[dreg:$0x5] =	wrdreg s12  }
0x17: {  	s12 =	sadd.s32 s9, s3;
	s9 =	sadd.s32 s1, s21;
	[dreg:$0x13] =	wrdreg s0  }
0x18: {  	s7 =	simm.s32 $0x2780;
	s14 =	sadd.s32 $0x2000, s12;
	[dreg:$0xe] =	wrdreg s9  }
0x19: {  	s0 =	simm.s32 $0x8800;
	s15 =	sadd.s32 $0x4000, s12;
	[dreg:$0x7] =	wrdreg s14  }
0x1a: {  	s21 =	simm.s32 $0x1380;
	s17 =	sadd.s32 $0x6000, s12;
	[dreg:$0x8] =	wrdreg s15  }
0x1b: {  	s6 =	sadd.s32 $0x7E00, s12;
	s9 =	sadd.s32 s1, s23;
	[dreg:$0x9] =	wrdreg s17  }
0x1c: {  	s23 =	simm.s32 $0x9;
	s12 =	simm.s32 $0x1500;
	[dreg:$0xa] =	wrdreg s6  }
0x1d: {  	[dreg:$0x10] =	wrdreg s9;
	s6 =	sadd.s32 $0x780, s18;
	s9 =	simm.s32 $0x5  }
0x1e: {  	s14 =	simm.s32 $0x280;
	s15 =	simm.s32 $0x4;
	s8 =	sadd.s32 s8, s6  }
0x1f: {  	s17 =	simm.s32 $0x7;
	s1 =	sadd.s32 s1, s6;
	[dreg:$0x11] =	wrdreg s8  }
0x20: {  	v0 =	vimm.f32 $0.0e+00;
	s18 =	simm.s32 $0x8;
	s6 =	simm.s32 $0x2700;
	[dreg:$0x12] =	wrdreg s1  }
.LBB2_1:
0x21: {  	s1 =	rddreg [dreg:$0x5]  }
0x22: {  	s8 =	rddreg [dreg:$0x15]  }
0x23: {  	[spmem:s8], [sflag:s29] =	dma.local [hbm:s1], $0x13C0  }
0x24: {  	_ =	swait.ge [sflag:s23], $0x13C0  }
0x25: {  	s10 =	smov.u32 s29;
	[sflag:s23] =	ssyncset.done $0x0  }
0x26: {  	s29 =	simm.s32 $0x100;
	s1 =	simm.s32 $0x0;
	[sflag:s23] =	ssyncadd.s32 $0xFFFFEC40  }
.LBB2_2:
0x27: {  	p0 =	sne.s32 s29, $0x7F00;
	[tilespmem:s1+$0x2830] =	vst v0;
	s8 =	smov.u32 s29;
	s29 =	sadd.s32 $0x100, s29  }
.Ltmp0:
0x28: {  	[tilespmem:s1+$0x2820] =	vst v0;
	(pc) =	sbr.rel @p0 .LBB2_2-.Ltmp0, $3  }
0x29: {  	[tilespmem:s1+$0x2800] =	vst v0  }
0x2a: {  	[tilespmem:s1+$0x2810] =	vst v0;
	_ =	sdelay $0x1  }
0x2b: {  	s1 =	sshra.s32 s8, $0x2  }
0x2c: {  	[tilespmem:s1+$0x2830] =	vst v0  }
0x2d: {  	[tilespmem:s1+$0x2820] =	vst v0  }
0x2e: {  	[tilespmem:s1+$0x2800] =	vst v0  }
0x2f: {  	[tilespmem:s1+$0x2810] =	vst v0;
	s8 =	rddreg [dreg:$0x6]  }
0x30: {  	[spmem:s8] =	stream.linear.scatter [tilespmem:s24], [sflag:$0x9], $0x2000, $0x38;
	[tilespmem:$0x1E400] =	vst v63  }
0x31: {  	_ =	swait.ge [sflag:s23], $0x2000  }
0x32: {  	[sflag:s23] =	ssyncset.done $0x0  }
0x33: {  	s8 =	rddreg [dreg:$0x7];
	[sflag:s23] =	ssyncadd.s32 $0xFFFFE000  }
0x34: {  	[spmem:s8] =	stream.linear.scatter [tilespmem:s24], [sflag:$0x9], $0x2000, $0x38;
	[tilespmem:$0x1E400] =	vst v63  }
0x35: {  	_ =	swait.ge [sflag:s23], $0x2000  }
0x36: {  	[sflag:s23] =	ssyncset.done $0x0  }
0x37: {  	s8 =	rddreg [dreg:$0x8];
	[sflag:s23] =	ssyncadd.s32 $0xFFFFE000  }
0x38: {  	[spmem:s8] =	stream.linear.scatter [tilespmem:s24], [sflag:$0x9], $0x2000, $0x38;
	[tilespmem:$0x1E400] =	vst v63  }
0x39: {  	_ =	swait.ge [sflag:s23], $0x2000  }
0x3a: {  	[sflag:s23] =	ssyncset.done $0x0  }
0x3b: {  	s8 =	rddreg [dreg:$0x9];
	[sflag:s23] =	ssyncadd.s32 $0xFFFFE000  }
0x3c: {  	[spmem:s8] =	stream.linear.scatter [tilespmem:s24], [sflag:$0x9], $0x2000, $0x38;
	[tilespmem:$0x1E400] =	vst v63  }
0x3d: {  	_ =	swait.ge [sflag:s23], $0x2000  }
0x3e: {  	[sflag:s23] =	ssyncset.done $0x0  }
0x3f: {  	s8 =	rddreg [dreg:$0xa];
	[sflag:s23] =	ssyncadd.s32 $0xFFFFE000  }
0x40: {  	[spmem:s8] =	stream.linear.scatter [tilespmem:s24], [sflag:$0x9], $0x2000, $0x38;
	[tilespmem:$0x1E400] =	vst v63  }
0x41: {  	_ =	swait.ge [sflag:s23], $0x2000  }
0x42: {  	[sflag:s23] =	ssyncset.done $0x0  }
0x43: {  	[sflag:s23] =	ssyncadd.s32 $0xFFFFE000  }
0x44: {  	[bflag:$0x0] =	sbarrier.arrive $0xFFFF  }
0x45: {  	s1 =	simm.s32 $0x0;
	s8 =	rddreg [dreg:$0xb]  }
0x46: {  	[tilespmem:s1], [sflag:$0x9] =	stream.linear.gather [hbm4b:s8+s1], $0x1400, $0x38;
	[tilespmem:$0x1E400] =	vst v63  }
0x47: {  	_ =	swait.ge [sflag:s23], $0x1400  }
0x48: {  	[sflag:s23] =	ssyncset.done $0x0  }
0x49: {  	s8 =	rddreg [dreg:$0xc];
	[sflag:s23] =	ssyncadd.s32 $0xFFFFEC00  }
0x4a: {  	[tilespmem:s25], [sflag:$0x9] =	stream.linear.gather [hbm4b:s8+s1], $0x1400, $0x38;
	[tilespmem:$0x1E400] =	vst v63  }
0x4b: {  	_ =	swait.ge [sflag:s23], $0x1400  }
0x4c: {  	[sflag:s23] =	ssyncset.done $0x0  }
0x4d: {  	[sflag:s23] =	ssyncadd.s32 $0xFFFFEC00  }
0x4e: {  	[tilespmem:s24], [sflag:$0x1] =	stream.indirect.gather [spmem:s2], $0x40, s1, s26, $0xb8;
	[tilespmem:$0x1E400] =	vst v63  }
0x4f: {  	_ = 	snop  }
0x50: {  	[tilespmem:s28], [sflag:$0x2] =	stream.indirect.gather [spmem:s2], $0x40, s26, s26, $0xb8;
	[tilespmem:$0x1E400] =	vst v63  }
0x51: {  	s8 =	simm.s32 $0x100  }
0x52: {  	[tilespmem:s30], [sflag:$0x3] =	stream.indirect.gather [spmem:s2], $0x40, s8, s26, $0xb8;
	[tilespmem:$0x1E400] =	vst v63  }
0x53: {  	_ =	swait.ge [sflag:s31], $0x2000  }
0x54: {  	[sflag:s31] =	ssyncset.done $0x0  }
0x55: {  	[sflag:s31] =	ssyncadd.s32 $0xFFFFE000  }
0x56: {  	[spmem:s3] =	stream.indirect.scatter.add.f32 [tilespmem:s24], [sflag:$0x5], $0x40, s25, s26, $0xb8;
	[tilespmem:$0x1E400] =	vst v63  }
0x57: {  	s8 =	simm.s32 $0x180  }
0x58: {  	[tilespmem:s0], [sflag:$0x4] =	stream.indirect.gather [spmem:s2], $0x40, s8, s26, $0xb8;
	[tilespmem:$0x1E400] =	vst v63  }
0x59: {  	_ =	swait.ge [sflag:s5], $0x2000  }
0x5a: {  	[sflag:s5] =	ssyncset.done $0x0  }
0x5b: {  	s8 =	simm.s32 $0x1480;
	[sflag:s5] =	ssyncadd.s32 $0xFFFFE000  }
0x5c: {  	[spmem:s3] =	stream.indirect.scatter.add.f32 [tilespmem:s28], [sflag:$0x6], $0x40, s8, s26, $0xb8;
	[tilespmem:$0x1E400] =	vst v63  }
0x5d: {  	_ =	swait.ge [sflag:s9], $0x2000  }
0x5e: {  	[sflag:s9] =	ssyncset.done $0x0  }
0x5f: {  	s8 =	simm.s32 $0x200;
	[sflag:s9] =	ssyncadd.s32 $0xFFFFE000  }
0x60: {  	[tilespmem:s24], [sflag:$0x1] =	stream.indirect.gather [spmem:s2], $0x40, s8, s26, $0xb8;
	[tilespmem:$0x1E400] =	vst v63  }
0x61: {  	_ =	swait.ge [sflag:s11], $0x2000  }
0x62: {  	[sflag:s11] =	ssyncset.done $0x0  }
0x63: {  	[sflag:s11] =	ssyncadd.s32 $0xFFFFE000  }
0x64: {  	[spmem:s3] =	stream.indirect.scatter.add.f32 [tilespmem:s30], [sflag:$0x7], $0x40, s12, s26, $0xb8;
	[tilespmem:$0x1E400] =	vst v63  }
0x65: {  	_ =	swait.ge [sflag:s13], $0x2000  }
0x66: {  	[sflag:s13] =	ssyncset.done $0x0  }
0x67: {  	[sflag:s13] =	ssyncadd.s32 $0xFFFFE000  }
0x68: {  	[tilespmem:s28], [sflag:$0x2] =	stream.indirect.gather [spmem:s2], $0x40, s14, s26, $0xb8;
	[tilespmem:$0x1E400] =	vst v63  }
0x69: {  	_ =	swait.ge [sflag:s15], $0x2000  }
0x6a: {  	[sflag:s15] =	ssyncset.done $0x0  }
0x6b: {  	[sflag:s15] =	ssyncadd.s32 $0xFFFFE000  }
0x6c: {  	[spmem:s3] =	stream.indirect.scatter.add.f32 [tilespmem:s0], [sflag:$0x8], $0x40, s16, s26, $0xb8;
	[tilespmem:$0x1E400] =	vst v63  }
0x6d: {  	_ =	swait.ge [sflag:s17], $0x2000  }
0x6e: {  	[sflag:s17] =	ssyncset.done $0x0  }
0x6f: {  	s8 =	simm.s32 $0x300;
	[sflag:s17] =	ssyncadd.s32 $0xFFFFE000  }
0x70: {  	[tilespmem:s30], [sflag:$0x3] =	stream.indirect.gather [spmem:s2], $0x40, s8, s26, $0xb8;
	[tilespmem:$0x1E400] =	vst v63  }
0x71: {  	_ =	swait.ge [sflag:s31], $0x2000  }
0x72: {  	[sflag:s31] =	ssyncset.done $0x0  }
0x73: {  	s8 =	simm.s32 $0x1600;
	[sflag:s31] =	ssyncadd.s32 $0xFFFFE000  }
0x74: {  	[spmem:s3] =	stream.indirect.scatter.add.f32 [tilespmem:s24], [sflag:$0x5], $0x40, s8, s26, $0xb8;
	[tilespmem:$0x1E400] =	vst v63  }
0x75: {  	_ =	swait.ge [sflag:s18], $0x2000  }
0x76: {  	[sflag:s18] =	ssyncset.done $0x0  }
0x77: {  	s8 =	simm.s32 $0x380;
	[sflag:s18] =	ssyncadd.s32 $0xFFFFE000  }
0x78: {  	[tilespmem:s0], [sflag:$0x4] =	stream.indirect.gather [spmem:s2], $0x40, s8, s26, $0xb8;
	[tilespmem:$0x1E400] =	vst v63  }
0x79: {  	_ =	swait.ge [sflag:s5], $0x2000  }
0x7a: {  	[sflag:s5] =	ssyncset.done $0x0  }
0x7b: {  	s8 =	simm.s32 $0x1680;
	[sflag:s5] =	ssyncadd.s32 $0xFFFFE000  }
0x7c: {  	[spmem:s3] =	stream.indirect.scatter.add.f32 [tilespmem:s28], [sflag:$0x6], $0x40, s8, s26, $0xb8;
	[tilespmem:$0x1E400] =	vst v63  }
0x7d: {  	_ =	swait.ge [sflag:s9], $0x2000  }
0x7e: {  	[sflag:s9] =	ssyncset.done $0x0  }
0x7f: {  	s8 =	simm.s32 $0x400;
	[sflag:s9] =	ssyncadd.s32 $0xFFFFE000  }
0x80: {  	[tilespmem:s24], [sflag:$0x1] =	stream.indirect.gather [spmem:s2], $0x40, s8, s26, $0xb8;
	[tilespmem:$0x1E400] =	vst v63  }
0x81: {  	_ =	swait.ge [sflag:s11], $0x2000  }
0x82: {  	[sflag:s11] =	ssyncset.done $0x0  }
0x83: {  	s8 =	simm.s32 $0x1700;
	[sflag:s11] =	ssyncadd.s32 $0xFFFFE000  }
0x84: {  	[spmem:s3] =	stream.indirect.scatter.add.f32 [tilespmem:s30], [sflag:$0x7], $0x40, s8, s26, $0xb8;
	[tilespmem:$0x1E400] =	vst v63  }
0x85: {  	_ =	swait.ge [sflag:s13], $0x2000  }
0x86: {  	[sflag:s13] =	ssyncset.done $0x0  }
0x87: {  	s8 =	simm.s32 $0x480;
	[sflag:s13] =	ssyncadd.s32 $0xFFFFE000  }
0x88: {  	[tilespmem:s28], [sflag:$0x2] =	stream.indirect.gather [spmem:s2], $0x40, s8, s26, $0xb8;
	[tilespmem:$0x1E400] =	vst v63  }
0x89: {  	_ =	swait.ge [sflag:s15], $0x2000  }
0x8a: {  	[sflag:s15] =	ssyncset.done $0x0  }
0x8b: {  	s29 =	simm.s32 $0x800;
	s1 =	simm.s32 $0x1780;
	[sflag:s15] =	ssyncadd.s32 $0xFFFFE000  }
.LBB2_4:
0x8c: {  	[spmem:s3] =	stream.indirect.scatter.add.f32 [tilespmem:s0], [sflag:$0x8], $0x40, s1, s26, $0xb8;
	[tilespmem:$0x1E400] =	vst v63  }
0x8d: {  	s1 =	smov.u32 s29  }
0x8e: {  	p0 =	sne.s32 s29, $0x3800;
	s29 =	sadd.s32 $0x800, s29;
	_ =	swait.ge [sflag:s17], $0x2000  }
0x8f: {  	s1 =	sshra.s32 s1, $0x2;
	[sflag:s17] =	ssyncset.done $0x0  }
0x90: {  	s8 =	sadd.s32 $0x300, s1;
	[sflag:s17] =	ssyncadd.s32 $0xFFFFE000  }
0x91: {  	[tilespmem:s30], [sflag:$0x3] =	stream.indirect.gather [spmem:s2], $0x40, s8, s26, $0xb8;
	[tilespmem:$0x1E400] =	vst v63  }
0x92: {  	_ =	swait.ge [sflag:s31], $0x2000  }
0x93: {  	[sflag:s31] =	ssyncset.done $0x0  }
0x94: {  	s8 =	sadd.s32 $0x1600, s1;
	[sflag:s31] =	ssyncadd.s32 $0xFFFFE000  }
0x95: {  	[spmem:s3] =	stream.indirect.scatter.add.f32 [tilespmem:s24], [sflag:$0x5], $0x40, s8, s26, $0xb8;
	[tilespmem:$0x1E400] =	vst v63  }
0x96: {  	_ =	swait.ge [sflag:s18], $0x2000  }
0x97: {  	[sflag:s18] =	ssyncset.done $0x0  }
0x98: {  	s8 =	sadd.s32 $0x380, s1;
	[sflag:s18] =	ssyncadd.s32 $0xFFFFE000  }
0x99: {  	[tilespmem:s0], [sflag:$0x4] =	stream.indirect.gather [spmem:s2], $0x40, s8, s26, $0xb8;
	[tilespmem:$0x1E400] =	vst v63  }
0x9a: {  	_ =	swait.ge [sflag:s5], $0x2000  }
0x9b: {  	[sflag:s5] =	ssyncset.done $0x0  }
0x9c: {  	s8 =	sadd.s32 $0x1680, s1;
	[sflag:s5] =	ssyncadd.s32 $0xFFFFE000  }
0x9d: {  	[spmem:s3] =	stream.indirect.scatter.add.f32 [tilespmem:s28], [sflag:$0x6], $0x40, s8, s26, $0xb8;
	[tilespmem:$0x1E400] =	vst v63  }
0x9e: {  	_ =	swait.ge [sflag:s9], $0x2000  }
0x9f: {  	[sflag:s9] =	ssyncset.done $0x0  }
0xa0: {  	s8 =	sadd.s32 $0x400, s1;
	[sflag:s9] =	ssyncadd.s32 $0xFFFFE000  }
0xa1: {  	[tilespmem:s24], [sflag:$0x1] =	stream.indirect.gather [spmem:s2], $0x40, s8, s26, $0xb8;
	[tilespmem:$0x1E400] =	vst v63  }
0xa2: {  	_ =	swait.ge [sflag:s11], $0x2000  }
0xa3: {  	[sflag:s11] =	ssyncset.done $0x0  }
0xa4: {  	s8 =	sadd.s32 $0x1700, s1;
	[sflag:s11] =	ssyncadd.s32 $0xFFFFE000  }
0xa5: {  	[spmem:s3] =	stream.indirect.scatter.add.f32 [tilespmem:s30], [sflag:$0x7], $0x40, s8, s26, $0xb8;
	[tilespmem:$0x1E400] =	vst v63  }
0xa6: {  	_ =	swait.ge [sflag:s13], $0x2000  }
0xa7: {  	[sflag:s13] =	ssyncset.done $0x0  }
.Ltmp1:
0xa8: {  	s8 =	sadd.s32 $0x480, s1;
	[sflag:s13] =	ssyncadd.s32 $0xFFFFE000;
	(pc) =	sbr.rel @p0 .LBB2_4-.Ltmp1, $4  }
0xa9: {  	[tilespmem:s28], [sflag:$0x2] =	stream.indirect.gather [spmem:s2], $0x40, s8, s26, $0xb8;
	[tilespmem:$0x1E400] =	vst v63  }
0xaa: {  	_ =	swait.ge [sflag:s15], $0x2000  }
0xab: {  	[sflag:s15] =	ssyncset.done $0x0  }
0xac: {  	s1 =	sadd.s32 $0x1780, s1;
	[sflag:s15] =	ssyncadd.s32 $0xFFFFE000  }
0xad: {  	[spmem:s3] =	stream.indirect.scatter.add.f32 [tilespmem:s0], [sflag:$0x8], $0x40, s1, s26, $0xb8;
	[tilespmem:$0x1E400] =	vst v63  }
0xae: {  	_ =	swait.ge [sflag:s17], $0x2000  }
0xaf: {  	[sflag:s17] =	ssyncset.done $0x0  }
0xb0: {  	[sflag:s17] =	ssyncadd.s32 $0xFFFFE000  }
0xb1: {  	[tilespmem:s30], [sflag:$0x3] =	stream.indirect.gather [spmem:s2], $0x40, s19, s26, $0xb8;
	[tilespmem:$0x1E400] =	vst v63  }
0xb2: {  	_ =	swait.ge [sflag:s31], $0x2000  }
0xb3: {  	[sflag:s31] =	ssyncset.done $0x0  }
0xb4: {  	[sflag:s31] =	ssyncadd.s32 $0xFFFFE000  }
0xb5: {  	[spmem:s3] =	stream.indirect.scatter.add.f32 [tilespmem:s24], [sflag:$0x5], $0x40, s20, s26, $0xb8;
	[tilespmem:$0x1E400] =	vst v63  }
0xb6: {  	_ =	swait.ge [sflag:s18], $0x2000  }
0xb7: {  	[sflag:s18] =	ssyncset.done $0x0  }
0xb8: {  	[sflag:s18] =	ssyncadd.s32 $0xFFFFE000  }
0xb9: {  	[tilespmem:s0], [sflag:$0x4] =	stream.indirect.gather [spmem:s2], $0x40, s21, s26, $0xb8;
	[tilespmem:$0x1E400] =	vst v63  }
0xba: {  	_ =	swait.ge [sflag:s5], $0x2000  }
0xbb: {  	[sflag:s5] =	ssyncset.done $0x0  }
0xbc: {  	[sflag:s5] =	ssyncadd.s32 $0xFFFFE000  }
0xbd: {  	[spmem:s3] =	stream.indirect.scatter.add.f32 [tilespmem:s28], [sflag:$0x6], $0x40, s22, s26, $0xb8;
	[tilespmem:$0x1E400] =	vst v63  }
0xbe: {  	_ =	swait.ge [sflag:s11], $0x2000  }
0xbf: {  	[sflag:s11] =	ssyncset.done $0x0  }
0xc0: {  	[sflag:s11] =	ssyncadd.s32 $0xFFFFE000  }
0xc1: {  	[spmem:s3] =	stream.indirect.scatter.add.f32 [tilespmem:s30], [sflag:$0x7], $0x40, s6, s26, $0xb8;
	[tilespmem:$0x1E400] =	vst v63  }
0xc2: {  	_ =	swait.ge [sflag:s15], $0x2000  }
0xc3: {  	[sflag:s15] =	ssyncset.done $0x0  }
0xc4: {  	[sflag:s15] =	ssyncadd.s32 $0xFFFFE000  }
0xc5: {  	[spmem:s3] =	stream.indirect.scatter.add.f32 [tilespmem:s0], [sflag:$0x8], $0x40, s7, s26, $0xb8;
	[tilespmem:$0x1E400] =	vst v63  }
0xc6: {  	_ =	swait.ge [sflag:s9], $0x2000  }
0xc7: {  	[sflag:s9] =	ssyncset.done $0x0  }
0xc8: {  	[sflag:s9] =	ssyncadd.s32 $0xFFFFE000  }
0xc9: {  	_ =	swait.ge [sflag:s13], $0x2000  }
0xca: {  	[sflag:s13] =	ssyncset.done $0x0  }
0xcb: {  	[sflag:s13] =	ssyncadd.s32 $0xFFFFE000  }
0xcc: {  	_ =	swait.ge [sflag:s17], $0x2000  }
0xcd: {  	[sflag:s17] =	ssyncset.done $0x0  }
0xce: {  	[sflag:s17] =	ssyncadd.s32 $0xFFFFE000  }
0xcf: {  	_ =	swait.ge [sflag:s18], $0x2000  }
0xd0: {  	[sflag:s18] =	ssyncset.done $0x0  }
0xd1: {  	s1 =	simm.s32 $0x0;
	s8 =	rddreg [dreg:$0xd];
	[sflag:s18] =	ssyncadd.s32 $0xFFFFE000  }
0xd2: {  	[tilespmem:s1], [sflag:$0x9] =	stream.linear.gather [hbm4b:s8+s1], $0x1400, $0x38;
	[tilespmem:$0x1E400] =	vst v63  }
0xd3: {  	_ =	swait.ge [sflag:s23], $0x1400  }
0xd4: {  	[sflag:s23] =	ssyncset.done $0x0  }
0xd5: {  	s8 =	rddreg [dreg:$0xe];
	[sflag:s23] =	ssyncadd.s32 $0xFFFFEC00  }
0xd6: {  	[tilespmem:s25], [sflag:$0x9] =	stream.linear.gather [hbm4b:s8+s1], $0x1400, $0x38;
	[tilespmem:$0x1E400] =	vst v63  }
0xd7: {  	_ =	swait.ge [sflag:s23], $0x1400  }
0xd8: {  	[sflag:s23] =	ssyncset.done $0x0  }
0xd9: {  	[sflag:s23] =	ssyncadd.s32 $0xFFFFEC00  }
0xda: {  	[tilespmem:s24], [sflag:$0x1] =	stream.indirect.gather [spmem:s2], $0x40, s1, s26, $0xb8;
	[tilespmem:$0x1E400] =	vst v63  }
0xdb: {  	_ = 	snop  }
0xdc: {  	[tilespmem:s28], [sflag:$0x2] =	stream.indirect.gather [spmem:s2], $0x40, s26, s26, $0xb8;
	[tilespmem:$0x1E400] =	vst v63  }
0xdd: {  	s8 =	simm.s32 $0x100  }
0xde: {  	[tilespmem:s30], [sflag:$0x3] =	stream.indirect.gather [spmem:s2], $0x40, s8, s26, $0xb8;
	[tilespmem:$0x1E400] =	vst v63  }
0xdf: {  	_ =	swait.ge [sflag:s31], $0x2000  }
0xe0: {  	[sflag:s31] =	ssyncset.done $0x0  }
0xe1: {  	[sflag:s31] =	ssyncadd.s32 $0xFFFFE000  }
0xe2: {  	[spmem:s3] =	stream.indirect.scatter.add.f32 [tilespmem:s24], [sflag:$0x5], $0x40, s25, s26, $0xb8;
	[tilespmem:$0x1E400] =	vst v63  }
0xe3: {  	s8 =	simm.s32 $0x180  }
0xe4: {  	[tilespmem:s0], [sflag:$0x4] =	stream.indirect.gather [spmem:s2], $0x40, s8, s26, $0xb8;
	[tilespmem:$0x1E400] =	vst v63  }
0xe5: {  	_ =	swait.ge [sflag:s5], $0x2000  }
0xe6: {  	[sflag:s5] =	ssyncset.done $0x0  }
0xe7: {  	s8 =	simm.s32 $0x1480;
	[sflag:s5] =	ssyncadd.s32 $0xFFFFE000  }
0xe8: {  	[spmem:s3] =	stream.indirect.scatter.add.f32 [tilespmem:s28], [sflag:$0x6], $0x40, s8, s26, $0xb8;
	[tilespmem:$0x1E400] =	vst v63  }
0xe9: {  	_ =	swait.ge [sflag:s9], $0x2000  }
0xea: {  	[sflag:s9] =	ssyncset.done $0x0  }
0xeb: {  	s8 =	simm.s32 $0x200;
	[sflag:s9] =	ssyncadd.s32 $0xFFFFE000  }
0xec: {  	[tilespmem:s24], [sflag:$0x1] =	stream.indirect.gather [spmem:s2], $0x40, s8, s26, $0xb8;
	[tilespmem:$0x1E400] =	vst v63  }
0xed: {  	_ =	swait.ge [sflag:s11], $0x2000  }
0xee: {  	[sflag:s11] =	ssyncset.done $0x0  }
0xef: {  	[sflag:s11] =	ssyncadd.s32 $0xFFFFE000  }
0xf0: {  	[spmem:s3] =	stream.indirect.scatter.add.f32 [tilespmem:s30], [sflag:$0x7], $0x40, s12, s26, $0xb8;
	[tilespmem:$0x1E400] =	vst v63  }
0xf1: {  	_ =	swait.ge [sflag:s13], $0x2000  }
0xf2: {  	[sflag:s13] =	ssyncset.done $0x0  }
0xf3: {  	[sflag:s13] =	ssyncadd.s32 $0xFFFFE000  }
0xf4: {  	[tilespmem:s28], [sflag:$0x2] =	stream.indirect.gather [spmem:s2], $0x40, s14, s26, $0xb8;
	[tilespmem:$0x1E400] =	vst v63  }
0xf5: {  	_ =	swait.ge [sflag:s15], $0x2000  }
0xf6: {  	[sflag:s15] =	ssyncset.done $0x0  }
0xf7: {  	[sflag:s15] =	ssyncadd.s32 $0xFFFFE000  }
0xf8: {  	[spmem:s3] =	stream.indirect.scatter.add.f32 [tilespmem:s0], [sflag:$0x8], $0x40, s16, s26, $0xb8;
	[tilespmem:$0x1E400] =	vst v63  }
0xf9: {  	_ =	swait.ge [sflag:s17], $0x2000  }
0xfa: {  	[sflag:s17] =	ssyncset.done $0x0  }
0xfb: {  	s8 =	simm.s32 $0x300;
	[sflag:s17] =	ssyncadd.s32 $0xFFFFE000  }
0xfc: {  	[tilespmem:s30], [sflag:$0x3] =	stream.indirect.gather [spmem:s2], $0x40, s8, s26, $0xb8;
	[tilespmem:$0x1E400] =	vst v63  }
0xfd: {  	_ =	swait.ge [sflag:s31], $0x2000  }
0xfe: {  	[sflag:s31] =	ssyncset.done $0x0  }
0xff: {  	s8 =	simm.s32 $0x1600;
	[sflag:s31] =	ssyncadd.s32 $0xFFFFE000  }
0x100: {  	[spmem:s3] =	stream.indirect.scatter.add.f32 [tilespmem:s24], [sflag:$0x5], $0x40, s8, s26, $0xb8;
	[tilespmem:$0x1E400] =	vst v63  }
0x101: {  	_ =	swait.ge [sflag:s18], $0x2000  }
0x102: {  	[sflag:s18] =	ssyncset.done $0x0  }
0x103: {  	s8 =	simm.s32 $0x380;
	[sflag:s18] =	ssyncadd.s32 $0xFFFFE000  }
0x104: {  	[tilespmem:s0], [sflag:$0x4] =	stream.indirect.gather [spmem:s2], $0x40, s8, s26, $0xb8;
	[tilespmem:$0x1E400] =	vst v63  }
0x105: {  	_ =	swait.ge [sflag:s5], $0x2000  }
0x106: {  	[sflag:s5] =	ssyncset.done $0x0  }
0x107: {  	s8 =	simm.s32 $0x1680;
	[sflag:s5] =	ssyncadd.s32 $0xFFFFE000  }
0x108: {  	[spmem:s3] =	stream.indirect.scatter.add.f32 [tilespmem:s28], [sflag:$0x6], $0x40, s8, s26, $0xb8;
	[tilespmem:$0x1E400] =	vst v63  }
0x109: {  	_ =	swait.ge [sflag:s9], $0x2000  }
0x10a: {  	[sflag:s9] =	ssyncset.done $0x0  }
0x10b: {  	s8 =	simm.s32 $0x400;
	[sflag:s9] =	ssyncadd.s32 $0xFFFFE000  }
0x10c: {  	[tilespmem:s24], [sflag:$0x1] =	stream.indirect.gather [spmem:s2], $0x40, s8, s26, $0xb8;
	[tilespmem:$0x1E400] =	vst v63  }
0x10d: {  	_ =	swait.ge [sflag:s11], $0x2000  }
0x10e: {  	[sflag:s11] =	ssyncset.done $0x0  }
0x10f: {  	s8 =	simm.s32 $0x1700;
	[sflag:s11] =	ssyncadd.s32 $0xFFFFE000  }
0x110: {  	[spmem:s3] =	stream.indirect.scatter.add.f32 [tilespmem:s30], [sflag:$0x7], $0x40, s8, s26, $0xb8;
	[tilespmem:$0x1E400] =	vst v63  }
0x111: {  	_ =	swait.ge [sflag:s13], $0x2000  }
0x112: {  	[sflag:s13] =	ssyncset.done $0x0  }
0x113: {  	s8 =	simm.s32 $0x480;
	[sflag:s13] =	ssyncadd.s32 $0xFFFFE000  }
0x114: {  	[tilespmem:s28], [sflag:$0x2] =	stream.indirect.gather [spmem:s2], $0x40, s8, s26, $0xb8;
	[tilespmem:$0x1E400] =	vst v63  }
0x115: {  	_ =	swait.ge [sflag:s15], $0x2000  }
0x116: {  	[sflag:s15] =	ssyncset.done $0x0  }
0x117: {  	s29 =	simm.s32 $0x800;
	s1 =	simm.s32 $0x1780;
	[sflag:s15] =	ssyncadd.s32 $0xFFFFE000  }
.LBB2_6:
0x118: {  	[spmem:s3] =	stream.indirect.scatter.add.f32 [tilespmem:s0], [sflag:$0x8], $0x40, s1, s26, $0xb8;
	[tilespmem:$0x1E400] =	vst v63  }
0x119: {  	s1 =	smov.u32 s29  }
0x11a: {  	p0 =	sne.s32 s29, $0x3800;
	s29 =	sadd.s32 $0x800, s29;
	_ =	swait.ge [sflag:s17], $0x2000  }
0x11b: {  	s1 =	sshra.s32 s1, $0x2;
	[sflag:s17] =	ssyncset.done $0x0  }
0x11c: {  	s8 =	sadd.s32 $0x300, s1;
	[sflag:s17] =	ssyncadd.s32 $0xFFFFE000  }
0x11d: {  	[tilespmem:s30], [sflag:$0x3] =	stream.indirect.gather [spmem:s2], $0x40, s8, s26, $0xb8;
	[tilespmem:$0x1E400] =	vst v63  }
0x11e: {  	_ =	swait.ge [sflag:s31], $0x2000  }
0x11f: {  	[sflag:s31] =	ssyncset.done $0x0  }
0x120: {  	s8 =	sadd.s32 $0x1600, s1;
	[sflag:s31] =	ssyncadd.s32 $0xFFFFE000  }
0x121: {  	[spmem:s3] =	stream.indirect.scatter.add.f32 [tilespmem:s24], [sflag:$0x5], $0x40, s8, s26, $0xb8;
	[tilespmem:$0x1E400] =	vst v63  }
0x122: {  	_ =	swait.ge [sflag:s18], $0x2000  }
0x123: {  	[sflag:s18] =	ssyncset.done $0x0  }
0x124: {  	s8 =	sadd.s32 $0x380, s1;
	[sflag:s18] =	ssyncadd.s32 $0xFFFFE000  }
0x125: {  	[tilespmem:s0], [sflag:$0x4] =	stream.indirect.gather [spmem:s2], $0x40, s8, s26, $0xb8;
	[tilespmem:$0x1E400] =	vst v63  }
0x126: {  	_ =	swait.ge [sflag:s5], $0x2000  }
0x127: {  	[sflag:s5] =	ssyncset.done $0x0  }
0x128: {  	s8 =	sadd.s32 $0x1680, s1;
	[sflag:s5] =	ssyncadd.s32 $0xFFFFE000  }
0x129: {  	[spmem:s3] =	stream.indirect.scatter.add.f32 [tilespmem:s28], [sflag:$0x6], $0x40, s8, s26, $0xb8;
	[tilespmem:$0x1E400] =	vst v63  }
0x12a: {  	_ =	swait.ge [sflag:s9], $0x2000  }
0x12b: {  	[sflag:s9] =	ssyncset.done $0x0  }
0x12c: {  	s8 =	sadd.s32 $0x400, s1;
	[sflag:s9] =	ssyncadd.s32 $0xFFFFE000  }
0x12d: {  	[tilespmem:s24], [sflag:$0x1] =	stream.indirect.gather [spmem:s2], $0x40, s8, s26, $0xb8;
	[tilespmem:$0x1E400] =	vst v63  }
0x12e: {  	_ =	swait.ge [sflag:s11], $0x2000  }
0x12f: {  	[sflag:s11] =	ssyncset.done $0x0  }
0x130: {  	s8 =	sadd.s32 $0x1700, s1;
	[sflag:s11] =	ssyncadd.s32 $0xFFFFE000  }
0x131: {  	[spmem:s3] =	stream.indirect.scatter.add.f32 [tilespmem:s30], [sflag:$0x7], $0x40, s8, s26, $0xb8;
	[tilespmem:$0x1E400] =	vst v63  }
0x132: {  	_ =	swait.ge [sflag:s13], $0x2000  }
0x133: {  	[sflag:s13] =	ssyncset.done $0x0  }
.Ltmp2:
0x134: {  	s8 =	sadd.s32 $0x480, s1;
	[sflag:s13] =	ssyncadd.s32 $0xFFFFE000;
	(pc) =	sbr.rel @p0 .LBB2_6-.Ltmp2, $4  }
0x135: {  	[tilespmem:s28], [sflag:$0x2] =	stream.indirect.gather [spmem:s2], $0x40, s8, s26, $0xb8;
	[tilespmem:$0x1E400] =	vst v63  }
0x136: {  	_ =	swait.ge [sflag:s15], $0x2000  }
0x137: {  	[sflag:s15] =	ssyncset.done $0x0  }
0x138: {  	s1 =	sadd.s32 $0x1780, s1;
	[sflag:s15] =	ssyncadd.s32 $0xFFFFE000  }
0x139: {  	[spmem:s3] =	stream.indirect.scatter.add.f32 [tilespmem:s0], [sflag:$0x8], $0x40, s1, s26, $0xb8;
	[tilespmem:$0x1E400] =	vst v63  }
0x13a: {  	_ =	swait.ge [sflag:s17], $0x2000  }
0x13b: {  	[sflag:s17] =	ssyncset.done $0x0  }
0x13c: {  	[sflag:s17] =	ssyncadd.s32 $0xFFFFE000  }
0x13d: {  	[tilespmem:s30], [sflag:$0x3] =	stream.indirect.gather [spmem:s2], $0x40, s19, s26, $0xb8;
	[tilespmem:$0x1E400] =	vst v63  }
0x13e: {  	_ =	swait.ge [sflag:s31], $0x2000  }
0x13f: {  	[sflag:s31] =	ssyncset.done $0x0  }
0x140: {  	[sflag:s31] =	ssyncadd.s32 $0xFFFFE000  }
0x141: {  	[spmem:s3] =	stream.indirect.scatter.add.f32 [tilespmem:s24], [sflag:$0x5], $0x40, s20, s26, $0xb8;
	[tilespmem:$0x1E400] =	vst v63  }
0x142: {  	_ =	swait.ge [sflag:s18], $0x2000  }
0x143: {  	[sflag:s18] =	ssyncset.done $0x0  }
0x144: {  	[sflag:s18] =	ssyncadd.s32 $0xFFFFE000  }
0x145: {  	[tilespmem:s0], [sflag:$0x4] =	stream.indirect.gather [spmem:s2], $0x40, s21, s26, $0xb8;
	[tilespmem:$0x1E400] =	vst v63  }
0x146: {  	_ =	swait.ge [sflag:s5], $0x2000  }
0x147: {  	[sflag:s5] =	ssyncset.done $0x0  }
0x148: {  	[sflag:s5] =	ssyncadd.s32 $0xFFFFE000  }
0x149: {  	[spmem:s3] =	stream.indirect.scatter.add.f32 [tilespmem:s28], [sflag:$0x6], $0x40, s22, s26, $0xb8;
	[tilespmem:$0x1E400] =	vst v63  }
0x14a: {  	_ =	swait.ge [sflag:s11], $0x2000  }
0x14b: {  	[sflag:s11] =	ssyncset.done $0x0  }
0x14c: {  	[sflag:s11] =	ssyncadd.s32 $0xFFFFE000  }
0x14d: {  	[spmem:s3] =	stream.indirect.scatter.add.f32 [tilespmem:s30], [sflag:$0x7], $0x40, s6, s26, $0xb8;
	[tilespmem:$0x1E400] =	vst v63  }
0x14e: {  	_ =	swait.ge [sflag:s15], $0x2000  }
0x14f: {  	[sflag:s15] =	ssyncset.done $0x0  }
0x150: {  	[sflag:s15] =	ssyncadd.s32 $0xFFFFE000  }
0x151: {  	[spmem:s3] =	stream.indirect.scatter.add.f32 [tilespmem:s0], [sflag:$0x8], $0x40, s7, s26, $0xb8;
	[tilespmem:$0x1E400] =	vst v63  }
0x152: {  	_ =	swait.ge [sflag:s9], $0x2000  }
0x153: {  	[sflag:s9] =	ssyncset.done $0x0  }
0x154: {  	[sflag:s9] =	ssyncadd.s32 $0xFFFFE000  }
0x155: {  	_ =	swait.ge [sflag:s13], $0x2000  }
0x156: {  	[sflag:s13] =	ssyncset.done $0x0  }
0x157: {  	[sflag:s13] =	ssyncadd.s32 $0xFFFFE000  }
0x158: {  	_ =	swait.ge [sflag:s17], $0x2000  }
0x159: {  	[sflag:s17] =	ssyncset.done $0x0  }
0x15a: {  	[sflag:s17] =	ssyncadd.s32 $0xFFFFE000  }
0x15b: {  	_ =	swait.ge [sflag:s18], $0x2000  }
0x15c: {  	[sflag:s18] =	ssyncset.done $0x0  }
0x15d: {  	s1 =	simm.s32 $0x0;
	s8 =	rddreg [dreg:$0xf];
	[sflag:s18] =	ssyncadd.s32 $0xFFFFE000  }
0x15e: {  	[tilespmem:s1], [sflag:$0x9] =	stream.linear.gather [hbm4b:s8+s1], $0x1400, $0x38;
	[tilespmem:$0x1E400] =	vst v63  }
0x15f: {  	_ =	swait.ge [sflag:s23], $0x1400  }
0x160: {  	[sflag:s23] =	ssyncset.done $0x0  }
0x161: {  	s8 =	rddreg [dreg:$0x10];
	[sflag:s23] =	ssyncadd.s32 $0xFFFFEC00  }
0x162: {  	[tilespmem:s25], [sflag:$0x9] =	stream.linear.gather [hbm4b:s8+s1], $0x1400, $0x38;
	[tilespmem:$0x1E400] =	vst v63  }
0x163: {  	_ =	swait.ge [sflag:s23], $0x1400  }
0x164: {  	[sflag:s23] =	ssyncset.done $0x0  }
0x165: {  	[sflag:s23] =	ssyncadd.s32 $0xFFFFEC00  }
0x166: {  	[tilespmem:s24], [sflag:$0x1] =	stream.indirect.gather [spmem:s2], $0x40, s1, s26, $0xb8;
	[tilespmem:$0x1E400] =	vst v63  }
0x167: {  	_ = 	snop  }
0x168: {  	[tilespmem:s28], [sflag:$0x2] =	stream.indirect.gather [spmem:s2], $0x40, s26, s26, $0xb8;
	[tilespmem:$0x1E400] =	vst v63  }
0x169: {  	s8 =	simm.s32 $0x100  }
0x16a: {  	[tilespmem:s30], [sflag:$0x3] =	stream.indirect.gather [spmem:s2], $0x40, s8, s26, $0xb8;
	[tilespmem:$0x1E400] =	vst v63  }
0x16b: {  	_ =	swait.ge [sflag:s31], $0x2000  }
0x16c: {  	[sflag:s31] =	ssyncset.done $0x0  }
0x16d: {  	[sflag:s31] =	ssyncadd.s32 $0xFFFFE000  }
0x16e: {  	[spmem:s3] =	stream.indirect.scatter.add.f32 [tilespmem:s24], [sflag:$0x5], $0x40, s25, s26, $0xb8;
	[tilespmem:$0x1E400] =	vst v63  }
0x16f: {  	s8 =	simm.s32 $0x180  }
0x170: {  	[tilespmem:s0], [sflag:$0x4] =	stream.indirect.gather [spmem:s2], $0x40, s8, s26, $0xb8;
	[tilespmem:$0x1E400] =	vst v63  }
0x171: {  	_ =	swait.ge [sflag:s5], $0x2000  }
0x172: {  	[sflag:s5] =	ssyncset.done $0x0  }
0x173: {  	s8 =	simm.s32 $0x1480;
	[sflag:s5] =	ssyncadd.s32 $0xFFFFE000  }
0x174: {  	[spmem:s3] =	stream.indirect.scatter.add.f32 [tilespmem:s28], [sflag:$0x6], $0x40, s8, s26, $0xb8;
	[tilespmem:$0x1E400] =	vst v63  }
0x175: {  	_ =	swait.ge [sflag:s9], $0x2000  }
0x176: {  	[sflag:s9] =	ssyncset.done $0x0  }
0x177: {  	s8 =	simm.s32 $0x200;
	[sflag:s9] =	ssyncadd.s32 $0xFFFFE000  }
0x178: {  	[tilespmem:s24], [sflag:$0x1] =	stream.indirect.gather [spmem:s2], $0x40, s8, s26, $0xb8;
	[tilespmem:$0x1E400] =	vst v63  }
0x179: {  	_ =	swait.ge [sflag:s11], $0x2000  }
0x17a: {  	[sflag:s11] =	ssyncset.done $0x0  }
0x17b: {  	[sflag:s11] =	ssyncadd.s32 $0xFFFFE000  }
0x17c: {  	[spmem:s3] =	stream.indirect.scatter.add.f32 [tilespmem:s30], [sflag:$0x7], $0x40, s12, s26, $0xb8;
	[tilespmem:$0x1E400] =	vst v63  }
0x17d: {  	_ =	swait.ge [sflag:s13], $0x2000  }
0x17e: {  	[sflag:s13] =	ssyncset.done $0x0  }
0x17f: {  	[sflag:s13] =	ssyncadd.s32 $0xFFFFE000  }
0x180: {  	[tilespmem:s28], [sflag:$0x2] =	stream.indirect.gather [spmem:s2], $0x40, s14, s26, $0xb8;
	[tilespmem:$0x1E400] =	vst v63  }
0x181: {  	_ =	swait.ge [sflag:s15], $0x2000  }
0x182: {  	[sflag:s15] =	ssyncset.done $0x0  }
0x183: {  	[sflag:s15] =	ssyncadd.s32 $0xFFFFE000  }
0x184: {  	[spmem:s3] =	stream.indirect.scatter.add.f32 [tilespmem:s0], [sflag:$0x8], $0x40, s16, s26, $0xb8;
	[tilespmem:$0x1E400] =	vst v63  }
0x185: {  	_ =	swait.ge [sflag:s17], $0x2000  }
0x186: {  	[sflag:s17] =	ssyncset.done $0x0  }
0x187: {  	s8 =	simm.s32 $0x300;
	[sflag:s17] =	ssyncadd.s32 $0xFFFFE000  }
0x188: {  	[tilespmem:s30], [sflag:$0x3] =	stream.indirect.gather [spmem:s2], $0x40, s8, s26, $0xb8;
	[tilespmem:$0x1E400] =	vst v63  }
0x189: {  	_ =	swait.ge [sflag:s31], $0x2000  }
0x18a: {  	[sflag:s31] =	ssyncset.done $0x0  }
0x18b: {  	s8 =	simm.s32 $0x1600;
	[sflag:s31] =	ssyncadd.s32 $0xFFFFE000  }
0x18c: {  	[spmem:s3] =	stream.indirect.scatter.add.f32 [tilespmem:s24], [sflag:$0x5], $0x40, s8, s26, $0xb8;
	[tilespmem:$0x1E400] =	vst v63  }
0x18d: {  	_ =	swait.ge [sflag:s18], $0x2000  }
0x18e: {  	[sflag:s18] =	ssyncset.done $0x0  }
0x18f: {  	s8 =	simm.s32 $0x380;
	[sflag:s18] =	ssyncadd.s32 $0xFFFFE000  }
0x190: {  	[tilespmem:s0], [sflag:$0x4] =	stream.indirect.gather [spmem:s2], $0x40, s8, s26, $0xb8;
	[tilespmem:$0x1E400] =	vst v63  }
0x191: {  	_ =	swait.ge [sflag:s5], $0x2000  }
0x192: {  	[sflag:s5] =	ssyncset.done $0x0  }
0x193: {  	s8 =	simm.s32 $0x1680;
	[sflag:s5] =	ssyncadd.s32 $0xFFFFE000  }
0x194: {  	[spmem:s3] =	stream.indirect.scatter.add.f32 [tilespmem:s28], [sflag:$0x6], $0x40, s8, s26, $0xb8;
	[tilespmem:$0x1E400] =	vst v63  }
0x195: {  	_ =	swait.ge [sflag:s9], $0x2000  }
0x196: {  	[sflag:s9] =	ssyncset.done $0x0  }
0x197: {  	s8 =	simm.s32 $0x400;
	[sflag:s9] =	ssyncadd.s32 $0xFFFFE000  }
0x198: {  	[tilespmem:s24], [sflag:$0x1] =	stream.indirect.gather [spmem:s2], $0x40, s8, s26, $0xb8;
	[tilespmem:$0x1E400] =	vst v63  }
0x199: {  	_ =	swait.ge [sflag:s11], $0x2000  }
0x19a: {  	[sflag:s11] =	ssyncset.done $0x0  }
0x19b: {  	s8 =	simm.s32 $0x1700;
	[sflag:s11] =	ssyncadd.s32 $0xFFFFE000  }
0x19c: {  	[spmem:s3] =	stream.indirect.scatter.add.f32 [tilespmem:s30], [sflag:$0x7], $0x40, s8, s26, $0xb8;
	[tilespmem:$0x1E400] =	vst v63  }
0x19d: {  	_ =	swait.ge [sflag:s13], $0x2000  }
0x19e: {  	[sflag:s13] =	ssyncset.done $0x0  }
0x19f: {  	s8 =	simm.s32 $0x480;
	[sflag:s13] =	ssyncadd.s32 $0xFFFFE000  }
0x1a0: {  	[tilespmem:s28], [sflag:$0x2] =	stream.indirect.gather [spmem:s2], $0x40, s8, s26, $0xb8;
	[tilespmem:$0x1E400] =	vst v63  }
0x1a1: {  	_ =	swait.ge [sflag:s15], $0x2000  }
0x1a2: {  	[sflag:s15] =	ssyncset.done $0x0  }
0x1a3: {  	s29 =	simm.s32 $0x800;
	s1 =	simm.s32 $0x1780;
	[sflag:s15] =	ssyncadd.s32 $0xFFFFE000  }
.LBB2_8:
0x1a4: {  	[spmem:s3] =	stream.indirect.scatter.add.f32 [tilespmem:s0], [sflag:$0x8], $0x40, s1, s26, $0xb8;
	[tilespmem:$0x1E400] =	vst v63  }
0x1a5: {  	s1 =	smov.u32 s29  }
0x1a6: {  	p0 =	sne.s32 s29, $0x3800;
	s29 =	sadd.s32 $0x800, s29;
	_ =	swait.ge [sflag:s17], $0x2000  }
0x1a7: {  	s1 =	sshra.s32 s1, $0x2;
	[sflag:s17] =	ssyncset.done $0x0  }
0x1a8: {  	s8 =	sadd.s32 $0x300, s1;
	[sflag:s17] =	ssyncadd.s32 $0xFFFFE000  }
0x1a9: {  	[tilespmem:s30], [sflag:$0x3] =	stream.indirect.gather [spmem:s2], $0x40, s8, s26, $0xb8;
	[tilespmem:$0x1E400] =	vst v63  }
0x1aa: {  	_ =	swait.ge [sflag:s31], $0x2000  }
0x1ab: {  	[sflag:s31] =	ssyncset.done $0x0  }
0x1ac: {  	s8 =	sadd.s32 $0x1600, s1;
	[sflag:s31] =	ssyncadd.s32 $0xFFFFE000  }
0x1ad: {  	[spmem:s3] =	stream.indirect.scatter.add.f32 [tilespmem:s24], [sflag:$0x5], $0x40, s8, s26, $0xb8;
	[tilespmem:$0x1E400] =	vst v63  }
0x1ae: {  	_ =	swait.ge [sflag:s18], $0x2000  }
0x1af: {  	[sflag:s18] =	ssyncset.done $0x0  }
0x1b0: {  	s8 =	sadd.s32 $0x380, s1;
	[sflag:s18] =	ssyncadd.s32 $0xFFFFE000  }
0x1b1: {  	[tilespmem:s0], [sflag:$0x4] =	stream.indirect.gather [spmem:s2], $0x40, s8, s26, $0xb8;
	[tilespmem:$0x1E400] =	vst v63  }
0x1b2: {  	_ =	swait.ge [sflag:s5], $0x2000  }
0x1b3: {  	[sflag:s5] =	ssyncset.done $0x0  }
0x1b4: {  	s8 =	sadd.s32 $0x1680, s1;
	[sflag:s5] =	ssyncadd.s32 $0xFFFFE000  }
0x1b5: {  	[spmem:s3] =	stream.indirect.scatter.add.f32 [tilespmem:s28], [sflag:$0x6], $0x40, s8, s26, $0xb8;
	[tilespmem:$0x1E400] =	vst v63  }
0x1b6: {  	_ =	swait.ge [sflag:s9], $0x2000  }
0x1b7: {  	[sflag:s9] =	ssyncset.done $0x0  }
0x1b8: {  	s8 =	sadd.s32 $0x400, s1;
	[sflag:s9] =	ssyncadd.s32 $0xFFFFE000  }
0x1b9: {  	[tilespmem:s24], [sflag:$0x1] =	stream.indirect.gather [spmem:s2], $0x40, s8, s26, $0xb8;
	[tilespmem:$0x1E400] =	vst v63  }
0x1ba: {  	_ =	swait.ge [sflag:s11], $0x2000  }
0x1bb: {  	[sflag:s11] =	ssyncset.done $0x0  }
0x1bc: {  	s8 =	sadd.s32 $0x1700, s1;
	[sflag:s11] =	ssyncadd.s32 $0xFFFFE000  }
0x1bd: {  	[spmem:s3] =	stream.indirect.scatter.add.f32 [tilespmem:s30], [sflag:$0x7], $0x40, s8, s26, $0xb8;
	[tilespmem:$0x1E400] =	vst v63  }
0x1be: {  	_ =	swait.ge [sflag:s13], $0x2000  }
0x1bf: {  	[sflag:s13] =	ssyncset.done $0x0  }
.Ltmp3:
0x1c0: {  	s8 =	sadd.s32 $0x480, s1;
	[sflag:s13] =	ssyncadd.s32 $0xFFFFE000;
	(pc) =	sbr.rel @p0 .LBB2_8-.Ltmp3, $4  }
0x1c1: {  	[tilespmem:s28], [sflag:$0x2] =	stream.indirect.gather [spmem:s2], $0x40, s8, s26, $0xb8;
	[tilespmem:$0x1E400] =	vst v63  }
0x1c2: {  	_ =	swait.ge [sflag:s15], $0x2000  }
0x1c3: {  	[sflag:s15] =	ssyncset.done $0x0  }
0x1c4: {  	s1 =	sadd.s32 $0x1780, s1;
	[sflag:s15] =	ssyncadd.s32 $0xFFFFE000  }
0x1c5: {  	[spmem:s3] =	stream.indirect.scatter.add.f32 [tilespmem:s0], [sflag:$0x8], $0x40, s1, s26, $0xb8;
	[tilespmem:$0x1E400] =	vst v63  }
0x1c6: {  	_ =	swait.ge [sflag:s17], $0x2000  }
0x1c7: {  	[sflag:s17] =	ssyncset.done $0x0  }
0x1c8: {  	[sflag:s17] =	ssyncadd.s32 $0xFFFFE000  }
0x1c9: {  	[tilespmem:s30], [sflag:$0x3] =	stream.indirect.gather [spmem:s2], $0x40, s19, s26, $0xb8;
	[tilespmem:$0x1E400] =	vst v63  }
0x1ca: {  	_ =	swait.ge [sflag:s31], $0x2000  }
0x1cb: {  	[sflag:s31] =	ssyncset.done $0x0  }
0x1cc: {  	[sflag:s31] =	ssyncadd.s32 $0xFFFFE000  }
0x1cd: {  	[spmem:s3] =	stream.indirect.scatter.add.f32 [tilespmem:s24], [sflag:$0x5], $0x40, s20, s26, $0xb8;
	[tilespmem:$0x1E400] =	vst v63  }
0x1ce: {  	_ =	swait.ge [sflag:s18], $0x2000  }
0x1cf: {  	[sflag:s18] =	ssyncset.done $0x0  }
0x1d0: {  	[sflag:s18] =	ssyncadd.s32 $0xFFFFE000  }
0x1d1: {  	[tilespmem:s0], [sflag:$0x4] =	stream.indirect.gather [spmem:s2], $0x40, s21, s26, $0xb8;
	[tilespmem:$0x1E400] =	vst v63  }
0x1d2: {  	_ =	swait.ge [sflag:s5], $0x2000  }
0x1d3: {  	[sflag:s5] =	ssyncset.done $0x0  }
0x1d4: {  	[sflag:s5] =	ssyncadd.s32 $0xFFFFE000  }
0x1d5: {  	[spmem:s3] =	stream.indirect.scatter.add.f32 [tilespmem:s28], [sflag:$0x6], $0x40, s22, s26, $0xb8;
	[tilespmem:$0x1E400] =	vst v63  }
0x1d6: {  	_ =	swait.ge [sflag:s11], $0x2000  }
0x1d7: {  	[sflag:s11] =	ssyncset.done $0x0  }
0x1d8: {  	[sflag:s11] =	ssyncadd.s32 $0xFFFFE000  }
0x1d9: {  	[spmem:s3] =	stream.indirect.scatter.add.f32 [tilespmem:s30], [sflag:$0x7], $0x40, s6, s26, $0xb8;
	[tilespmem:$0x1E400] =	vst v63  }
0x1da: {  	_ =	swait.ge [sflag:s15], $0x2000  }
0x1db: {  	[sflag:s15] =	ssyncset.done $0x0  }
0x1dc: {  	[sflag:s15] =	ssyncadd.s32 $0xFFFFE000  }
0x1dd: {  	[spmem:s3] =	stream.indirect.scatter.add.f32 [tilespmem:s0], [sflag:$0x8], $0x40, s7, s26, $0xb8;
	[tilespmem:$0x1E400] =	vst v63  }
0x1de: {  	_ =	swait.ge [sflag:s9], $0x2000  }
0x1df: {  	[sflag:s9] =	ssyncset.done $0x0  }
0x1e0: {  	[sflag:s9] =	ssyncadd.s32 $0xFFFFE000  }
0x1e1: {  	_ =	swait.ge [sflag:s13], $0x2000  }
0x1e2: {  	[sflag:s13] =	ssyncset.done $0x0  }
0x1e3: {  	[sflag:s13] =	ssyncadd.s32 $0xFFFFE000  }
0x1e4: {  	_ =	swait.ge [sflag:s17], $0x2000  }
0x1e5: {  	[sflag:s17] =	ssyncset.done $0x0  }
0x1e6: {  	[sflag:s17] =	ssyncadd.s32 $0xFFFFE000  }
0x1e7: {  	_ =	swait.ge [sflag:s18], $0x2000  }
0x1e8: {  	[sflag:s18] =	ssyncset.done $0x0  }
0x1e9: {  	s1 =	simm.s32 $0x0;
	s8 =	rddreg [dreg:$0x11];
	[sflag:s18] =	ssyncadd.s32 $0xFFFFE000  }
0x1ea: {  	[tilespmem:s1], [sflag:$0x9] =	stream.linear.gather [hbm4b:s8+s1], $0x1400, $0x38;
	[tilespmem:$0x1E400] =	vst v63  }
0x1eb: {  	_ =	swait.ge [sflag:s23], $0x1400  }
0x1ec: {  	[sflag:s23] =	ssyncset.done $0x0  }
0x1ed: {  	s8 =	rddreg [dreg:$0x12];
	[sflag:s23] =	ssyncadd.s32 $0xFFFFEC00  }
0x1ee: {  	[tilespmem:s25], [sflag:$0x9] =	stream.linear.gather [hbm4b:s8+s1], $0x1400, $0x38;
	[tilespmem:$0x1E400] =	vst v63  }
0x1ef: {  	_ =	swait.ge [sflag:s23], $0x1400  }
0x1f0: {  	[sflag:s23] =	ssyncset.done $0x0  }
0x1f1: {  	[sflag:s23] =	ssyncadd.s32 $0xFFFFEC00  }
0x1f2: {  	[tilespmem:s24], [sflag:$0x1] =	stream.indirect.gather [spmem:s2], $0x40, s1, s26, $0xb8;
	[tilespmem:$0x1E400] =	vst v63  }
0x1f3: {  	_ = 	snop  }
0x1f4: {  	[tilespmem:s28], [sflag:$0x2] =	stream.indirect.gather [spmem:s2], $0x40, s26, s26, $0xb8;
	[tilespmem:$0x1E400] =	vst v63  }
0x1f5: {  	s8 =	simm.s32 $0x100  }
0x1f6: {  	[tilespmem:s30], [sflag:$0x3] =	stream.indirect.gather [spmem:s2], $0x40, s8, s26, $0xb8;
	[tilespmem:$0x1E400] =	vst v63  }
0x1f7: {  	_ =	swait.ge [sflag:s31], $0x2000  }
0x1f8: {  	[sflag:s31] =	ssyncset.done $0x0  }
0x1f9: {  	[sflag:s31] =	ssyncadd.s32 $0xFFFFE000  }
0x1fa: {  	[spmem:s3] =	stream.indirect.scatter.add.f32 [tilespmem:s24], [sflag:$0x5], $0x40, s25, s26, $0xb8;
	[tilespmem:$0x1E400] =	vst v63  }
0x1fb: {  	s8 =	simm.s32 $0x180  }
0x1fc: {  	[tilespmem:s0], [sflag:$0x4] =	stream.indirect.gather [spmem:s2], $0x40, s8, s26, $0xb8;
	[tilespmem:$0x1E400] =	vst v63  }
0x1fd: {  	_ =	swait.ge [sflag:s5], $0x2000  }
0x1fe: {  	[sflag:s5] =	ssyncset.done $0x0  }
0x1ff: {  	s8 =	simm.s32 $0x1480;
	[sflag:s5] =	ssyncadd.s32 $0xFFFFE000  }
0x200: {  	[spmem:s3] =	stream.indirect.scatter.add.f32 [tilespmem:s28], [sflag:$0x6], $0x40, s8, s26, $0xb8;
	[tilespmem:$0x1E400] =	vst v63  }
0x201: {  	_ =	swait.ge [sflag:s9], $0x2000  }
0x202: {  	[sflag:s9] =	ssyncset.done $0x0  }
0x203: {  	s8 =	simm.s32 $0x200;
	[sflag:s9] =	ssyncadd.s32 $0xFFFFE000  }
0x204: {  	[tilespmem:s24], [sflag:$0x1] =	stream.indirect.gather [spmem:s2], $0x40, s8, s26, $0xb8;
	[tilespmem:$0x1E400] =	vst v63  }
0x205: {  	_ =	swait.ge [sflag:s11], $0x2000  }
0x206: {  	[sflag:s11] =	ssyncset.done $0x0  }
0x207: {  	[sflag:s11] =	ssyncadd.s32 $0xFFFFE000  }
0x208: {  	[spmem:s3] =	stream.indirect.scatter.add.f32 [tilespmem:s30], [sflag:$0x7], $0x40, s12, s26, $0xb8;
	[tilespmem:$0x1E400] =	vst v63  }
0x209: {  	_ =	swait.ge [sflag:s13], $0x2000  }
0x20a: {  	[sflag:s13] =	ssyncset.done $0x0  }
0x20b: {  	[sflag:s13] =	ssyncadd.s32 $0xFFFFE000  }
0x20c: {  	[tilespmem:s28], [sflag:$0x2] =	stream.indirect.gather [spmem:s2], $0x40, s14, s26, $0xb8;
	[tilespmem:$0x1E400] =	vst v63  }
0x20d: {  	_ =	swait.ge [sflag:s15], $0x2000  }
0x20e: {  	[sflag:s15] =	ssyncset.done $0x0  }
0x20f: {  	[sflag:s15] =	ssyncadd.s32 $0xFFFFE000  }
0x210: {  	[spmem:s3] =	stream.indirect.scatter.add.f32 [tilespmem:s0], [sflag:$0x8], $0x40, s16, s26, $0xb8;
	[tilespmem:$0x1E400] =	vst v63  }
0x211: {  	_ =	swait.ge [sflag:s17], $0x2000  }
0x212: {  	[sflag:s17] =	ssyncset.done $0x0  }
0x213: {  	s8 =	simm.s32 $0x300;
	[sflag:s17] =	ssyncadd.s32 $0xFFFFE000  }
0x214: {  	[tilespmem:s30], [sflag:$0x3] =	stream.indirect.gather [spmem:s2], $0x40, s8, s26, $0xb8;
	[tilespmem:$0x1E400] =	vst v63  }
0x215: {  	_ =	swait.ge [sflag:s31], $0x2000  }
0x216: {  	[sflag:s31] =	ssyncset.done $0x0  }
0x217: {  	s8 =	simm.s32 $0x1600;
	[sflag:s31] =	ssyncadd.s32 $0xFFFFE000  }
0x218: {  	[spmem:s3] =	stream.indirect.scatter.add.f32 [tilespmem:s24], [sflag:$0x5], $0x40, s8, s26, $0xb8;
	[tilespmem:$0x1E400] =	vst v63  }
0x219: {  	_ =	swait.ge [sflag:s18], $0x2000  }
0x21a: {  	[sflag:s18] =	ssyncset.done $0x0  }
0x21b: {  	s8 =	simm.s32 $0x380;
	[sflag:s18] =	ssyncadd.s32 $0xFFFFE000  }
0x21c: {  	[tilespmem:s0], [sflag:$0x4] =	stream.indirect.gather [spmem:s2], $0x40, s8, s26, $0xb8;
	[tilespmem:$0x1E400] =	vst v63  }
0x21d: {  	_ =	swait.ge [sflag:s5], $0x2000  }
0x21e: {  	[sflag:s5] =	ssyncset.done $0x0  }
0x21f: {  	s8 =	simm.s32 $0x1680;
	[sflag:s5] =	ssyncadd.s32 $0xFFFFE000  }
0x220: {  	[spmem:s3] =	stream.indirect.scatter.add.f32 [tilespmem:s28], [sflag:$0x6], $0x40, s8, s26, $0xb8;
	[tilespmem:$0x1E400] =	vst v63  }
0x221: {  	_ =	swait.ge [sflag:s9], $0x2000  }
0x222: {  	[sflag:s9] =	ssyncset.done $0x0  }
0x223: {  	s8 =	simm.s32 $0x400;
	[sflag:s9] =	ssyncadd.s32 $0xFFFFE000  }
0x224: {  	[tilespmem:s24], [sflag:$0x1] =	stream.indirect.gather [spmem:s2], $0x40, s8, s26, $0xb8;
	[tilespmem:$0x1E400] =	vst v63  }
0x225: {  	_ =	swait.ge [sflag:s11], $0x2000  }
0x226: {  	[sflag:s11] =	ssyncset.done $0x0  }
0x227: {  	s8 =	simm.s32 $0x1700;
	[sflag:s11] =	ssyncadd.s32 $0xFFFFE000  }
0x228: {  	[spmem:s3] =	stream.indirect.scatter.add.f32 [tilespmem:s30], [sflag:$0x7], $0x40, s8, s26, $0xb8;
	[tilespmem:$0x1E400] =	vst v63  }
0x229: {  	_ =	swait.ge [sflag:s13], $0x2000  }
0x22a: {  	[sflag:s13] =	ssyncset.done $0x0  }
0x22b: {  	s8 =	simm.s32 $0x480;
	[sflag:s13] =	ssyncadd.s32 $0xFFFFE000  }
0x22c: {  	[tilespmem:s28], [sflag:$0x2] =	stream.indirect.gather [spmem:s2], $0x40, s8, s26, $0xb8;
	[tilespmem:$0x1E400] =	vst v63  }
0x22d: {  	_ =	swait.ge [sflag:s15], $0x2000  }
0x22e: {  	[sflag:s15] =	ssyncset.done $0x0  }
0x22f: {  	s29 =	simm.s32 $0x800;
	s1 =	simm.s32 $0x1780;
	[sflag:s15] =	ssyncadd.s32 $0xFFFFE000  }
.LBB2_10:
0x230: {  	[spmem:s3] =	stream.indirect.scatter.add.f32 [tilespmem:s0], [sflag:$0x8], $0x40, s1, s26, $0xb8;
	[tilespmem:$0x1E400] =	vst v63  }
0x231: {  	s1 =	smov.u32 s29  }
0x232: {  	p0 =	sne.s32 s29, $0x3800;
	s29 =	sadd.s32 $0x800, s29;
	_ =	swait.ge [sflag:s17], $0x2000  }
0x233: {  	s1 =	sshra.s32 s1, $0x2;
	[sflag:s17] =	ssyncset.done $0x0  }
0x234: {  	s8 =	sadd.s32 $0x300, s1;
	[sflag:s17] =	ssyncadd.s32 $0xFFFFE000  }
0x235: {  	[tilespmem:s30], [sflag:$0x3] =	stream.indirect.gather [spmem:s2], $0x40, s8, s26, $0xb8;
	[tilespmem:$0x1E400] =	vst v63  }
0x236: {  	_ =	swait.ge [sflag:s31], $0x2000  }
0x237: {  	[sflag:s31] =	ssyncset.done $0x0  }
0x238: {  	s8 =	sadd.s32 $0x1600, s1;
	[sflag:s31] =	ssyncadd.s32 $0xFFFFE000  }
0x239: {  	[spmem:s3] =	stream.indirect.scatter.add.f32 [tilespmem:s24], [sflag:$0x5], $0x40, s8, s26, $0xb8;
	[tilespmem:$0x1E400] =	vst v63  }
0x23a: {  	_ =	swait.ge [sflag:s18], $0x2000  }
0x23b: {  	[sflag:s18] =	ssyncset.done $0x0  }
0x23c: {  	s8 =	sadd.s32 $0x380, s1;
	[sflag:s18] =	ssyncadd.s32 $0xFFFFE000  }
0x23d: {  	[tilespmem:s0], [sflag:$0x4] =	stream.indirect.gather [spmem:s2], $0x40, s8, s26, $0xb8;
	[tilespmem:$0x1E400] =	vst v63  }
0x23e: {  	_ =	swait.ge [sflag:s5], $0x2000  }
0x23f: {  	[sflag:s5] =	ssyncset.done $0x0  }
0x240: {  	s8 =	sadd.s32 $0x1680, s1;
	[sflag:s5] =	ssyncadd.s32 $0xFFFFE000  }
0x241: {  	[spmem:s3] =	stream.indirect.scatter.add.f32 [tilespmem:s28], [sflag:$0x6], $0x40, s8, s26, $0xb8;
	[tilespmem:$0x1E400] =	vst v63  }
0x242: {  	_ =	swait.ge [sflag:s9], $0x2000  }
0x243: {  	[sflag:s9] =	ssyncset.done $0x0  }
0x244: {  	s8 =	sadd.s32 $0x400, s1;
	[sflag:s9] =	ssyncadd.s32 $0xFFFFE000  }
0x245: {  	[tilespmem:s24], [sflag:$0x1] =	stream.indirect.gather [spmem:s2], $0x40, s8, s26, $0xb8;
	[tilespmem:$0x1E400] =	vst v63  }
0x246: {  	_ =	swait.ge [sflag:s11], $0x2000  }
0x247: {  	[sflag:s11] =	ssyncset.done $0x0  }
0x248: {  	s8 =	sadd.s32 $0x1700, s1;
	[sflag:s11] =	ssyncadd.s32 $0xFFFFE000  }
0x249: {  	[spmem:s3] =	stream.indirect.scatter.add.f32 [tilespmem:s30], [sflag:$0x7], $0x40, s8, s26, $0xb8;
	[tilespmem:$0x1E400] =	vst v63  }
0x24a: {  	_ =	swait.ge [sflag:s13], $0x2000  }
0x24b: {  	[sflag:s13] =	ssyncset.done $0x0  }
.Ltmp4:
0x24c: {  	s8 =	sadd.s32 $0x480, s1;
	[sflag:s13] =	ssyncadd.s32 $0xFFFFE000;
	(pc) =	sbr.rel @p0 .LBB2_10-.Ltmp4, $4  }
0x24d: {  	[tilespmem:s28], [sflag:$0x2] =	stream.indirect.gather [spmem:s2], $0x40, s8, s26, $0xb8;
	[tilespmem:$0x1E400] =	vst v63  }
0x24e: {  	_ =	swait.ge [sflag:s15], $0x2000  }
0x24f: {  	[sflag:s15] =	ssyncset.done $0x0  }
0x250: {  	s1 =	sadd.s32 $0x1780, s1;
	[sflag:s15] =	ssyncadd.s32 $0xFFFFE000  }
0x251: {  	[spmem:s3] =	stream.indirect.scatter.add.f32 [tilespmem:s0], [sflag:$0x8], $0x40, s1, s26, $0xb8;
	[tilespmem:$0x1E400] =	vst v63  }
0x252: {  	_ =	swait.ge [sflag:s17], $0x2000  }
0x253: {  	[sflag:s17] =	ssyncset.done $0x0  }
0x254: {  	[sflag:s17] =	ssyncadd.s32 $0xFFFFE000  }
0x255: {  	[tilespmem:s30], [sflag:$0x3] =	stream.indirect.gather [spmem:s2], $0x40, s19, s26, $0xb8;
	[tilespmem:$0x1E400] =	vst v63  }
0x256: {  	_ =	swait.ge [sflag:s31], $0x2000  }
0x257: {  	[sflag:s31] =	ssyncset.done $0x0  }
0x258: {  	[sflag:s31] =	ssyncadd.s32 $0xFFFFE000  }
0x259: {  	[spmem:s3] =	stream.indirect.scatter.add.f32 [tilespmem:s24], [sflag:$0x5], $0x40, s20, s26, $0xb8;
	[tilespmem:$0x1E400] =	vst v63  }
0x25a: {  	_ =	swait.ge [sflag:s18], $0x2000  }
0x25b: {  	[sflag:s18] =	ssyncset.done $0x0  }
0x25c: {  	[sflag:s18] =	ssyncadd.s32 $0xFFFFE000  }
0x25d: {  	[tilespmem:s0], [sflag:$0x4] =	stream.indirect.gather [spmem:s2], $0x40, s21, s26, $0xb8;
	[tilespmem:$0x1E400] =	vst v63  }
0x25e: {  	_ =	swait.ge [sflag:s5], $0x2000  }
0x25f: {  	[sflag:s5] =	ssyncset.done $0x0  }
0x260: {  	[sflag:s5] =	ssyncadd.s32 $0xFFFFE000  }
0x261: {  	[spmem:s3] =	stream.indirect.scatter.add.f32 [tilespmem:s28], [sflag:$0x6], $0x40, s22, s26, $0xb8;
	[tilespmem:$0x1E400] =	vst v63  }
0x262: {  	_ =	swait.ge [sflag:s11], $0x2000  }
0x263: {  	[sflag:s11] =	ssyncset.done $0x0  }
0x264: {  	[sflag:s11] =	ssyncadd.s32 $0xFFFFE000  }
0x265: {  	[spmem:s3] =	stream.indirect.scatter.add.f32 [tilespmem:s30], [sflag:$0x7], $0x40, s6, s26, $0xb8;
	[tilespmem:$0x1E400] =	vst v63  }
0x266: {  	_ =	swait.ge [sflag:s15], $0x2000  }
0x267: {  	[sflag:s15] =	ssyncset.done $0x0  }
0x268: {  	[sflag:s15] =	ssyncadd.s32 $0xFFFFE000  }
0x269: {  	[spmem:s3] =	stream.indirect.scatter.add.f32 [tilespmem:s0], [sflag:$0x8], $0x40, s7, s26, $0xb8;
	[tilespmem:$0x1E400] =	vst v63  }
0x26a: {  	_ =	swait.ge [sflag:s9], $0x2000  }
0x26b: {  	[sflag:s9] =	ssyncset.done $0x0  }
0x26c: {  	[sflag:s9] =	ssyncadd.s32 $0xFFFFE000  }
0x26d: {  	_ =	swait.ge [sflag:s13], $0x2000  }
0x26e: {  	[sflag:s13] =	ssyncset.done $0x0  }
0x26f: {  	[sflag:s13] =	ssyncadd.s32 $0xFFFFE000  }
0x270: {  	_ =	swait.ge [sflag:s17], $0x2000  }
0x271: {  	[sflag:s17] =	ssyncset.done $0x0  }
0x272: {  	[sflag:s17] =	ssyncadd.s32 $0xFFFFE000  }
0x273: {  	_ =	swait.ge [sflag:s18], $0x2000  }
0x274: {  	[sflag:s18] =	ssyncset.done $0x0  }
0x275: {  	[sflag:s18] =	ssyncadd.s32 $0xFFFFE000  }
0x276: {  	[bflag:$0x0] =	sbarrier.arrive $0xFFFF  }
0x277: {  	s8 =	rddreg [dreg:$0x6]  }
0x278: {  	s1 =	sshrl.u32 s8, $0x3;
	s8 =	rddreg [dreg:$0x13]  }
0x279: {  	[hbm:s8], [sflag:s10] =	dma.local [spmem:s1], $0x13C0  }
0x27a: {  	_ =	swait.ge [sflag:s23], $0x13C0  }
0x27b: {  	s29 =	smov.u32 s10;
	s4 =	sadd.s32 $0x1, s4;
	s10 =	rddreg [dreg:$0x14]  }
0x27c: {  	p0 =	sne.s32 s4, s10  }
.Ltmp5:
0x27d: {  	_ = 	snop;
	(pc) =	sbr.rel @p0 .LBB2_1-.Ltmp5, $3  }
0x27e: {  	_ =	sdelay $0x1  }
0x27f: {  	[sflag:s23] =	ssyncset.done $0x0  }
0x280: {  	[sflag:s23] =	ssyncadd.s32 $0xFFFFEC40  }
0x281: {  	_ =	sfence.sel $0x180000  }
0x282: {  	[bflag:$0x0] =	sbarrier.arrive $0xFFFF  }
0x283: {  	_ =	strace $0x9000004A  }
0x284: {  	s0 =	stileid.u32;
	[bflag:$0x2] =	sbarrier.arrive $0xFFFF  }
0x285: {  	p0 =	sne.s32 s0, $0x0;
	s0 =	rddreg [dreg:$0x4]  }
0x286: {  	s0 =	sadd.s32 @!p0 $0x100000, s0  }
0x287: {  	[sflag:s0] =	ssyncadd.tile.s32 @!p0 $0x1;
	_ =	shalt  }
.Lfunc_end2:
_tile_overlayer_lowered:
.L_overlay_start_2:
0x288: {  	(tag) =	ssettag $0x2  }
0x289: {  	s0 =	rddreg [dreg:$0x0];
	s2 =	stileid.u32  }
0x28a: {  	s1 =	rddreg [dreg:$0x1];
	p0 =	sne.s32 s2, $0x0  }
0x28b: {  	s3 =	rddreg [dreg:$0x2];
	[bflag:$0x3] =	sbarrier.arrive $0xFFFF;
	s2 =	simm.s32 @!p0 $0x1C09  }
0x28c: {  	[timem:s3], [sflag:s2] =	dma.local @!p0 [hbm:s0], s1  }
0x28d: {  	s0 =	simm.s32 @!p0 $0x9  }
0x28e: {  	_ =	swait.ge @!p0 [sflag:s0], s1  }
0x28f: {  	s1 =	ssub.s32 @!p0 $0x0, s1;
	[sflag:s0] =	ssyncset.done @!p0 $0x0  }
0x290: {  	[sflag:s0] =	ssyncadd.s32 @!p0 s1  }
0x291: {  	[bflag:$0x3] =	sbarrier.arrive $0xFFFF  }
0x292: {  	_ =	shalt  }

// kernel: kernel.7.cloned.1.call-start
scs
__scs_entry_jumppad:
0x0: {  	(pc) =	sbr.rel $0x88, $3  }
0x1: {  	(tag) =	ssettag $0x0;
	lr =	simm.s32 $0x1  }
0x2: {  	[smem:$0x3F9B] =	sst lr;
	_ =	strace $0xD0000000  }
0x3: {  	_ = 	snop  }
0x4: {  	_ = 	snop  }
0x5: {  	_ = 	snop  }
0x6: {  	_ = 	snop  }
0x7: {  	_ = 	snop  }
__scs_overlays_trampoline_lowered:
0x8: {  	[smem:$0x3FAA] =	sst s0  }
0x9: {  	[smem:$0x3FAB] =	sst s1  }
0xa: {  	[smem:$0x3FAC] =	sst s2  }
0xb: {  	[smem:$0x3FAD] =	sst s3  }
0xc: {  	[smem:$0x3FAE] =	sst s4  }
0xd: {  	[smem:$0x3FAF] =	sst s5  }
0xe: {  	[smem:$0x3FB0] =	sst s6  }
0xf: {  	[smem:$0x3FB1] =	sst s7  }
0x10: {  	[smem:$0x3FB2] =	sst s8  }
0x11: {  	[smem:$0x3FB3] =	sst s9;
	s0 =	simm.s32 @!p0 $0x0  }
0x12: {  	s1 =	sld [smem:$0x3F99];
	s0 =	simm.s32 @p0 $0x1  }
0x13: {  	[smem:$0x3FB4] =	sst s0;
	s0 =	simm.s32 @!p1 $0x0  }
0x14: {  	s2 =	sld [smem:$0x3F98];
	s0 =	simm.s32 @p1 $0x1  }
0x15: {  	[smem:$0x3FB5] =	sst s0;
	s0 =	simm.s32 @!p2 $0x0  }
0x16: {  	s3 =	sld [smem:$0x3FDB];
	s0 =	simm.s32 @p2 $0x1  }
0x17: {  	s4 =	simm.s32 $0x1BF5;
	[smem:$0x3FB7] =	sst s0  }
0x18: {  	s0 =	sld [smem:$0x3F9A];
	_ =	swait.ge [sflag:s4], $0x0  }
0x19: {  	s7 =	sld [smem:$0x3F9B]  }
0x1a: {  	s8 =	sadd.s32 $0xFFFFE003, lr  }
0x1b: {  	s9 =	sadd.s32 $0xFFFFFEF7, lr;
	s5 =	simm.s32 $0xFFFFFFFF;
	p2 =	slt.u32 s8, $0xFFFFF086  }
0x1c: {  	p1 =	slt.u32 s9, $0xF7A;
	s5 =	simm.s32 @!p2 $0x0  }
0x1d: {  	s5 =	simm.s32 @p1 $0x1;
	p0 =	seq.s32 s7, s2  }
0x1e: {  	s7 =	smul.u32 @!p0 $0xF7A, s2;
	p2 =	seq.s32 @!p0 s5, $0x0  }
0x1f: {  	s9 =	smul.u32 $0xF7A, s1;
	s8 =	simm.s32 @!p0 $0x1BF5;
	p2 =	por !p2, p0  }
0x20: {  	[sflag:s8] =	ssyncset.s32 @!p0 $0xFFFFF086;
	s6 =	sadd.s32 @!p0 s3, s7;
	s7 =	simm.s32 @!p0 $0x108  }
0x21: {  	s3 =	sadd.s32 s3, s9;
	s6 =	sadd.s32 @!p0 $0x88, s6;
	s7 =	simm.s32 @p2 $0x1082  }
0x22: {  	[simem:s7], [sflag:s8] =	dma.local @!p0 [hbm:s6], $0xF7A  }
0x23: {  	s9 =	sor.u32 $0xD0000000, s2;
	s6 =	simm.s32 $0x108;
	_ =	swait.ge @!p0 [sflag:s8], $0x0  }
0x24: {  	s3 =	sadd.s32 $0x88, s3;
	s6 =	simm.s32 @!p1 $0x1082;
	[sflag:s4] =	ssyncset.s32 $0xFFFFF086  }
0x25: {  	[simem:s6], [sflag:s4] =	dma.local [hbm:s3], $0xF7A  }
0x26: {  	[smem:$0x3F9B] =	sst s1;
	(tag) =	ssettag s2;
	_ =	strace s9  }
0x27: {  	s1 =	sld [smem:$0x3FAB]  }
0x28: {  	s2 =	sld [smem:$0x3FAC]  }
0x29: {  	s4 =	sld [smem:$0x3FAE]  }
0x2a: {  	p0 =	seq.s32 s5, $0x0;
	s5 =	sld [smem:$0x3FAF]  }
0x2b: {  	s6 =	sld [smem:$0x3FB0]  }
0x2c: {  	s7 =	sld [smem:$0x3FB1]  }
0x2d: {  	s3 =	simm.s32 $0x108;
	s8 =	sld [smem:$0x3FB2]  }
0x2e: {  	s3 =	simm.s32 @!p0 $0x1082;
	s9 =	sld [smem:$0x3FB3]  }
0x2f: {  	lr =	sadd.s32 s0, s3;
	s0 =	sld [smem:$0x3FAA]  }
0x30: {  	s3 =	sld [smem:$0x3FAD]  }
0x31: {  	[smem:$0x3FB6] =	sst s10  }
0x32: {  	s10 =	sld [smem:$0x3FB4];
	_ =	sdelay $0x3  }
0x33: {  	p0 =	seq.s32 s10, $0x1;
	s10 =	sld [smem:$0x3FB6];
	_ =	sdelay $0x3  }
0x34: {  	[smem:$0x3FB6] =	sst s10  }
0x35: {  	s10 =	sld [smem:$0x3FB5];
	_ =	sdelay $0x3  }
0x36: {  	p1 =	seq.s32 s10, $0x1;
	s10 =	sld [smem:$0x3FB6];
	_ =	sdelay $0x3  }
0x37: {  	[smem:$0x3FB6] =	sst s10  }
0x38: {  	s10 =	sld [smem:$0x3FB7]  }
0x39: {  	_ = 	snop;
	(pc) =	sbr.ind lr, $3  }
0x3a: {  	_ = 	snop  }
0x3b: {  	_ = 	snop  }
0x3c: {  	p2 =	seq.s32 s10, $0x1;
	s10 =	sld [smem:$0x3FB6]  }
0x3d: {  	_ =	shalt  }
0x3e: {  	_ =	shalt  }
0x3f: {  	_ =	shalt  }
0x40: {  	_ =	shalt  }
0x41: {  	_ =	shalt  }
0x42: {  	_ =	shalt  }
0x43: {  	_ =	shalt  }
0x44: {  	_ =	shalt  }
0x45: {  	_ =	shalt  }
0x46: {  	_ =	shalt  }
0x47: {  	_ =	shalt  }
0x48: {  	_ =	shalt  }
0x49: {  	_ =	shalt  }
0x4a: {  	_ =	shalt  }
0x4b: {  	_ =	shalt  }
0x4c: {  	_ =	shalt  }
0x4d: {  	_ =	shalt  }
0x4e: {  	_ =	shalt  }
0x4f: {  	_ =	shalt  }
0x50: {  	_ =	shalt  }
0x51: {  	_ =	shalt  }
0x52: {  	_ =	shalt  }
0x53: {  	_ =	shalt  }
0x54: {  	_ =	shalt  }
0x55: {  	_ =	shalt  }
0x56: {  	_ =	shalt  }
0x57: {  	_ =	shalt  }
0x58: {  	_ =	shalt  }
0x59: {  	_ =	shalt  }
0x5a: {  	_ =	shalt  }
0x5b: {  	_ =	shalt  }
0x5c: {  	_ =	shalt  }
0x5d: {  	_ =	shalt  }
0x5e: {  	_ =	shalt  }
0x5f: {  	_ =	shalt  }
0x60: {  	_ =	shalt  }
0x61: {  	_ =	shalt  }
0x62: {  	_ =	shalt  }
0x63: {  	_ =	shalt  }
0x64: {  	_ =	shalt  }
0x65: {  	_ =	shalt  }
0x66: {  	_ =	shalt  }
0x67: {  	_ =	shalt  }
0x68: {  	_ =	shalt  }
0x69: {  	_ =	shalt  }
0x6a: {  	_ =	shalt  }
0x6b: {  	_ =	shalt  }
0x6c: {  	_ =	shalt  }
0x6d: {  	_ =	shalt  }
0x6e: {  	_ =	shalt  }
0x6f: {  	_ =	shalt  }
0x70: {  	_ =	shalt  }
0x71: {  	_ =	shalt  }
0x72: {  	_ =	shalt  }
0x73: {  	_ =	shalt  }
0x74: {  	_ =	shalt  }
0x75: {  	_ =	shalt  }
0x76: {  	_ =	shalt  }
0x77: {  	_ =	shalt  }
0x78: {  	_ =	shalt  }
0x79: {  	_ =	shalt  }
0x7a: {  	_ =	shalt  }
0x7b: {  	_ =	shalt  }
0x7c: {  	_ =	shalt  }
0x7d: {  	_ =	shalt  }
0x7e: {  	_ =	shalt  }
0x7f: {  	_ =	shalt  }
0x80: {  	_ =	shalt  }
0x81: {  	_ =	shalt  }
0x82: {  	_ =	shalt  }
0x83: {  	_ =	shalt  }
0x84: {  	_ =	shalt  }
0x85: {  	_ =	shalt  }
0x86: {  	_ =	shalt  }
0x87: {  	_ =	shalt  }
.Lfunc_end0:
.L_simem_size_0:
called_computation_lowered:
.L_overlay_start_0:
0x88: {  	s2 =	sld [smem:$0x3FD9]  }
0x89: {  	s3 =	sld [smem:$0x3FFE];
	_ =	sdelay $0x1  }
0x8a: {  	s1 =	srdreg.scid  }
0x8b: {  	s0 =	sand.u32 $0x1, s1  }
0x8c: {  	s17 =	sshll.u32 s0, $0xA;
	s2 =	sadd.s32 s3, s2  }
0x8d: {  	s2 =	sadd.s32 s2, s17  }
0x8e: {  	[smem:$0x3FC2] =	sst s2  }
0x8f: {  	_ = 	snop  }
0x90: {  	s2 =	sld [smem:$0x3FD0];
	(tm) =	ssettm $0x1  }
0x91: {  	s18 =	sld [smem:$0x3FFB];
	_ =	sdelay $0x3  }
0x92: {  	_ =	strace s18  }
0x93: {  	s3 =	sld [smem:$0x3FFC];
	_ =	sdelay $0x3  }
0x94: {  	_ =	strace s3  }
0x95: {  	s3 =	sld [smem:$0x3FFD];
	_ =	sdelay $0x3  }
0x96: {  	_ =	strace s3  }
0x97: {  	_ =	strace $0x8FFFFFFF  }
0x98: {  	s19 =	sld [smem:$0x3FDB];
	_ =	sdelay $0x1  }
0x99: {  	s4 =	simm.s32 $_scs_section_size  }
0x9a: {  	s5 =	simm.s32 $_size__tile_overlayer_lowered;
	s6 =	simm.s32 $_tile_overlayer_lowered  }
0x9b: {  	s22 =	simm.s32 $0x1BFF;
	s21 =	sshll.u32 s6, $0x1;
	s3 =	sadd.s32 s4, s19  }
0x9c: {  	s7 =	simm.s32 $0x0;
	s20 =	sshll.u32 s5, $0x1;
	s5 =	sadd.s32 s21, s3  }
0x9d: {  	[timem:s7], [sflag:s22] =	dma.local [hbm:s5], s20  }
0x9e: {  	_ =	swait.ge [sflag:s22], s20  }
0x9f: {  	s4 =	ssub.s32 $0x0, s20;
	[sflag:s22] =	ssyncset.done $0x0  }
0xa0: {  	[sflag:s22] =	ssyncadd.s32 s4;
	_ =	sdelay $0x1  }
0xa1: {  	s23 =	simm.s32 $0x1B8B  }
0xa2: {  	_ =	swait.ge [sflag:s23], $0x1  }
0xa3: {  	[sflag:s23] =	ssyncset.done $0x0  }
0xa4: {  	s25 =	simm.s32 $0x1B8E;
	s24 =	sld [smem:$0x3FFE];
	[sflag:s23] =	ssyncadd.s32 $0xFFFFFFFF  }
0xa5: {  	s26 =	simm.s32 $execute0_lowered;
	[smem:$0x3FD2] =	sst s25  }
0xa6: {  	s5 =	sshll.u32 s26, $0x1;
	_ =	strace $0x80000046;
	[dreg:$0x1] =	wrdreg $0xFFFFFFFF  }
0xa7: {  	s28 =	simm.s32 $_size_execute0_lowered;
	s3 =	sadd.s32 s3, s5;
	[dreg:$0x0] =	wrdreg $0x0  }
0xa8: {  	s5 =	sshll.u32 s28, $0x1;
	[dreg:$0x2] =	wrdreg s3  }
0xa9: {  	[dreg:$0x3] =	wrdreg s5  }
0xaa: {  	[dreg:$0x4] =	wrdreg $0xC0  }
0xab: {  	_ =	task [dreg:s7], $0x5FFFF  }
0xac: {  	[dreg:$0x1] =	wrdreg $0xFFFFFFFF  }
0xad: {  	[dreg:$0x0] =	wrdreg $0x60  }
0xae: {  	[dreg:$0x2] =	wrdreg s2  }
0xaf: {  	[dreg:$0x3] =	wrdreg s24  }
0xb0: {  	[dreg:$0x4] =	wrdreg $0x38000  }
0xb1: {  	[dreg:$0x5] =	wrdreg $0x9  }
0xb2: {  	_ =	task.clear_ibuf [dreg:s7], $0x6FFFF;
	_ =	strace $0x90000046  }
0xb3: {  	s29 =	simm.s32 $0x9;
	_ =	strace $0x80000048  }
0xb4: {  	_ =	swait.ge [sflag:s29], $0x1  }
0xb5: {  	[sflag:s29] =	ssyncadd.s32 $0xFFFFFFFF  }
0xb6: {  	_ =	strace $0x90000048  }
0xb7: {  	_ =	sfence  }
0xb8: {  	s30 =	sld [smem:$0x0];
	_ =	sdelay $0x2  }
0xb9: {  	s31 =	sshll.u32 s1, $0xD;
	s1 =	sshrl.u32 s1, $0x2  }
0xba: {  	s3 =	sand.u32 $0x4000, s31;
	s1 =	sadd.s32 s1, s30  }
0xbb: {  	s0 =	sor.u32 s3, s0;
	s1 =	sshll.u32 s1, $0x11  }
0xbc: {  	s0 =	sor.u32 s1, s0  }
0xbd: {  	s0 =	sadd.s32 $0x8F2B, s0  }
0xbe: {  	[sflag:s0] =	ssyncadd.remote.s32 $0x1  }
0xbf: {  	_ =	sfence.sel $0xFFFF  }
0xc0: {  	[dreg:$0x0] =	wrdreg $0xFFFFFFFF;
	(pc) =	sbr.abs _section_cstart, $3  }
0xc1: {  	[dreg:$0x1] =	wrdreg $0xFFFFFFFF  }
0xc2: {  	_ =	task.clear_ibuf [dreg:s7], $0x2FFFF;
	_ =	strace $0x9FFFFFFF  }
0xc3: {  	(tm) =	ssettm $0x7FFFFFFF  }
tec
execute0_lowered:
.L_overlay_start_1:
0x0: {  	(tag) =	ssettag $0x1  }
0x1: {  	s5 =	rddreg [dreg:$0x0]  }
0x2: {  	s4 =	rddreg [dreg:$0x1]  }
0x3: {  	s1 =	rddreg [dreg:$0x2];
	s2 =	srdreg.scid  }
0x4: {  	s0 =	rddreg [dreg:$0x3];
	s3 =	simm.s32 $0x0;
	s12 =	simm.s32 $0x3000  }
0x5: {  	s13 =	simm.s32 $0x2;
	s14 =	simm.s32 $0x80;
	s6 =	sand.u32 $0x1, s2  }
0x6: {  	s15 =	simm.s32 $0x2800;
	s2 =	stileid.u32;
	s7 =	smul.u32 $0x28000, s6  }
0x7: {  	s16 =	simm.s32 $0x1;
	[smem:$0x7FF] =	sst s3;
	s8 =	smul.u32 $0x2800, s2  }
0x8: {  	_ =	strace $0x80000047;
	s9 =	sshll.u32 s6, $0x4;
	s10 =	smul.u32 $0xA000, s2  }
0x9: {  	s6 =	ssub.s32 $0x2, s6;
	s17 =	sshll.u32 s2, $0x6;
	s9 =	sor.u32 s2, s9  }
0xa: {  	s31 =	sshrl.u32 s6, $0x1;
	s17 =	sor.u32 $0x1C02, s17;
	s7 =	sadd.s32 s8, s7  }
0xb: {  	s9 =	smul.u32 $0x500, s9;
	s10 =	sshrl.u32 s10, $0x2;
	s18 =	sadd.s32 s8, s1  }
0xc: {  	s11 =	ssub.s32 s6, s31;
	s7 =	sshrl.u32 s7, $0x3;
	s18 =	sshrl.u32 s18, $0x3  }
0xd: {  	s7 =	sadd.s32 s7, s4;
	s4 =	sadd.s32 s10, s1;
	s5 =	sadd.s32 s5, s9  }
0xe: {  	s6 =	sadd.s32 $0x1200, s7;
	s7 =	smax.u32 s11, $0x1;
	s8 =	sadd.s32 $0x800, s4  }
0xf: {  	v0 =	vimm.f32 $1.000000000e+00;
	v1 =	vimm.f32 $0.0e+00;
	s9 =	sadd.s32 $0x1000, s4;
	s10 =	sadd.s32 $0x1800, s4;
	s11 =	sadd.s32 $0x2000, s4  }
.LBB2_1:
0x10: {  	s19 =	simm.s32 $0x40;
	s20 =	simm.s32 $0x0  }
.LBB2_2:
0x11: {  	p0 =	sne.s32 s19, $0x1FC0;
	[tilespmem:s20+$0x2800] =	vst v0;
	s21 =	smov.u32 s19;
	s19 =	sadd.s32 $0x40, s19  }
.Ltmp0:
0x12: {  	[tilespmem:s20+$0x3000] =	vst v1;
	(pc) =	sbr.rel @p0 .LBB2_2-.Ltmp0, $2  }
0x13: {  	_ =	sdelay $0x2  }
0x14: {  	s20 =	sshra.s32 s21, $0x2  }
0x15: {  	[tilespmem:s20+$0x2800] =	vst v0  }
0x16: {  	[tilespmem:s20+$0x3000] =	vst v1  }
0x17: {  	[spmem:s4] =	stream.linear.scatter [tilespmem:s12], [sflag:$0x2], $0x800, $0x38;
	[tilespmem:$0x6000] =	vst v63  }
0x18: {  	_ =	swait.ge [sflag:s13], $0x800  }
0x19: {  	[sflag:s13] =	ssyncset.done $0x0  }
0x1a: {  	[sflag:s13] =	ssyncadd.s32 $0xFFFFF800  }
0x1b: {  	[spmem:s8] =	stream.linear.scatter [tilespmem:s12], [sflag:$0x2], $0x800, $0x38;
	[tilespmem:$0x6000] =	vst v63  }
0x1c: {  	_ =	swait.ge [sflag:s13], $0x800  }
0x1d: {  	[sflag:s13] =	ssyncset.done $0x0  }
0x1e: {  	[sflag:s13] =	ssyncadd.s32 $0xFFFFF800  }
0x1f: {  	[spmem:s9] =	stream.linear.scatter [tilespmem:s12], [sflag:$0x2], $0x800, $0x38;
	[tilespmem:$0x6000] =	vst v63  }
0x20: {  	_ =	swait.ge [sflag:s13], $0x800  }
0x21: {  	[sflag:s13] =	ssyncset.done $0x0  }
0x22: {  	[sflag:s13] =	ssyncadd.s32 $0xFFFFF800  }
0x23: {  	[spmem:s10] =	stream.linear.scatter [tilespmem:s12], [sflag:$0x2], $0x800, $0x38;
	[tilespmem:$0x6000] =	vst v63  }
0x24: {  	_ =	swait.ge [sflag:s13], $0x800  }
0x25: {  	[sflag:s13] =	ssyncset.done $0x0  }
0x26: {  	[sflag:s13] =	ssyncadd.s32 $0xFFFFF800  }
0x27: {  	[spmem:s11] =	stream.linear.scatter [tilespmem:s12], [sflag:$0x2], $0x800, $0x38;
	[tilespmem:$0x6000] =	vst v63  }
0x28: {  	_ =	swait.ge [sflag:s13], $0x800  }
0x29: {  	[sflag:s13] =	ssyncset.done $0x0  }
0x2a: {  	s19 =	simm.s32 $0x0;
	[sflag:s13] =	ssyncadd.s32 $0xFFFFF800  }
0x2b: {  	[tilespmem:s19], [sflag:$0x2] =	stream.linear.gather [hbm4b:s5+s19], $0x2800, $0x38;
	[tilespmem:$0x6000] =	vst v63  }
0x2c: {  	_ =	swait.ge [sflag:s13], $0x2800  }
0x2d: {  	[sflag:s13] =	ssyncset.done $0x0  }
0x2e: {  	[sflag:s13] =	ssyncadd.s32 $0xFFFFD800  }
0x2f: {  	[bflag:$0x0] =	sbarrier.arrive $0xFFFF  }
.LBB2_4:
0x30: {  	p0 =	sne.s32 s19, $0x9E00  }
.Ltmp1:
0x31: {  	_ = 	snop;
	(pc) =	sbr.rel @p0 .LBB2_4-.Ltmp1, $3  }
0x32: {  	_ =	sdelay $0x1  }
0x33: {  	s20 =	sshra.s32 s19, $0x2;
	s19 =	sadd.s32 $0x200, s19  }
0x34: {  	[spmem:s1] =	stream.indirect.scatter.add.f32 [tilespmem:s15], [sflag:$0x1], $0x10, s20, s14, $0xb8;
	[tilespmem:$0x6000] =	vst v63  }
0x35: {  	_ =	swait.ge [sflag:s16], $0x800  }
0x36: {  	s19 =	simm.s32 $0x4F;
	[sflag:s16] =	ssyncset.done $0x0  }
.LBB2_6:
0x37: {  	p0 =	sne.s32 s19, $0x1;
	s19 =	sadd.s32 $0xFFFFFFFF, s19;
	[sflag:s16] =	ssyncadd.s32 $0xFFFFF800  }
.Ltmp2:
0x38: {  	(pc) =	sbr.rel @p0 .LBB2_6-.Ltmp2, $3  }
0x39: {  	_ =	sdelay $0x1  }
0x3a: {  	_ =	swait.ge [sflag:s16], $0x800  }
0x3b: {  	[sflag:s16] =	ssyncset.done $0x0  }
0x3c: {  	s3 =	sadd.s32 $0x1, s3  }
0x3d: {  	[sflag:s16] =	ssyncadd.s32 $0xFFFFF800;
	p0 =	sne.s32 s3, s7  }
.Ltmp3:
0x3e: {  	[bflag:$0x0] =	sbarrier.arrive $0xFFFF;
	(pc) =	sbr.rel @p0 .LBB2_1-.Ltmp3, $4  }
0x3f: {  	[hbm:s6], [sflag:s17] =	dma.local [spmem:s18], $0x500  }
0x40: {  	_ =	swait.ge [sflag:s13], $0x500  }
0x41: {  	[sflag:s13] =	ssyncset.done $0x0  }
0x42: {  	[sflag:s13] =	ssyncadd.s32 $0xFFFFFB00  }
0x43: {  	_ =	sfence.sel $0x180000  }
0x44: {  	[bflag:$0x0] =	sbarrier.arrive $0xFFFF  }
0x45: {  	p0 =	sne.s32 s2, $0x0;
	_ =	strace $0x90000047  }
0x46: {  	s0 =	sadd.s32 @!p0 $0x100000, s0;
	[bflag:$0x2] =	sbarrier.arrive $0xFFFF  }
0x47: {  	[sflag:s0] =	ssyncadd.tile.s32 @!p0 $0x1;
	_ =	shalt  }
.Lfunc_end2:
_tile_overlayer_lowered:
.L_overlay_start_2:
0x48: {  	(tag) =	ssettag $0x2  }
0x49: {  	s0 =	rddreg [dreg:$0x0];
	s2 =	stileid.u32  }
0x4a: {  	s1 =	rddreg [dreg:$0x1];
	p0 =	sne.s32 s2, $0x0  }
0x4b: {  	s3 =	rddreg [dreg:$0x2];
	[bflag:$0x3] =	sbarrier.arrive $0xFFFF;
	s2 =	simm.s32 @!p0 $0x1C02  }
0x4c: {  	[timem:s3], [sflag:s2] =	dma.local @!p0 [hbm:s0], s1  }
0x4d: {  	s0 =	simm.s32 @!p0 $0x2  }
0x4e: {  	_ =	swait.ge @!p0 [sflag:s0], s1  }
0x4f: {  	s1 =	ssub.s32 @!p0 $0x0, s1;
	[sflag:s0] =	ssyncset.done @!p0 $0x0  }
0x50: {  	[sflag:s0] =	ssyncadd.s32 @!p0 s1  }
0x51: {  	[bflag:$0x3] =	sbarrier.arrive $0xFFFF  }
0x52: {  	_ =	shalt  }

</sc_bundles>
